<compile_context>
chip_gen: v7x
topology: tpu7x:2x2x1
jax: 0.10.2.dev20260603
libtpu: 0.0.44.dev20260713+nightly
codegen_flags: <defaults>
</compile_context>

<pallas_src>
import functools

import jax
import jax.numpy as jnp
from jax import lax
from jax.experimental import pallas as pl
from jax.experimental.pallas import tpu as pltpu
from jax.experimental.pallas import tpu_sc as plsc

N_NODES = 10000
F = 64
N_GRAPHS = 64
E_RAW = 320000

NC = 2
NS = 16
NW = NC * NS
CHUNK = 128
N_CHUNKS = E_RAW // CHUNK
RING = 78
EXTRA0 = NW * RING
N_PAD = 10240
STRIPE = N_PAD // NS
DEG_W = 16
NBUF = 3
ROWS_BLK = 2560

_HIGH = lax.Precision.HIGHEST


def _mesh():
    return plsc.VectorSubcoreMesh(core_axis_name="c", subcore_axis_name="s")


_SC_PARAMS = pltpu.CompilerParams(use_tc_tiling_on_sc=False)


def _load_idx(idx_hbm, idx_v, wid):
    pltpu.sync_copy(idx_hbm.at[pl.ds(wid * RING, RING)], idx_v.at[pl.ds(0, RING)])

    @pl.when(wid < N_CHUNKS - EXTRA0)
    def _extra():
        pltpu.sync_copy(idx_hbm.at[pl.ds(EXTRA0 + wid, 1)], idx_v.at[pl.ds(RING, 1)])


def _sc_degree(edges3):

    @functools.partial(
        pl.kernel,
        out_type=jax.ShapeDtypeStruct((N_PAD, 2 * F), jnp.float32),
        mesh=_mesh(),
        scratch_types=[
            pltpu.VMEM((RING + 1, 2, CHUNK), jnp.int32),
            pltpu.VMEM((CHUNK, DEG_W), jnp.float32),
            pltpu.VMEM_SHARED((N_PAD, DEG_W), jnp.float32),
            pltpu.SemaphoreType.DMA,
            pltpu.SemaphoreType.DMA,
        ],
        compiler_params=_SC_PARAMS,
    )
    def deg_kernel(dst_hbm, out_hbm, dst_v, buf_v, acc_sh, sem, isem):
        cid = lax.axis_index("c")
        sid = lax.axis_index("s")
        wid = sid * NC + cid

        pltpu.async_copy(dst_hbm.at[pl.ds(wid * RING, RING)],
                         dst_v.at[pl.ds(0, RING)], isem)

        @pl.loop(0, CHUNK)
        def _zero_row(r):
            buf_v[r, pl.ds(0, DEG_W)] = jnp.zeros((DEG_W,), jnp.float32)

        @pl.loop(0, STRIPE // CHUNK)
        def _zero_stripe(i):
            pltpu.async_copy(buf_v, acc_sh.at[pl.ds(sid * STRIPE + i * CHUNK, CHUNK)],
                             sem)

        @pl.loop(0, STRIPE // CHUNK)
        def _zero_drain(i):
            pltpu.make_async_copy(
                buf_v, acc_sh.at[pl.ds(sid * STRIPE + i * CHUNK, CHUNK)], sem).wait()

        @pl.loop(0, CHUNK)
        def _ones_row(r):
            buf_v[r, pl.ds(0, DEG_W)] = jnp.ones((DEG_W,), jnp.float32)

        pltpu.make_async_copy(dst_hbm.at[pl.ds(wid * RING, RING)],
                              dst_v.at[pl.ds(0, RING)], isem).wait()

        @pl.when(wid < N_CHUNKS - EXTRA0)
        def _extra_idx():
            pltpu.sync_copy(dst_hbm.at[pl.ds(EXTRA0 + wid, 1)],
                            dst_v.at[pl.ds(RING, 1)])
        plsc.subcore_barrier()

        @pl.loop(0, RING)
        def _chunk(c):
            pltpu.sync_copy(buf_v, acc_sh.at[dst_v.at[c, 1]], add=True)

        @pl.when(wid < N_CHUNKS - EXTRA0)
        def _extra():
            pltpu.sync_copy(buf_v, acc_sh.at[dst_v.at[RING, 1]], add=True)

        plsc.subcore_barrier()
        pltpu.sync_copy(
            acc_sh.at[pl.ds(sid * STRIPE, STRIPE)],
            out_hbm.at[pl.ds(sid * STRIPE, STRIPE), pl.ds(cid * F, DEG_W)],
        )

    return deg_kernel(edges3)


def _sc_aggregate(y, edges3):

    @functools.partial(
        pl.kernel,
        out_type=jax.ShapeDtypeStruct((N_PAD, 2 * F), jnp.float32),
        mesh=_mesh(),
        scratch_types=[
            pltpu.VMEM((RING + 1, 2, CHUNK), jnp.int32),
            pltpu.VMEM((CHUNK, F), jnp.float32),
            pltpu.VMEM((CHUNK, F), jnp.float32),
            pltpu.VMEM((CHUNK, F), jnp.float32),
            pltpu.VMEM_SHARED((N_PAD, F), jnp.float32),
            pltpu.VMEM_SHARED((N_PAD, F), jnp.float32),
            pltpu.SemaphoreType.DMA,
            pltpu.SemaphoreType.DMA,
            pltpu.SemaphoreType.DMA,
            pltpu.SemaphoreType.DMA,
        ],
        compiler_params=_SC_PARAMS,
    )
    def agg_kernel(y_hbm, e_hbm, out_hbm, ei_v,
                   r0, r1, r2, acc_sh, ytab_sh,
                   g0, g1, g2, ssem):
        cid = lax.axis_index("c")
        sid = lax.axis_index("s")
        wid = sid * NC + cid
        rows = (r0, r1, r2)
        gsem = (g0, g1, g2)
        groups = RING // NBUF

        pltpu.async_copy(e_hbm.at[pl.ds(wid * RING, RING)],
                         ei_v.at[pl.ds(0, RING)], g0)
        pltpu.async_copy(y_hbm.at[pl.ds(sid * STRIPE, STRIPE), pl.ds(0, F)],
                         ytab_sh.at[pl.ds(sid * STRIPE, STRIPE)], g1)

        @pl.loop(0, CHUNK)
        def _zero_row(r):
            @pl.loop(0, F, step=16)
            def _zero_lane(c0):
                r0[r, pl.ds(c0, 16)] = jnp.zeros((16,), jnp.float32)

        @pl.loop(0, STRIPE // CHUNK)
        def _zero_stripe(i):
            pltpu.async_copy(r0, acc_sh.at[pl.ds(sid * STRIPE + i * CHUNK, CHUNK)],
                             ssem)

        @pl.loop(0, STRIPE // CHUNK)
        def _zero_drain(i):
            pltpu.make_async_copy(
                r0, acc_sh.at[pl.ds(sid * STRIPE + i * CHUNK, CHUNK)], ssem).wait()

        pltpu.make_async_copy(e_hbm.at[pl.ds(wid * RING, RING)],
                              ei_v.at[pl.ds(0, RING)], g0).wait()

        @pl.when(wid < N_CHUNKS - EXTRA0)
        def _extra_idx():
            pltpu.sync_copy(e_hbm.at[pl.ds(EXTRA0 + wid, 1)],
                            ei_v.at[pl.ds(RING, 1)])

        pltpu.make_async_copy(y_hbm.at[pl.ds(sid * STRIPE, STRIPE), pl.ds(0, F)],
                              ytab_sh.at[pl.ds(sid * STRIPE, STRIPE)], g1).wait()
        plsc.subcore_barrier()

        for b in range(NBUF):
            pltpu.async_copy(ytab_sh.at[ei_v.at[b, 0]], rows[b], gsem[b])

        @pl.loop(0, groups)
        def _grp(g):
            c0 = g * NBUF
            for b in range(NBUF):
                c = c0 + b
                pltpu.make_async_copy(ytab_sh.at[ei_v.at[c, 0]], rows[b], gsem[b]).wait()
                pltpu.async_copy(rows[b], acc_sh.at[ei_v.at[c, 1]], ssem, add=True)

            @pl.when(g < groups - 1)
            def _refill():
                for b in range(NBUF):
                    c = c0 + b
                    pltpu.make_async_copy(rows[b], acc_sh.at[ei_v.at[c, 1]], ssem).wait()
                    pltpu.async_copy(ytab_sh.at[ei_v.at[c + NBUF, 0]], rows[b], gsem[b])

        for b in range(NBUF):
            c = (groups - 1) * NBUF + b
            pltpu.make_async_copy(rows[b], acc_sh.at[ei_v.at[c, 1]], ssem).wait()

        @pl.when(wid < N_CHUNKS - EXTRA0)
        def _tail():
            pltpu.sync_copy(ytab_sh.at[ei_v.at[RING, 0]], r0)
            pltpu.sync_copy(r0, acc_sh.at[ei_v.at[RING, 1]], add=True)

        plsc.subcore_barrier()
        pltpu.sync_copy(
            acc_sh.at[pl.ds(sid * STRIPE, STRIPE)],
            out_hbm.at[pl.ds(sid * STRIPE, STRIPE), pl.ds(cid * F, F)],
        )

    return agg_kernel(y, edges3)


def _tc_mm1(xp, W1):

    def body(x_ref, w_ref, o_ref):
        o_ref[...] = jnp.dot(
            x_ref[...], w_ref[...],
            preferred_element_type=jnp.float32, precision=_HIGH,
        )

    return pl.pallas_call(
        body,
        grid=(N_PAD // ROWS_BLK,),
        in_specs=[
            pl.BlockSpec((ROWS_BLK, 128), lambda i: (i, 0)),
            pl.BlockSpec((128, F), lambda i: (0, 0)),
        ],
        out_specs=pl.BlockSpec((ROWS_BLK, F), lambda i: (i, 0)),
        out_shape=jax.ShapeDtypeStruct((N_PAD, F), jnp.float32),
    )(xp, W1)


def _tc_prep(deg2, xw1):

    def body(deg_ref, xw_ref, dinv_ref, y_ref):
        deg = deg_ref[...]
        dtot = deg[:, 0:DEG_W] + deg[:, F:F + DEG_W] + 1.0
        dinv = lax.rsqrt(dtot)
        dinv_ref[...] = dinv
        y_ref[:, 0:F] = xw_ref[...] * dinv[:, 0:1]

    return pl.pallas_call(
        body,
        grid=(N_PAD // ROWS_BLK,),
        in_specs=[
            pl.BlockSpec((ROWS_BLK, 2 * F), lambda i: (i, 0)),
            pl.BlockSpec((ROWS_BLK, F), lambda i: (i, 0)),
        ],
        out_specs=(
            pl.BlockSpec((ROWS_BLK, DEG_W), lambda i: (i, 0)),
            pl.BlockSpec((ROWS_BLK, 2 * F), lambda i: (i, 0)),
        ),
        out_shape=(
            jax.ShapeDtypeStruct((N_PAD, DEG_W), jnp.float32),
            jax.ShapeDtypeStruct((N_PAD, 2 * F), jnp.float32),
        ),
    )(deg2, xw1)


def _tc_layer(agg, y, dinv16, b, Wn):

    def body(agg_ref, y_ref, dinv_ref, b_ref, w_ref, x_ref, ynext_ref):
        dinv = dinv_ref[...][:, 0:1]
        a = agg_ref[...]
        yv = y_ref[...][:, 0:F]
        x = jnp.maximum((a[:, 0:F] + a[:, F:] + yv) * dinv + b_ref[...], 0.0)
        x_ref[...] = x
        ynext_ref[:, 0:F] = dinv * jnp.dot(
            x, w_ref[...], preferred_element_type=jnp.float32, precision=_HIGH
        )

    return pl.pallas_call(
        body,
        grid=(N_PAD // ROWS_BLK,),
        in_specs=[
            pl.BlockSpec((ROWS_BLK, 2 * F), lambda i: (i, 0)),
            pl.BlockSpec((ROWS_BLK, 2 * F), lambda i: (i, 0)),
            pl.BlockSpec((ROWS_BLK, DEG_W), lambda i: (i, 0)),
            pl.BlockSpec((1, F), lambda i: (0, 0)),
            pl.BlockSpec((F, F), lambda i: (0, 0)),
        ],
        out_specs=(
            pl.BlockSpec((ROWS_BLK, F), lambda i: (i, 0)),
            pl.BlockSpec((ROWS_BLK, 2 * F), lambda i: (i, 0)),
        ),
        out_shape=(
            jax.ShapeDtypeStruct((N_PAD, F), jnp.float32),
            jax.ShapeDtypeStruct((N_PAD, 2 * F), jnp.float32),
        ),
    )(agg, y, dinv16, b, Wn)


def _tc_final(agg, y, dinv16, b, x1, x2, segf, Wl, bl):

    nsteps = N_PAD // ROWS_BLK

    def body(agg_ref, y_ref, dinv_ref, b_ref, x1_ref, x2_ref, seg_ref,
             wl_ref, bl_ref, o_ref, sums_acc, counts_acc):
        i = pl.program_id(0)
        dinv = dinv_ref[...][:, 0:1]
        a = agg_ref[...]
        yv = y_ref[...][:, 0:F]
        x3 = jnp.maximum((a[:, 0:F] + a[:, F:] + yv) * dinv + b_ref[...], 0.0)
        xm = (x1_ref[...] + x2_ref[...] + x3) * (1.0 / 3.0)
        gids = lax.broadcasted_iota(jnp.int32, (ROWS_BLK, N_GRAPHS), 1)
        sel = (seg_ref[...] == gids).astype(jnp.float32)
        part = lax.dot_general(
            sel, xm, (((0,), (0,)), ((), ())),
            preferred_element_type=jnp.float32, precision=_HIGH,
        )
        pcnt = jnp.sum(sel, axis=0, keepdims=True)

        @pl.when(i == 0)
        def _init():
            sums_acc[...] = part
            counts_acc[...] = pcnt

        @pl.when(i > 0)
        def _accum():
            sums_acc[...] += part
            counts_acc[...] += pcnt

        @pl.when(i == nsteps - 1)
        def _fin():
            pooled = sums_acc[...] / jnp.maximum(counts_acc[...], 1.0).reshape(
                N_GRAPHS, 1)
            logits = jnp.dot(
                pooled, wl_ref[...],
                preferred_element_type=jnp.float32, precision=_HIGH,
            ) + bl_ref[...]
            m = jnp.max(logits, axis=1, keepdims=True)
            e = jnp.exp(logits - m)
            o_ref[...] = e / jnp.sum(e, axis=1, keepdims=True)

    return pl.pallas_call(
        body,
        grid=(nsteps,),
        in_specs=[
            pl.BlockSpec((ROWS_BLK, 2 * F), lambda i: (i, 0)),
            pl.BlockSpec((ROWS_BLK, 2 * F), lambda i: (i, 0)),
            pl.BlockSpec((ROWS_BLK, DEG_W), lambda i: (i, 0)),
            pl.BlockSpec((1, F), lambda i: (0, 0)),
            pl.BlockSpec((ROWS_BLK, F), lambda i: (i, 0)),
            pl.BlockSpec((ROWS_BLK, F), lambda i: (i, 0)),
            pl.BlockSpec((ROWS_BLK, 1), lambda i: (i, 0)),
            pl.BlockSpec((F, 10), lambda i: (0, 0)),
            pl.BlockSpec((1, 10), lambda i: (0, 0)),
        ],
        out_specs=pl.BlockSpec((N_GRAPHS, 10), lambda i: (0, 0)),
        out_shape=jax.ShapeDtypeStruct((N_GRAPHS, 10), jnp.float32),
        scratch_shapes=[
            pltpu.VMEM((N_GRAPHS, N_GRAPHS), jnp.float32),
            pltpu.VMEM((1, N_GRAPHS), jnp.float32),
        ],
    )(agg, y, dinv16, b, x1, x2, segf, Wl, bl)


def kernel(X, L, batch, W1, b1, W2, b2, W3, b3, Wl, bl):
    x = X[0]
    seg = batch[0].astype(jnp.int32)

    xp = jnp.pad(x, ((0, N_PAD - N_NODES), (0, 0)))
    edges3 = jnp.transpose(
        L[0].astype(jnp.int32).reshape(2, N_CHUNKS, CHUNK), (1, 0, 2))
    segf = jnp.concatenate(
        [seg, jnp.full((N_PAD - N_NODES,), -1, jnp.int32)]
    ).reshape(N_PAD, 1)

    deg2 = _sc_degree(edges3)
    xw1 = _tc_mm1(xp, W1)
    dinv16, y1 = _tc_prep(deg2, xw1)

    agg1 = _sc_aggregate(y1, edges3)
    x1, y2 = _tc_layer(agg1, y1, dinv16, b1.reshape(1, F), W2)
    agg2 = _sc_aggregate(y2, edges3)
    x2, y3 = _tc_layer(agg2, y2, dinv16, b2.reshape(1, F), W3)
    agg3 = _sc_aggregate(y3, edges3)
    return _tc_final(agg3, y3, dinv16, b3.reshape(1, F), x1, x2, segf,
                     Wl, bl.reshape(1, 10))

# --- scband reference (transcript-rebuilt; emitter-appended) ---
"""Pipeline reference for scband-gcn-38929583571058 (READ-ONLY COPY).

The authoritative reference and input builder live on the scoring server;
editing this copy changes nothing except your own understanding.
"""

import jax, jax.numpy as jnp
import numpy as np

N_NODES = 10000
N_EDGES = 320000
D_IN = 128
F_SIZE = 64
D_OUT = 10
N_GRAPHS = 64


def setup_inputs(seed: int = 0) -> dict:
    key = jax.random.key(seed)
    ks = jax.random.split(key, 12)
    X = jax.random.normal(ks[0], (1, N_NODES, D_IN), dtype=jnp.float32)
    L = jax.random.randint(ks[1], (1, 2, N_EDGES), 0, N_NODES, dtype=jnp.int64)
    batch = jnp.sort(jax.random.randint(ks[2], (1, N_NODES), 0, N_GRAPHS, dtype=jnp.int64), axis=-1)
    def glorot(k, shp):
        lim = float(np.sqrt(6.0 / (shp[0] + shp[1])))
        return jax.random.uniform(k, shp, dtype=jnp.float32, minval=-lim, maxval=lim)
    W1 = glorot(ks[3], (D_IN, F_SIZE)); b1 = jnp.zeros((F_SIZE,), jnp.float32)
    W2 = glorot(ks[4], (F_SIZE, F_SIZE)); b2 = jnp.zeros((F_SIZE,), jnp.float32)
    W3 = glorot(ks[5], (F_SIZE, F_SIZE)); b3 = jnp.zeros((F_SIZE,), jnp.float32)
    Wl = glorot(ks[6], (F_SIZE, D_OUT)); bl = jnp.zeros((D_OUT,), jnp.float32)
    return {"X": X, "L": L, "batch": batch,
            "W1": W1, "b1": b1, "W2": W2, "b2": b2,
            "W3": W3, "b3": b3, "Wl": Wl, "bl": bl}


def _gcn_conv(x, src, dst, W, b):
    # PyG-style GCNConv: add self-loops, symmetric normalization, aggregate.
    n = x.shape[0]
    loop = jnp.arange(n, dtype=src.dtype)
    src2 = jnp.concatenate([src, loop])
    dst2 = jnp.concatenate([dst, loop])
    xw = x @ W
    deg = jax.ops.segment_sum(jnp.ones_like(dst2, dtype=xw.dtype), dst2, num_segments=n)
    dinv = jnp.where(deg > 0, jax.lax.rsqrt(deg), 0.0)
    norm = dinv[src2] * dinv[dst2]
    msgs = xw[src2] * norm[:, None]
    out = jax.ops.segment_sum(msgs, dst2, num_segments=n)
    return out + b


def reference(X, L, batch, W1, b1, W2, b2, W3, b3, Wl, bl):
    adjacency = L[0]
    features = X[0]
    seg = batch[0]
    src = adjacency[0]
    dst = adjacency[1]
    x1 = jax.nn.relu(_gcn_conv(features, src, dst, W1, b1))
    x2 = jax.nn.relu(_gcn_conv(x1, src, dst, W2, b2))
    x3 = jax.nn.relu(_gcn_conv(x2, src, dst, W3, b3))
    xm = (x1 + x2 + x3) / 3.0
    sums = jax.ops.segment_sum(xm, seg, num_segments=N_GRAPHS)
    counts = jax.ops.segment_sum(jnp.ones((xm.shape[0],), xm.dtype), seg, num_segments=N_GRAPHS)
    pooled = sums / jnp.clip(counts, 1.0)[:, None]
    logits = pooled @ Wl + bl
    return jax.nn.softmax(logits, axis=1)

if __name__ == "__main__":
    import jax
    _d = setup_inputs()
    print(jax.jit(kernel)(*tuple(_d.values())))

</pallas_src>

<mosaic_0001>
#map = affine_map<(d0, d1) -> (0, 0, 0)>
#map1 = affine_map<(d0, d1) -> (0, 0)>
module attributes {stable_mosaic.version = 14 : i64} {
  func.func @deg_kernel(%arg0: i32, %arg1: i32, %arg2: memref<2500x2x128xi32, #tpu.memory_space<hbm>>, %arg3: memref<10240x128xf32, #tpu.memory_space<hbm>>, %arg4: memref<79x2x128xi32, #tpu.memory_space<vmem>>, %arg5: memref<128x16xf32, #tpu.memory_space<vmem>>, %arg6: memref<10240x16xf32, #tpu.memory_space<vmem_shared>>, %arg7: memref<!tpu.dma_semaphore, #tpu.memory_space<semaphore_mem>>, %arg8: memref<!tpu.dma_semaphore, #tpu.memory_space<semaphore_mem>>) attributes {dimension_semantics = [#tpu.dimension_semantics<core_parallel>, #tpu.dimension_semantics<subcore_parallel>], iteration_bounds = array<i64: 2, 16>, scalar_prefetch = 0 : i64, scratch_operands = 5 : i64, tpu.core_type = #tpu.core_type<sc_vector_subcore>, window_params = [{transform_indices = #map}, {transform_indices = #map1}]} {
    %mul3A = arith.constant 2 : i32
    %mul3A_0 = arith.muli %arg1, %mul3A : i32
    %add3A = arith.addi %mul3A_0, %arg0 : i32
    %mul3A_1 = arith.constant 78 : i32
    %mul3A_2 = arith.muli %add3A, %mul3A_1 : i32
    %dma_start3A = arith.constant 0 : i32
    %dma_start3A_3 = arith.constant 0 : i32
    %dma_start3A_4 = arith.constant 0 : i32
    %dma_start3A_5 = tpu.memref_slice %arg4[%dma_start3A, %dma_start3A_3, %dma_start3A_4] : memref<79x2x128xi32, #tpu.memory_space<vmem>> -> memref<78x2x128xi32, #tpu.memory_space<vmem>>
    %dma_start3A_6 = arith.constant 0 : i32
    %dma_start3A_7 = arith.constant 0 : i32
    %dma_start3A_8 = tpu.memref_slice %arg2[%mul3A_2, %dma_start3A_6, %dma_start3A_7] : memref<2500x2x128xi32, #tpu.memory_space<hbm>> -> memref<78x2x128xi32, #tpu.memory_space<hbm>>
    %dma_start3A_9 = arith.constant 0 : i32
    %dma_start3A_10 = arith.constant 0 : i32
    %dma_start3A_11 = arith.constant 0 : i32
    %dma_start3A_12 = tpu.memref_slice %arg4[%dma_start3A_9, %dma_start3A_10, %dma_start3A_11] : memref<79x2x128xi32, #tpu.memory_space<vmem>> -> memref<78x2x128xi32, #tpu.memory_space<vmem>>
    %dma_start3A_13 = arith.constant 0 : i32
    %dma_start3A_14 = arith.constant 0 : i32
    %dma_start3A_15 = tpu.memref_slice %arg2[%mul3A_2, %dma_start3A_13, %dma_start3A_14] : memref<2500x2x128xi32, #tpu.memory_space<hbm>> -> memref<78x2x128xi32, #tpu.memory_space<hbm>>
    tpu.enqueue_dma source(%dma_start3A_15 : memref<78x2x128xi32, #tpu.memory_space<hbm>>) target(%dma_start3A_12 : memref<78x2x128xi32, #tpu.memory_space<vmem>>) target_semaphore(%arg8 : memref<!tpu.dma_semaphore, #tpu.memory_space<semaphore_mem>>)
    %scan3A = arith.constant 0 : i32
    %scan3A_16 = arith.constant 128 : i32
    %scan3A_17 = arith.addi %scan3A, %scan3A_16 : i32
    %scan3A_18 = arith.constant 1 : i32
    scf.for %scan3A_69 = %scan3A to %scan3A_17 step %scan3A_18  : i32 {
      %mul3A_70 = arith.constant 1 : i32
      %mul3A_71 = arith.muli %scan3A_69, %mul3A_70 : i32
      %add3A_72 = arith.constant 0 : i32
      %add3A_73 = arith.addi %add3A_72, %mul3A_71 : i32
      %broadcast_in_dim3A = arith.constant 0.000000e+00 : f32
      %broadcast_in_dim3A_74 = vector.broadcast %broadcast_in_dim3A : f32 to vector<16xf32>
      %swap3A = arith.index_cast %add3A_73 : i32 to index
      %swap3A_75 = arith.constant 0 : index
      %swap3A_76 = tpu.vector_load %arg5[%swap3A, %swap3A_75] {strides = array<i32>} : memref<128x16xf32, #tpu.memory_space<vmem>>, vector<1x16xf32>,
      %swap3A_77 = vector.shape_cast %swap3A_76 : vector<1x16xf32> to vector<16xf32>
      %swap3A_78 = vector.shape_cast %broadcast_in_dim3A_74 : vector<16xf32> to vector<1x16xf32>
      tpu.vector_store %arg5[%swap3A, %swap3A_75], %swap3A_78 {strides = array<i32>} : memref<128x16xf32, #tpu.memory_space<vmem>>, vector<1x16xf32>,
    }
    %scan3A_19 = arith.constant 128 : i32
    %scan3A_20 = arith.constant 0 : i32
    %scan3A_21 = arith.constant 5 : i32
    %scan3A_22 = arith.addi %scan3A_20, %scan3A_21 : i32
    %scan3A_23 = arith.constant 1 : i32
    scf.for %scan3A_69 = %scan3A_20 to %scan3A_22 step %scan3A_23  : i32 {
      %mul3A_70 = arith.constant 1 : i32
      %mul3A_71 = arith.muli %scan3A_69, %mul3A_70 : i32
      %add3A_72 = arith.constant 0 : i32
      %add3A_73 = arith.addi %add3A_72, %mul3A_71 : i32
      %mul3A_74 = arith.constant 640 : i32
      %mul3A_75 = arith.muli %arg1, %mul3A_74 : i32
      %mul3A_76 = arith.constant 128 : i32
      %mul3A_77 = arith.muli %add3A_73, %mul3A_76 : i32
      %add3A_78 = arith.addi %mul3A_75, %mul3A_77 : i32
      %dma_start3A_79 = arith.constant 0 : i32
      %dma_start3A_80 = tpu.memref_slice %arg6[%add3A_78, %dma_start3A_79] : memref<10240x16xf32, #tpu.memory_space<vmem_shared>> -> memref<128x16xf32, #tpu.memory_space<vmem_shared>>
      %dma_start3A_81 = arith.constant 0 : i32
      %dma_start3A_82 = tpu.memref_slice %arg6[%add3A_78, %dma_start3A_81] : memref<10240x16xf32, #tpu.memory_space<vmem_shared>> -> memref<128x16xf32, #tpu.memory_space<vmem_shared>>
      tpu.enqueue_dma source(%arg5 : memref<128x16xf32, #tpu.memory_space<vmem>>) target(%dma_start3A_82 : memref<128x16xf32, #tpu.memory_space<vmem_shared>>) target_semaphore(%arg7 : memref<!tpu.dma_semaphore, #tpu.memory_space<semaphore_mem>>)
    }
    %scan3A_24 = arith.constant 5 : i32
    %scan3A_25 = arith.constant 0 : i32
    %scan3A_26 = arith.constant 5 : i32
    %scan3A_27 = arith.addi %scan3A_25, %scan3A_26 : i32
    %scan3A_28 = arith.constant 1 : i32
    scf.for %scan3A_69 = %scan3A_25 to %scan3A_27 step %scan3A_28  : i32 {
      %mul3A_70 = arith.constant 1 : i32
      %mul3A_71 = arith.muli %scan3A_69, %mul3A_70 : i32
      %add3A_72 = arith.constant 0 : i32
      %add3A_73 = arith.addi %add3A_72, %mul3A_71 : i32
      %mul3A_74 = arith.constant 640 : i32
      %mul3A_75 = arith.muli %arg1, %mul3A_74 : i32
      %mul3A_76 = arith.constant 128 : i32
      %mul3A_77 = arith.muli %add3A_73, %mul3A_76 : i32
      %add3A_78 = arith.addi %mul3A_75, %mul3A_77 : i32
      %dma_wait3A_79 = arith.constant 0 : i32
      %dma_wait3A_80 = tpu.memref_slice %arg6[%add3A_78, %dma_wait3A_79] : memref<10240x16xf32, #tpu.memory_space<vmem_shared>> -> memref<128x16xf32, #tpu.memory_space<vmem_shared>>
      %dma_wait3A_81 = arith.constant 0 : i32
      %dma_wait3A_82 = tpu.memref_slice %arg6[%add3A_78, %dma_wait3A_81] : memref<10240x16xf32, #tpu.memory_space<vmem_shared>> -> memref<128x16xf32, #tpu.memory_space<vmem_shared>>
      tpu.wait_dma2 semaphore(%arg7 : memref<!tpu.dma_semaphore, #tpu.memory_space<semaphore_mem>>) src(%arg5 : memref<128x16xf32, #tpu.memory_space<vmem>>) dst(%dma_wait3A_82 : memref<128x16xf32, #tpu.memory_space<vmem_shared>>)
    }
    %scan3A_29 = arith.constant 5 : i32
    %scan3A_30 = arith.constant 0 : i32
    %scan3A_31 = arith.constant 128 : i32
    %scan3A_32 = arith.addi %scan3A_30, %scan3A_31 : i32
    %scan3A_33 = arith.constant 1 : i32
    scf.for %scan3A_69 = %scan3A_30 to %scan3A_32 step %scan3A_33  : i32 {
      %mul3A_70 = arith.constant 1 : i32
      %mul3A_71 = arith.muli %scan3A_69, %mul3A_70 : i32
      %add3A_72 = arith.constant 0 : i32
      %add3A_73 = arith.addi %add3A_72, %mul3A_71 : i32
      %broadcast_in_dim3A = arith.constant 1.000000e+00 : f32
      %broadcast_in_dim3A_74 = vector.broadcast %broadcast_in_dim3A : f32 to vector<16xf32>
      %swap3A = arith.index_cast %add3A_73 : i32 to index
      %swap3A_75 = arith.constant 0 : index
      %swap3A_76 = tpu.vector_load %arg5[%swap3A, %swap3A_75] {strides = array<i32>} : memref<128x16xf32, #tpu.memory_space<vmem>>, vector<1x16xf32>,
      %swap3A_77 = vector.shape_cast %swap3A_76 : vector<1x16xf32> to vector<16xf32>
      %swap3A_78 = vector.shape_cast %broadcast_in_dim3A_74 : vector<16xf32> to vector<1x16xf32>
      tpu.vector_store %arg5[%swap3A, %swap3A_75], %swap3A_78 {strides = array<i32>} : memref<128x16xf32, #tpu.memory_space<vmem>>, vector<1x16xf32>,
    }
    %scan3A_34 = arith.constant 128 : i32
    %mul3A_35 = arith.constant 78 : i32
    %mul3A_36 = arith.muli %add3A, %mul3A_35 : i32
    %dma_wait3A = arith.constant 0 : i32
    %dma_wait3A_37 = arith.constant 0 : i32
    %dma_wait3A_38 = arith.constant 0 : i32
    %dma_wait3A_39 = tpu.memref_slice %arg4[%dma_wait3A, %dma_wait3A_37, %dma_wait3A_38] : memref<79x2x128xi32, #tpu.memory_space<vmem>> -> memref<78x2x128xi32, #tpu.memory_space<vmem>>
    %dma_wait3A_40 = arith.constant 0 : i32
    %dma_wait3A_41 = arith.constant 0 : i32
    %dma_wait3A_42 = tpu.memref_slice %arg2[%mul3A_36, %dma_wait3A_40, %dma_wait3A_41] : memref<2500x2x128xi32, #tpu.memory_space<hbm>> -> memref<78x2x128xi32, #tpu.memory_space<hbm>>
    %dma_wait3A_43 = arith.constant 0 : i32
    %dma_wait3A_44 = arith.constant 0 : i32
    %dma_wait3A_45 = arith.constant 0 : i32
    %dma_wait3A_46 = tpu.memref_slice %arg4[%dma_wait3A_43, %dma_wait3A_44, %dma_wait3A_45] : memref<79x2x128xi32, #tpu.memory_space<vmem>> -> memref<78x2x128xi32, #tpu.memory_space<vmem>>
    %dma_wait3A_47 = arith.constant 0 : i32
    %dma_wait3A_48 = arith.constant 0 : i32
    %dma_wait3A_49 = tpu.memref_slice %arg2[%mul3A_36, %dma_wait3A_47, %dma_wait3A_48] : memref<2500x2x128xi32, #tpu.memory_space<hbm>> -> memref<78x2x128xi32, #tpu.memory_space<hbm>>
    tpu.wait_dma2 semaphore(%arg8 : memref<!tpu.dma_semaphore, #tpu.memory_space<semaphore_mem>>) src(%dma_wait3A_49 : memref<78x2x128xi32, #tpu.memory_space<hbm>>) dst(%dma_wait3A_46 : memref<78x2x128xi32, #tpu.memory_space<vmem>>)
    %lt3A = arith.constant 4 : i32
    %lt3A_50 = arith.cmpi slt, %add3A, %lt3A : i32
    %convert_element_type3A = arith.extui %lt3A_50 : i1 to i32
    %cond3A = arith.constant 0 : i32
    %cond3A_51 = arith.cmpi ne, %convert_element_type3A, %cond3A : i32
    scf.if %cond3A_51 {
      %add3A_69 = arith.constant 2496 : i32
      %add3A_70 = arith.addi %add3A_69, %add3A : i32
      "tpu.region"() ({
        %run_scoped3A = tpu.sem_alloc : memref<!tpu.dma_semaphore, #tpu.memory_space<semaphore_mem>>
        %dma_start3A_71 = arith.constant 78 : i32
        %dma_start3A_72 = arith.constant 0 : i32
        %dma_start3A_73 = arith.constant 0 : i32
        %dma_start3A_74 = tpu.memref_slice %arg4[%dma_start3A_71, %dma_start3A_72, %dma_start3A_73] : memref<79x2x128xi32, #tpu.memory_space<vmem>> -> memref<1x2x128xi32, #tpu.memory_space<vmem>>
        %dma_start3A_75 = arith.constant 0 : i32
        %dma_start3A_76 = arith.constant 0 : i32
        %dma_start3A_77 = tpu.memref_slice %arg2[%add3A_70, %dma_start3A_75, %dma_start3A_76] : memref<2500x2x128xi32, #tpu.memory_space<hbm>> -> memref<1x2x128xi32, #tpu.memory_space<hbm>>
        %dma_start3A_78 = arith.constant 78 : i32
        %dma_start3A_79 = arith.constant 0 : i32
        %dma_start3A_80 = arith.constant 0 : i32
        %dma_start3A_81 = tpu.memref_slice %arg4[%dma_start3A_78, %dma_start3A_79, %dma_start3A_80] : memref<79x2x128xi32, #tpu.memory_space<vmem>> -> memref<1x2x128xi32, #tpu.memory_space<vmem>>
        %dma_start3A_82 = arith.constant 0 : i32
        %dma_start3A_83 = arith.constant 0 : i32
        %dma_start3A_84 = tpu.memref_slice %arg2[%add3A_70, %dma_start3A_82, %dma_start3A_83] : memref<2500x2x128xi32, #tpu.memory_space<hbm>> -> memref<1x2x128xi32, #tpu.memory_space<hbm>>
        tpu.enqueue_dma source(%dma_start3A_84 : memref<1x2x128xi32, #tpu.memory_space<hbm>>) target(%dma_start3A_81 : memref<1x2x128xi32, #tpu.memory_space<vmem>>) target_semaphore(%run_scoped3A : memref<!tpu.dma_semaphore, #tpu.memory_space<semaphore_mem>>)
        %dma_wait3A_85 = arith.constant 78 : i32
        %dma_wait3A_86 = arith.constant 0 : i32
        %dma_wait3A_87 = arith.constant 0 : i32
        %dma_wait3A_88 = tpu.memref_slice %arg4[%dma_wait3A_85, %dma_wait3A_86, %dma_wait3A_87] : memref<79x2x128xi32, #tpu.memory_space<vmem>> -> memref<1x2x128xi32, #tpu.memory_space<vmem>>
        %dma_wait3A_89 = arith.constant 0 : i32
        %dma_wait3A_90 = arith.constant 0 : i32
        %dma_wait3A_91 = tpu.memref_slice %arg2[%add3A_70, %dma_wait3A_89, %dma_wait3A_90] : memref<2500x2x128xi32, #tpu.memory_space<hbm>> -> memref<1x2x128xi32, #tpu.memory_space<hbm>>
        %dma_wait3A_92 = arith.constant 78 : i32
        %dma_wait3A_93 = arith.constant 0 : i32
        %dma_wait3A_94 = arith.constant 0 : i32
        %dma_wait3A_95 = tpu.memref_slice %arg4[%dma_wait3A_92, %dma_wait3A_93, %dma_wait3A_94] : memref<79x2x128xi32, #tpu.memory_space<vmem>> -> memref<1x2x128xi32, #tpu.memory_space<vmem>>
        %dma_wait3A_96 = arith.constant 0 : i32
        %dma_wait3A_97 = arith.constant 0 : i32
        %dma_wait3A_98 = tpu.memref_slice %arg2[%add3A_70, %dma_wait3A_96, %dma_wait3A_97] : memref<2500x2x128xi32, #tpu.memory_space<hbm>> -> memref<1x2x128xi32, #tpu.memory_space<hbm>>
        tpu.wait_dma2 semaphore(%run_scoped3A : memref<!tpu.dma_semaphore, #tpu.memory_space<semaphore_mem>>) src(%dma_wait3A_98 : memref<1x2x128xi32, #tpu.memory_space<hbm>>) dst(%dma_wait3A_95 : memref<1x2x128xi32, #tpu.memory_space<vmem>>)
        tpu.yield
      }) : () -> ()
    } else {
    }
    %barrier3A = arith.constant 0 : index
    tpu.barrier barrier_id(%barrier3A)
    %scan3A_52 = arith.constant 0 : i32
    %scan3A_53 = arith.constant 78 : i32
    %scan3A_54 = arith.addi %scan3A_52, %scan3A_53 : i32
    %scan3A_55 = arith.constant 1 : i32
    scf.for %scan3A_69 = %scan3A_52 to %scan3A_54 step %scan3A_55  : i32 {
      %mul3A_70 = arith.constant 1 : i32
      %mul3A_71 = arith.muli %scan3A_69, %mul3A_70 : i32
      %add3A_72 = arith.constant 0 : i32
      %add3A_73 = arith.addi %add3A_72, %mul3A_71 : i32
      %run_scoped3A = arith.constant 1 : i32
      "tpu.region"() ({
        %run_scoped3A_74 = tpu.sem_alloc : memref<!tpu.dma_semaphore, #tpu.memory_space<semaphore_mem>>
        %dma_start3A_75 = arith.constant 0 : i32
        %dma_start3A_76 = tpu.memref_slice %arg4[%add3A_73, %run_scoped3A, %dma_start3A_75] : memref<79x2x128xi32, #tpu.memory_space<vmem>> -> memref<1x1x128xi32, #tpu.memory_space<vmem>>
        %dma_start3A_77 = tpu.memref_squeeze %dma_start3A_76 : memref<1x1x128xi32, #tpu.memory_space<vmem>> -> memref<128xi32, #tpu.memory_space<vmem>>
        %dma_start3A_78 = arith.constant 0 : i32
        %dma_start3A_79 = arith.constant 0 : i32
        %dma_start3A_80 = tpu.memref_slice %arg6[%dma_start3A_78, %dma_start3A_79] : memref<10240x16xf32, #tpu.memory_space<vmem_shared>> -> memref<10240x16xf32, #tpu.memory_space<vmem_shared>>
        tpu.enqueue_indirect_dma source(%arg5 : memref<128x16xf32, #tpu.memory_space<vmem>>) target(%dma_start3A_80 : memref<10240x16xf32, #tpu.memory_space<vmem_shared>>) offsets(%dma_start3A_77 : memref<128xi32, #tpu.memory_space<vmem>>) semaphore(%run_scoped3A_74 : memref<!tpu.dma_semaphore, #tpu.memory_space<semaphore_mem>>) {add = true}
        %dma_wait3A_81 = arith.constant 0 : i32
        %dma_wait3A_82 = tpu.memref_slice %arg4[%add3A_73, %run_scoped3A, %dma_wait3A_81] : memref<79x2x128xi32, #tpu.memory_space<vmem>> -> memref<1x1x128xi32, #tpu.memory_space<vmem>>
        %dma_wait3A_83 = tpu.memref_squeeze %dma_wait3A_82 : memref<1x1x128xi32, #tpu.memory_space<vmem>> -> memref<128xi32, #tpu.memory_space<vmem>>
        %dma_wait3A_84 = arith.constant 0 : i32
        %dma_wait3A_85 = arith.constant 0 : i32
        %dma_wait3A_86 = tpu.memref_slice %arg6[%dma_wait3A_84, %dma_wait3A_85] : memref<10240x16xf32, #tpu.memory_space<vmem_shared>> -> memref<10240x16xf32, #tpu.memory_space<vmem_shared>>
        tpu.wait_indirect_dma semaphore(%run_scoped3A_74 : memref<!tpu.dma_semaphore, #tpu.memory_space<semaphore_mem>>) src(%arg5 : memref<128x16xf32, #tpu.memory_space<vmem>>) dst(%dma_wait3A_86 : memref<10240x16xf32, #tpu.memory_space<vmem_shared>>)
        tpu.yield
      }) : () -> ()
    }
    %scan3A_56 = arith.constant 78 : i32
    %lt3A_57 = arith.constant 4 : i32
    %lt3A_58 = arith.cmpi slt, %add3A, %lt3A_57 : i32
    %convert_element_type3A_59 = arith.extui %lt3A_58 : i1 to i32
    %cond3A_60 = arith.constant 0 : i32
    %cond3A_61 = arith.cmpi ne, %convert_element_type3A_59, %cond3A_60 : i32
    scf.if %cond3A_61 {
      %run_scoped3A = arith.constant 78 : i32
      %run_scoped3A_69 = arith.constant 1 : i32
      "tpu.region"() ({
        %run_scoped3A_70 = tpu.sem_alloc : memref<!tpu.dma_semaphore, #tpu.memory_space<semaphore_mem>>
        %dma_start3A_71 = arith.constant 0 : i32
        %dma_start3A_72 = tpu.memref_slice %arg4[%run_scoped3A, %run_scoped3A_69, %dma_start3A_71] : memref<79x2x128xi32, #tpu.memory_space<vmem>> -> memref<1x1x128xi32, #tpu.memory_space<vmem>>
        %dma_start3A_73 = tpu.memref_squeeze %dma_start3A_72 : memref<1x1x128xi32, #tpu.memory_space<vmem>> -> memref<128xi32, #tpu.memory_space<vmem>>
        %dma_start3A_74 = arith.constant 0 : i32
        %dma_start3A_75 = arith.constant 0 : i32
        %dma_start3A_76 = tpu.memref_slice %arg6[%dma_start3A_74, %dma_start3A_75] : memref<10240x16xf32, #tpu.memory_space<vmem_shared>> -> memref<10240x16xf32, #tpu.memory_space<vmem_shared>>
        tpu.enqueue_indirect_dma source(%arg5 : memref<128x16xf32, #tpu.memory_space<vmem>>) target(%dma_start3A_76 : memref<10240x16xf32, #tpu.memory_space<vmem_shared>>) offsets(%dma_start3A_73 : memref<128xi32, #tpu.memory_space<vmem>>) semaphore(%run_scoped3A_70 : memref<!tpu.dma_semaphore, #tpu.memory_space<semaphore_mem>>) {add = true}
        %dma_wait3A_77 = arith.constant 0 : i32
        %dma_wait3A_78 = tpu.memref_slice %arg4[%run_scoped3A, %run_scoped3A_69, %dma_wait3A_77] : memref<79x2x128xi32, #tpu.memory_space<vmem>> -> memref<1x1x128xi32, #tpu.memory_space<vmem>>
        %dma_wait3A_79 = tpu.memref_squeeze %dma_wait3A_78 : memref<1x1x128xi32, #tpu.memory_space<vmem>> -> memref<128xi32, #tpu.memory_space<vmem>>
        %dma_wait3A_80 = arith.constant 0 : i32
        %dma_wait3A_81 = arith.constant 0 : i32
        %dma_wait3A_82 = tpu.memref_slice %arg6[%dma_wait3A_80, %dma_wait3A_81] : memref<10240x16xf32, #tpu.memory_space<vmem_shared>> -> memref<10240x16xf32, #tpu.memory_space<vmem_shared>>
        tpu.wait_indirect_dma semaphore(%run_scoped3A_70 : memref<!tpu.dma_semaphore, #tpu.memory_space<semaphore_mem>>) src(%arg5 : memref<128x16xf32, #tpu.memory_space<vmem>>) dst(%dma_wait3A_82 : memref<10240x16xf32, #tpu.memory_space<vmem_shared>>)
        tpu.yield
      }) : () -> ()
    } else {
    }
    %barrier3A_62 = arith.constant 0 : index
    tpu.barrier barrier_id(%barrier3A_62)
    %mul3A_63 = arith.constant 640 : i32
    %mul3A_64 = arith.muli %arg1, %mul3A_63 : i32
    %mul3A_65 = arith.constant 640 : i32
    %mul3A_66 = arith.muli %arg1, %mul3A_65 : i32
    %mul3A_67 = arith.constant 64 : i32
    %mul3A_68 = arith.muli %arg0, %mul3A_67 : i32
    "tpu.region"() ({
      %run_scoped3A = tpu.sem_alloc : memref<!tpu.dma_semaphore, #tpu.memory_space<semaphore_mem>>
      %dma_start3A_69 = tpu.memref_slice %arg3[%mul3A_66, %mul3A_68] : memref<10240x128xf32, #tpu.memory_space<hbm>> -> memref<640x16xf32, #tpu.memory_space<hbm>>
      %dma_start3A_70 = arith.constant 0 : i32
      %dma_start3A_71 = tpu.memref_slice %arg6[%mul3A_64, %dma_start3A_70] : memref<10240x16xf32, #tpu.memory_space<vmem_shared>> -> memref<640x16xf32, #tpu.memory_space<vmem_shared>>
      tpu.enqueue_dma source(%dma_start3A_71 : memref<640x16xf32, #tpu.memory_space<vmem_shared>>) target(%dma_start3A_69 : memref<640x16xf32, #tpu.memory_space<hbm>>) target_semaphore(%run_scoped3A : memref<!tpu.dma_semaphore, #tpu.memory_space<semaphore_mem>>)
      %dma_wait3A_72 = tpu.memref_slice %arg3[%mul3A_66, %mul3A_68] : memref<10240x128xf32, #tpu.memory_space<hbm>> -> memref<640x16xf32, #tpu.memory_space<hbm>>
      %dma_wait3A_73 = arith.constant 0 : i32
      %dma_wait3A_74 = tpu.memref_slice %arg6[%mul3A_64, %dma_wait3A_73] : memref<10240x16xf32, #tpu.memory_space<vmem_shared>> -> memref<640x16xf32, #tpu.memory_space<vmem_shared>>
      tpu.wait_dma2 semaphore(%run_scoped3A : memref<!tpu.dma_semaphore, #tpu.memory_space<semaphore_mem>>) src(%dma_wait3A_74 : memref<640x16xf32, #tpu.memory_space<vmem_shared>>) dst(%dma_wait3A_72 : memref<640x16xf32, #tpu.memory_space<hbm>>)
      tpu.yield
    }) : () -> ()
    return
  }
}

#map = affine_map<(d0, d1) -> (0, 0)>
#map1 = affine_map<(d0, d1) -> (0, 0, 0)>
module attributes {stable_mosaic.version = 14 : i64} {
  func.func @agg_kernel(%arg0: i32, %arg1: i32, %arg2: memref<10240x128xf32, #tpu.memory_space<hbm>>, %arg3: memref<2500x2x128xi32, #tpu.memory_space<hbm>>, %arg4: memref<10240x128xf32, #tpu.memory_space<hbm>>, %arg5: memref<79x2x128xi32, #tpu.memory_space<vmem>>, %arg6: memref<128x64xf32, #tpu.memory_space<vmem>>, %arg7: memref<128x64xf32, #tpu.memory_space<vmem>>, %arg8: memref<128x64xf32, #tpu.memory_space<vmem>>, %arg9: memref<10240x64xf32, #tpu.memory_space<vmem_shared>>, %arg10: memref<10240x64xf32, #tpu.memory_space<vmem_shared>>, %arg11: memref<!tpu.dma_semaphore, #tpu.memory_space<semaphore_mem>>, %arg12: memref<!tpu.dma_semaphore, #tpu.memory_space<semaphore_mem>>, %arg13: memref<!tpu.dma_semaphore, #tpu.memory_space<semaphore_mem>>, %arg14: memref<!tpu.dma_semaphore, #tpu.memory_space<semaphore_mem>>) attributes {dimension_semantics = [#tpu.dimension_semantics<core_parallel>, #tpu.dimension_semantics<subcore_parallel>], iteration_bounds = array<i64: 2, 16>, scalar_prefetch = 0 : i64, scratch_operands = 10 : i64, tpu.core_type = #tpu.core_type<sc_vector_subcore>, window_params = [{transform_indices = #map}, {transform_indices = #map1}, {transform_indices = #map}]} {
    %mul3A = arith.constant 2 : i32
    %mul3A_0 = arith.muli %arg1, %mul3A : i32
    %add3A = arith.addi %mul3A_0, %arg0 : i32
    %mul3A_1 = arith.constant 78 : i32
    %mul3A_2 = arith.muli %add3A, %mul3A_1 : i32
    %dma_start3A = arith.constant 0 : i32
    %dma_start3A_3 = arith.constant 0 : i32
    %dma_start3A_4 = arith.constant 0 : i32
    %dma_start3A_5 = tpu.memref_slice %arg5[%dma_start3A, %dma_start3A_3, %dma_start3A_4] : memref<79x2x128xi32, #tpu.memory_space<vmem>> -> memref<78x2x128xi32, #tpu.memory_space<vmem>>
    %dma_start3A_6 = arith.constant 0 : i32
    %dma_start3A_7 = arith.constant 0 : i32
    %dma_start3A_8 = tpu.memref_slice %arg3[%mul3A_2, %dma_start3A_6, %dma_start3A_7] : memref<2500x2x128xi32, #tpu.memory_space<hbm>> -> memref<78x2x128xi32, #tpu.memory_space<hbm>>
    %dma_start3A_9 = arith.constant 0 : i32
    %dma_start3A_10 = arith.constant 0 : i32
    %dma_start3A_11 = arith.constant 0 : i32
    %dma_start3A_12 = tpu.memref_slice %arg5[%dma_start3A_9, %dma_start3A_10, %dma_start3A_11] : memref<79x2x128xi32, #tpu.memory_space<vmem>> -> memref<78x2x128xi32, #tpu.memory_space<vmem>>
    %dma_start3A_13 = arith.constant 0 : i32
    %dma_start3A_14 = arith.constant 0 : i32
    %dma_start3A_15 = tpu.memref_slice %arg3[%mul3A_2, %dma_start3A_13, %dma_start3A_14] : memref<2500x2x128xi32, #tpu.memory_space<hbm>> -> memref<78x2x128xi32, #tpu.memory_space<hbm>>
    tpu.enqueue_dma source(%dma_start3A_15 : memref<78x2x128xi32, #tpu.memory_space<hbm>>) target(%dma_start3A_12 : memref<78x2x128xi32, #tpu.memory_space<vmem>>) target_semaphore(%arg11 : memref<!tpu.dma_semaphore, #tpu.memory_space<semaphore_mem>>)
    %mul3A_16 = arith.constant 640 : i32
    %mul3A_17 = arith.muli %arg1, %mul3A_16 : i32
    %mul3A_18 = arith.constant 640 : i32
    %mul3A_19 = arith.muli %arg1, %mul3A_18 : i32
    %dma_start3A_20 = arith.constant 0 : i32
    %dma_start3A_21 = tpu.memref_slice %arg10[%mul3A_19, %dma_start3A_20] : memref<10240x64xf32, #tpu.memory_space<vmem_shared>> -> memref<640x64xf32, #tpu.memory_space<vmem_shared>>
    %dma_start3A_22 = arith.constant 0 : i32
    %dma_start3A_23 = tpu.memref_slice %arg2[%mul3A_17, %dma_start3A_22] : memref<10240x128xf32, #tpu.memory_space<hbm>> -> memref<640x64xf32, #tpu.memory_space<hbm>>
    tpu.enqueue_dma source(%dma_start3A_23 : memref<640x64xf32, #tpu.memory_space<hbm>>) target(%dma_start3A_21 : memref<640x64xf32, #tpu.memory_space<vmem_shared>>) target_semaphore(%arg12 : memref<!tpu.dma_semaphore, #tpu.memory_space<semaphore_mem>>)
    %scan3A = arith.constant 0 : i32
    %scan3A_24 = arith.constant 128 : i32
    %scan3A_25 = arith.addi %scan3A, %scan3A_24 : i32
    %scan3A_26 = arith.constant 1 : i32
    scf.for %scan3A_128 = %scan3A to %scan3A_25 step %scan3A_26  : i32 {
      %mul3A_129 = arith.constant 1 : i32
      %mul3A_130 = arith.muli %scan3A_128, %mul3A_129 : i32
      %add3A_131 = arith.constant 0 : i32
      %add3A_132 = arith.addi %add3A_131, %mul3A_130 : i32
      %scan3A_133 = arith.constant 0 : i32
      %scan3A_134 = arith.constant 4 : i32
      %scan3A_135 = arith.addi %scan3A_133, %scan3A_134 : i32
      %scan3A_136 = arith.constant 1 : i32
      scf.for %scan3A_138 = %scan3A_133 to %scan3A_135 step %scan3A_136  : i32 {
        %mul3A_139 = arith.constant 16 : i32
        %mul3A_140 = arith.muli %scan3A_138, %mul3A_139 : i32
        %add3A_141 = arith.constant 0 : i32
        %add3A_142 = arith.addi %add3A_141, %mul3A_140 : i32
        %broadcast_in_dim3A = arith.constant 0.000000e+00 : f32
        %broadcast_in_dim3A_143 = vector.broadcast %broadcast_in_dim3A : f32 to vector<16xf32>
        %swap3A = arith.index_cast %add3A_132 : i32 to index
        %swap3A_144 = arith.index_cast %add3A_142 : i32 to index
        %swap3A_145 = tpu.vector_load %arg6[%swap3A, %swap3A_144] {strides = array<i32>} : memref<128x64xf32, #tpu.memory_space<vmem>>, vector<1x16xf32>,
        %swap3A_146 = vector.shape_cast %swap3A_145 : vector<1x16xf32> to vector<16xf32>
        %swap3A_147 = vector.shape_cast %broadcast_in_dim3A_143 : vector<16xf32> to vector<1x16xf32>
        tpu.vector_store %arg6[%swap3A, %swap3A_144], %swap3A_147 {strides = array<i32>} : memref<128x64xf32, #tpu.memory_space<vmem>>, vector<1x16xf32>,
      }
      %scan3A_137 = arith.constant 4 : i32
    }
    %scan3A_27 = arith.constant 128 : i32
    %scan3A_28 = arith.constant 0 : i32
    %scan3A_29 = arith.constant 5 : i32
    %scan3A_30 = arith.addi %scan3A_28, %scan3A_29 : i32
    %scan3A_31 = arith.constant 1 : i32
    scf.for %scan3A_128 = %scan3A_28 to %scan3A_30 step %scan3A_31  : i32 {
      %mul3A_129 = arith.constant 1 : i32
      %mul3A_130 = arith.muli %scan3A_128, %mul3A_129 : i32
      %add3A_131 = arith.constant 0 : i32
      %add3A_132 = arith.addi %add3A_131, %mul3A_130 : i32
      %mul3A_133 = arith.constant 640 : i32
      %mul3A_134 = arith.muli %arg1, %mul3A_133 : i32
      %mul3A_135 = arith.constant 128 : i32
      %mul3A_136 = arith.muli %add3A_132, %mul3A_135 : i32
      %add3A_137 = arith.addi %mul3A_134, %mul3A_136 : i32
      %dma_start3A_138 = arith.constant 0 : i32
      %dma_start3A_139 = tpu.memref_slice %arg9[%add3A_137, %dma_start3A_138] : memref<10240x64xf32, #tpu.memory_space<vmem_shared>> -> memref<128x64xf32, #tpu.memory_space<vmem_shared>>
      %dma_start3A_140 = arith.constant 0 : i32
      %dma_start3A_141 = tpu.memref_slice %arg9[%add3A_137, %dma_start3A_140] : memref<10240x64xf32, #tpu.memory_space<vmem_shared>> -> memref<128x64xf32, #tpu.memory_space<vmem_shared>>
      tpu.enqueue_dma source(%arg6 : memref<128x64xf32, #tpu.memory_space<vmem>>) target(%dma_start3A_141 : memref<128x64xf32, #tpu.memory_space<vmem_shared>>) target_semaphore(%arg14 : memref<!tpu.dma_semaphore, #tpu.memory_space<semaphore_mem>>)
    }
    %scan3A_32 = arith.constant 5 : i32
    %scan3A_33 = arith.constant 0 : i32
    %scan3A_34 = arith.constant 5 : i32
    %scan3A_35 = arith.addi %scan3A_33, %scan3A_34 : i32
    %scan3A_36 = arith.constant 1 : i32
    scf.for %scan3A_128 = %scan3A_33 to %scan3A_35 step %scan3A_36  : i32 {
      %mul3A_129 = arith.constant 1 : i32
      %mul3A_130 = arith.muli %scan3A_128, %mul3A_129 : i32
      %add3A_131 = arith.constant 0 : i32
      %add3A_132 = arith.addi %add3A_131, %mul3A_130 : i32
      %mul3A_133 = arith.constant 640 : i32
      %mul3A_134 = arith.muli %arg1, %mul3A_133 : i32
      %mul3A_135 = arith.constant 128 : i32
      %mul3A_136 = arith.muli %add3A_132, %mul3A_135 : i32
      %add3A_137 = arith.addi %mul3A_134, %mul3A_136 : i32
      %dma_wait3A_138 = arith.constant 0 : i32
      %dma_wait3A_139 = tpu.memref_slice %arg9[%add3A_137, %dma_wait3A_138] : memref<10240x64xf32, #tpu.memory_space<vmem_shared>> -> memref<128x64xf32, #tpu.memory_space<vmem_shared>>
      %dma_wait3A_140 = arith.constant 0 : i32
      %dma_wait3A_141 = tpu.memref_slice %arg9[%add3A_137, %dma_wait3A_140] : memref<10240x64xf32, #tpu.memory_space<vmem_shared>> -> memref<128x64xf32, #tpu.memory_space<vmem_shared>>
      tpu.wait_dma2 semaphore(%arg14 : memref<!tpu.dma_semaphore, #tpu.memory_space<semaphore_mem>>) src(%arg6 : memref<128x64xf32, #tpu.memory_space<vmem>>) dst(%dma_wait3A_141 : memref<128x64xf32, #tpu.memory_space<vmem_shared>>)
    }
    %scan3A_37 = arith.constant 5 : i32
    %mul3A_38 = arith.constant 78 : i32
    %mul3A_39 = arith.muli %add3A, %mul3A_38 : i32
    %dma_wait3A = arith.constant 0 : i32
    %dma_wait3A_40 = arith.constant 0 : i32
    %dma_wait3A_41 = arith.constant 0 : i32
    %dma_wait3A_42 = tpu.memref_slice %arg5[%dma_wait3A, %dma_wait3A_40, %dma_wait3A_41] : memref<79x2x128xi32, #tpu.memory_space<vmem>> -> memref<78x2x128xi32, #tpu.memory_space<vmem>>
    %dma_wait3A_43 = arith.constant 0 : i32
    %dma_wait3A_44 = arith.constant 0 : i32
    %dma_wait3A_45 = tpu.memref_slice %arg3[%mul3A_39, %dma_wait3A_43, %dma_wait3A_44] : memref<2500x2x128xi32, #tpu.memory_space<hbm>> -> memref<78x2x128xi32, #tpu.memory_space<hbm>>
    %dma_wait3A_46 = arith.constant 0 : i32
    %dma_wait3A_47 = arith.constant 0 : i32
    %dma_wait3A_48 = arith.constant 0 : i32
    %dma_wait3A_49 = tpu.memref_slice %arg5[%dma_wait3A_46, %dma_wait3A_47, %dma_wait3A_48] : memref<79x2x128xi32, #tpu.memory_space<vmem>> -> memref<78x2x128xi32, #tpu.memory_space<vmem>>
    %dma_wait3A_50 = arith.constant 0 : i32
    %dma_wait3A_51 = arith.constant 0 : i32
    %dma_wait3A_52 = tpu.memref_slice %arg3[%mul3A_39, %dma_wait3A_50, %dma_wait3A_51] : memref<2500x2x128xi32, #tpu.memory_space<hbm>> -> memref<78x2x128xi32, #tpu.memory_space<hbm>>
    tpu.wait_dma2 semaphore(%arg11 : memref<!tpu.dma_semaphore, #tpu.memory_space<semaphore_mem>>) src(%dma_wait3A_52 : memref<78x2x128xi32, #tpu.memory_space<hbm>>) dst(%dma_wait3A_49 : memref<78x2x128xi32, #tpu.memory_space<vmem>>)
    %lt3A = arith.constant 4 : i32
    %lt3A_53 = arith.cmpi slt, %add3A, %lt3A : i32
    %convert_element_type3A = arith.extui %lt3A_53 : i1 to i32
    %cond3A = arith.constant 0 : i32
    %cond3A_54 = arith.cmpi ne, %convert_element_type3A, %cond3A : i32
    scf.if %cond3A_54 {
      %add3A_128 = arith.constant 2496 : i32
      %add3A_129 = arith.addi %add3A_128, %add3A : i32
      "tpu.region"() ({
        %run_scoped3A = tpu.sem_alloc : memref<!tpu.dma_semaphore, #tpu.memory_space<semaphore_mem>>
        %dma_start3A_130 = arith.constant 78 : i32
        %dma_start3A_131 = arith.constant 0 : i32
        %dma_start3A_132 = arith.constant 0 : i32
        %dma_start3A_133 = tpu.memref_slice %arg5[%dma_start3A_130, %dma_start3A_131, %dma_start3A_132] : memref<79x2x128xi32, #tpu.memory_space<vmem>> -> memref<1x2x128xi32, #tpu.memory_space<vmem>>
        %dma_start3A_134 = arith.constant 0 : i32
        %dma_start3A_135 = arith.constant 0 : i32
        %dma_start3A_136 = tpu.memref_slice %arg3[%add3A_129, %dma_start3A_134, %dma_start3A_135] : memref<2500x2x128xi32, #tpu.memory_space<hbm>> -> memref<1x2x128xi32, #tpu.memory_space<hbm>>
        %dma_start3A_137 = arith.constant 78 : i32
        %dma_start3A_138 = arith.constant 0 : i32
        %dma_start3A_139 = arith.constant 0 : i32
        %dma_start3A_140 = tpu.memref_slice %arg5[%dma_start3A_137, %dma_start3A_138, %dma_start3A_139] : memref<79x2x128xi32, #tpu.memory_space<vmem>> -> memref<1x2x128xi32, #tpu.memory_space<vmem>>
        %dma_start3A_141 = arith.constant 0 : i32
        %dma_start3A_142 = arith.constant 0 : i32
        %dma_start3A_143 = tpu.memref_slice %arg3[%add3A_129, %dma_start3A_141, %dma_start3A_142] : memref<2500x2x128xi32, #tpu.memory_space<hbm>> -> memref<1x2x128xi32, #tpu.memory_space<hbm>>
        tpu.enqueue_dma source(%dma_start3A_143 : memref<1x2x128xi32, #tpu.memory_space<hbm>>) target(%dma_start3A_140 : memref<1x2x128xi32, #tpu.memory_space<vmem>>) target_semaphore(%run_scoped3A : memref<!tpu.dma_semaphore, #tpu.memory_space<semaphore_mem>>)
        %dma_wait3A_144 = arith.constant 78 : i32
        %dma_wait3A_145 = arith.constant 0 : i32
        %dma_wait3A_146 = arith.constant 0 : i32
        %dma_wait3A_147 = tpu.memref_slice %arg5[%dma_wait3A_144, %dma_wait3A_145, %dma_wait3A_146] : memref<79x2x128xi32, #tpu.memory_space<vmem>> -> memref<1x2x128xi32, #tpu.memory_space<vmem>>
        %dma_wait3A_148 = arith.constant 0 : i32
        %dma_wait3A_149 = arith.constant 0 : i32
        %dma_wait3A_150 = tpu.memref_slice %arg3[%add3A_129, %dma_wait3A_148, %dma_wait3A_149] : memref<2500x2x128xi32, #tpu.memory_space<hbm>> -> memref<1x2x128xi32, #tpu.memory_space<hbm>>
        %dma_wait3A_151 = arith.constant 78 : i32
        %dma_wait3A_152 = arith.constant 0 : i32
        %dma_wait3A_153 = arith.constant 0 : i32
        %dma_wait3A_154 = tpu.memref_slice %arg5[%dma_wait3A_151, %dma_wait3A_152, %dma_wait3A_153] : memref<79x2x128xi32, #tpu.memory_space<vmem>> -> memref<1x2x128xi32, #tpu.memory_space<vmem>>
        %dma_wait3A_155 = arith.constant 0 : i32
        %dma_wait3A_156 = arith.constant 0 : i32
        %dma_wait3A_157 = tpu.memref_slice %arg3[%add3A_129, %dma_wait3A_155, %dma_wait3A_156] : memref<2500x2x128xi32, #tpu.memory_space<hbm>> -> memref<1x2x128xi32, #tpu.memory_space<hbm>>
        tpu.wait_dma2 semaphore(%run_scoped3A : memref<!tpu.dma_semaphore, #tpu.memory_space<semaphore_mem>>) src(%dma_wait3A_157 : memref<1x2x128xi32, #tpu.memory_space<hbm>>) dst(%dma_wait3A_154 : memref<1x2x128xi32, #tpu.memory_space<vmem>>)
        tpu.yield
      }) : () -> ()
    } else {
    }
    %mul3A_55 = arith.constant 640 : i32
    %mul3A_56 = arith.muli %arg1, %mul3A_55 : i32
    %mul3A_57 = arith.constant 640 : i32
    %mul3A_58 = arith.muli %arg1, %mul3A_57 : i32
    %dma_wait3A_59 = arith.constant 0 : i32
    %dma_wait3A_60 = tpu.memref_slice %arg10[%mul3A_58, %dma_wait3A_59] : memref<10240x64xf32, #tpu.memory_space<vmem_shared>> -> memref<640x64xf32, #tpu.memory_space<vmem_shared>>
    %dma_wait3A_61 = arith.constant 0 : i32
    %dma_wait3A_62 = tpu.memref_slice %arg2[%mul3A_56, %dma_wait3A_61] : memref<10240x128xf32, #tpu.memory_space<hbm>> -> memref<640x64xf32, #tpu.memory_space<hbm>>
    tpu.wait_dma2 semaphore(%arg12 : memref<!tpu.dma_semaphore, #tpu.memory_space<semaphore_mem>>) src(%dma_wait3A_62 : memref<640x64xf32, #tpu.memory_space<hbm>>) dst(%dma_wait3A_60 : memref<640x64xf32, #tpu.memory_space<vmem_shared>>)
    %barrier3A = arith.constant 0 : index
    tpu.barrier barrier_id(%barrier3A)
    %dma_start3A_63 = arith.constant 0 : i32
    %dma_start3A_64 = arith.constant 0 : i32
    %dma_start3A_65 = arith.constant 0 : i32
    %dma_start3A_66 = tpu.memref_slice %arg5[%dma_start3A_63, %dma_start3A_64, %dma_start3A_65] : memref<79x2x128xi32, #tpu.memory_space<vmem>> -> memref<1x1x128xi32, #tpu.memory_space<vmem>>
    %dma_start3A_67 = tpu.memref_squeeze %dma_start3A_66 : memref<1x1x128xi32, #tpu.memory_space<vmem>> -> memref<128xi32, #tpu.memory_space<vmem>>
    %dma_start3A_68 = arith.constant 0 : i32
    %dma_start3A_69 = arith.constant 0 : i32
    %dma_start3A_70 = tpu.memref_slice %arg10[%dma_start3A_68, %dma_start3A_69] : memref<10240x64xf32, #tpu.memory_space<vmem_shared>> -> memref<10240x64xf32, #tpu.memory_space<vmem_shared>>
    tpu.enqueue_indirect_dma source(%dma_start3A_70 : memref<10240x64xf32, #tpu.memory_space<vmem_shared>>) target(%arg6 : memref<128x64xf32, #tpu.memory_space<vmem>>) offsets(%dma_start3A_67 : memref<128xi32, #tpu.memory_space<vmem>>) semaphore(%arg11 : memref<!tpu.dma_semaphore, #tpu.memory_space<semaphore_mem>>)
    %dma_start3A_71 = arith.constant 1 : i32
    %dma_start3A_72 = arith.constant 0 : i32
    %dma_start3A_73 = arith.constant 0 : i32
    %dma_start3A_74 = tpu.memref_slice %arg5[%dma_start3A_71, %dma_start3A_72, %dma_start3A_73] : memref<79x2x128xi32, #tpu.memory_space<vmem>> -> memref<1x1x128xi32, #tpu.memory_space<vmem>>
    %dma_start3A_75 = tpu.memref_squeeze %dma_start3A_74 : memref<1x1x128xi32, #tpu.memory_space<vmem>> -> memref<128xi32, #tpu.memory_space<vmem>>
    %dma_start3A_76 = arith.constant 0 : i32
    %dma_start3A_77 = arith.constant 0 : i32
    %dma_start3A_78 = tpu.memref_slice %arg10[%dma_start3A_76, %dma_start3A_77] : memref<10240x64xf32, #tpu.memory_space<vmem_shared>> -> memref<10240x64xf32, #tpu.memory_space<vmem_shared>>
    tpu.enqueue_indirect_dma source(%dma_start3A_78 : memref<10240x64xf32, #tpu.memory_space<vmem_shared>>) target(%arg7 : memref<128x64xf32, #tpu.memory_space<vmem>>) offsets(%dma_start3A_75 : memref<128xi32, #tpu.memory_space<vmem>>) semaphore(%arg12 : memref<!tpu.dma_semaphore, #tpu.memory_space<semaphore_mem>>)
    %dma_start3A_79 = arith.constant 2 : i32
    %dma_start3A_80 = arith.constant 0 : i32
    %dma_start3A_81 = arith.constant 0 : i32
    %dma_start3A_82 = tpu.memref_slice %arg5[%dma_start3A_79, %dma_start3A_80, %dma_start3A_81] : memref<79x2x128xi32, #tpu.memory_space<vmem>> -> memref<1x1x128xi32, #tpu.memory_space<vmem>>
    %dma_start3A_83 = tpu.memref_squeeze %dma_start3A_82 : memref<1x1x128xi32, #tpu.memory_space<vmem>> -> memref<128xi32, #tpu.memory_space<vmem>>
    %dma_start3A_84 = arith.constant 0 : i32
    %dma_start3A_85 = arith.constant 0 : i32
    %dma_start3A_86 = tpu.memref_slice %arg10[%dma_start3A_84, %dma_start3A_85] : memref<10240x64xf32, #tpu.memory_space<vmem_shared>> -> memref<10240x64xf32, #tpu.memory_space<vmem_shared>>
    tpu.enqueue_indirect_dma source(%dma_start3A_86 : memref<10240x64xf32, #tpu.memory_space<vmem_shared>>) target(%arg8 : memref<128x64xf32, #tpu.memory_space<vmem>>) offsets(%dma_start3A_83 : memref<128xi32, #tpu.memory_space<vmem>>) semaphore(%arg13 : memref<!tpu.dma_semaphore, #tpu.memory_space<semaphore_mem>>)
    %scan3A_87 = arith.constant 0 : i32
    %scan3A_88 = arith.constant 26 : i32
    %scan3A_89 = arith.addi %scan3A_87, %scan3A_88 : i32
    %scan3A_90 = arith.constant 1 : i32
    scf.for %scan3A_128 = %scan3A_87 to %scan3A_89 step %scan3A_90  : i32 {
      %mul3A_129 = arith.constant 1 : i32
      %mul3A_130 = arith.muli %scan3A_128, %mul3A_129 : i32
      %add3A_131 = arith.constant 0 : i32
      %add3A_132 = arith.addi %add3A_131, %mul3A_130 : i32
      %mul3A_133 = arith.constant 3 : i32
      %mul3A_134 = arith.muli %add3A_132, %mul3A_133 : i32
      %add3A_135 = arith.constant 0 : i32
      %add3A_136 = arith.addi %mul3A_134, %add3A_135 : i32
      %dma_wait3A_137 = arith.constant 0 : i32
      %dma_wait3A_138 = arith.constant 0 : i32
      %dma_wait3A_139 = tpu.memref_slice %arg5[%add3A_136, %dma_wait3A_137, %dma_wait3A_138] : memref<79x2x128xi32, #tpu.memory_space<vmem>> -> memref<1x1x128xi32, #tpu.memory_space<vmem>>
      %dma_wait3A_140 = tpu.memref_squeeze %dma_wait3A_139 : memref<1x1x128xi32, #tpu.memory_space<vmem>> -> memref<128xi32, #tpu.memory_space<vmem>>
      %dma_wait3A_141 = arith.constant 0 : i32
      %dma_wait3A_142 = arith.constant 0 : i32
      %dma_wait3A_143 = tpu.memref_slice %arg10[%dma_wait3A_141, %dma_wait3A_142] : memref<10240x64xf32, #tpu.memory_space<vmem_shared>> -> memref<10240x64xf32, #tpu.memory_space<vmem_shared>>
      tpu.wait_indirect_dma semaphore(%arg11 : memref<!tpu.dma_semaphore, #tpu.memory_space<semaphore_mem>>) src(%dma_wait3A_143 : memref<10240x64xf32, #tpu.memory_space<vmem_shared>>) dst(%arg6 : memref<128x64xf32, #tpu.memory_space<vmem>>)
      %dma_start3A_144 = arith.constant 1 : i32
      %dma_start3A_145 = arith.constant 0 : i32
      %dma_start3A_146 = tpu.memref_slice %arg5[%add3A_136, %dma_start3A_144, %dma_start3A_145] : memref<79x2x128xi32, #tpu.memory_space<vmem>> -> memref<1x1x128xi32, #tpu.memory_space<vmem>>
      %dma_start3A_147 = tpu.memref_squeeze %dma_start3A_146 : memref<1x1x128xi32, #tpu.memory_space<vmem>> -> memref<128xi32, #tpu.memory_space<vmem>>
      %dma_start3A_148 = arith.constant 0 : i32
      %dma_start3A_149 = arith.constant 0 : i32
      %dma_start3A_150 = tpu.memref_slice %arg9[%dma_start3A_148, %dma_start3A_149] : memref<10240x64xf32, #tpu.memory_space<vmem_shared>> -> memref<10240x64xf32, #tpu.memory_space<vmem_shared>>
      tpu.enqueue_indirect_dma source(%arg6 : memref<128x64xf32, #tpu.memory_space<vmem>>) target(%dma_start3A_150 : memref<10240x64xf32, #tpu.memory_space<vmem_shared>>) offsets(%dma_start3A_147 : memref<128xi32, #tpu.memory_space<vmem>>) semaphore(%arg14 : memref<!tpu.dma_semaphore, #tpu.memory_space<semaphore_mem>>) {add = true}
      %add3A_151 = arith.constant 1 : i32
      %add3A_152 = arith.addi %mul3A_134, %add3A_151 : i32
      %dma_wait3A_153 = arith.constant 0 : i32
      %dma_wait3A_154 = arith.constant 0 : i32
      %dma_wait3A_155 = tpu.memref_slice %arg5[%add3A_152, %dma_wait3A_153, %dma_wait3A_154] : memref<79x2x128xi32, #tpu.memory_space<vmem>> -> memref<1x1x128xi32, #tpu.memory_space<vmem>>
      %dma_wait3A_156 = tpu.memref_squeeze %dma_wait3A_155 : memref<1x1x128xi32, #tpu.memory_space<vmem>> -> memref<128xi32, #tpu.memory_space<vmem>>
      %dma_wait3A_157 = arith.constant 0 : i32
      %dma_wait3A_158 = arith.constant 0 : i32
      %dma_wait3A_159 = tpu.memref_slice %arg10[%dma_wait3A_157, %dma_wait3A_158] : memref<10240x64xf32, #tpu.memory_space<vmem_shared>> -> memref<10240x64xf32, #tpu.memory_space<vmem_shared>>
      tpu.wait_indirect_dma semaphore(%arg12 : memref<!tpu.dma_semaphore, #tpu.memory_space<semaphore_mem>>) src(%dma_wait3A_159 : memref<10240x64xf32, #tpu.memory_space<vmem_shared>>) dst(%arg7 : memref<128x64xf32, #tpu.memory_space<vmem>>)
      %dma_start3A_160 = arith.constant 1 : i32
      %dma_start3A_161 = arith.constant 0 : i32
      %dma_start3A_162 = tpu.memref_slice %arg5[%add3A_152, %dma_start3A_160, %dma_start3A_161] : memref<79x2x128xi32, #tpu.memory_space<vmem>> -> memref<1x1x128xi32, #tpu.memory_space<vmem>>
      %dma_start3A_163 = tpu.memref_squeeze %dma_start3A_162 : memref<1x1x128xi32, #tpu.memory_space<vmem>> -> memref<128xi32, #tpu.memory_space<vmem>>
      %dma_start3A_164 = arith.constant 0 : i32
      %dma_start3A_165 = arith.constant 0 : i32
      %dma_start3A_166 = tpu.memref_slice %arg9[%dma_start3A_164, %dma_start3A_165] : memref<10240x64xf32, #tpu.memory_space<vmem_shared>> -> memref<10240x64xf32, #tpu.memory_space<vmem_shared>>
      tpu.enqueue_indirect_dma source(%arg7 : memref<128x64xf32, #tpu.memory_space<vmem>>) target(%dma_start3A_166 : memref<10240x64xf32, #tpu.memory_space<vmem_shared>>) offsets(%dma_start3A_163 : memref<128xi32, #tpu.memory_space<vmem>>) semaphore(%arg14 : memref<!tpu.dma_semaphore, #tpu.memory_space<semaphore_mem>>) {add = true}
      %add3A_167 = arith.constant 2 : i32
      %add3A_168 = arith.addi %mul3A_134, %add3A_167 : i32
      %dma_wait3A_169 = arith.constant 0 : i32
      %dma_wait3A_170 = arith.constant 0 : i32
      %dma_wait3A_171 = tpu.memref_slice %arg5[%add3A_168, %dma_wait3A_169, %dma_wait3A_170] : memref<79x2x128xi32, #tpu.memory_space<vmem>> -> memref<1x1x128xi32, #tpu.memory_space<vmem>>
      %dma_wait3A_172 = tpu.memref_squeeze %dma_wait3A_171 : memref<1x1x128xi32, #tpu.memory_space<vmem>> -> memref<128xi32, #tpu.memory_space<vmem>>
      %dma_wait3A_173 = arith.constant 0 : i32
      %dma_wait3A_174 = arith.constant 0 : i32
      %dma_wait3A_175 = tpu.memref_slice %arg10[%dma_wait3A_173, %dma_wait3A_174] : memref<10240x64xf32, #tpu.memory_space<vmem_shared>> -> memref<10240x64xf32, #tpu.memory_space<vmem_shared>>
      tpu.wait_indirect_dma semaphore(%arg13 : memref<!tpu.dma_semaphore, #tpu.memory_space<semaphore_mem>>) src(%dma_wait3A_175 : memref<10240x64xf32, #tpu.memory_space<vmem_shared>>) dst(%arg8 : memref<128x64xf32, #tpu.memory_space<vmem>>)
      %dma_start3A_176 = arith.constant 1 : i32
      %dma_start3A_177 = arith.constant 0 : i32
      %dma_start3A_178 = tpu.memref_slice %arg5[%add3A_168, %dma_start3A_176, %dma_start3A_177] : memref<79x2x128xi32, #tpu.memory_space<vmem>> -> memref<1x1x128xi32, #tpu.memory_space<vmem>>
      %dma_start3A_179 = tpu.memref_squeeze %dma_start3A_178 : memref<1x1x128xi32, #tpu.memory_space<vmem>> -> memref<128xi32, #tpu.memory_space<vmem>>
      %dma_start3A_180 = arith.constant 0 : i32
      %dma_start3A_181 = arith.constant 0 : i32
      %dma_start3A_182 = tpu.memref_slice %arg9[%dma_start3A_180, %dma_start3A_181] : memref<10240x64xf32, #tpu.memory_space<vmem_shared>> -> memref<10240x64xf32, #tpu.memory_space<vmem_shared>>
      tpu.enqueue_indirect_dma source(%arg8 : memref<128x64xf32, #tpu.memory_space<vmem>>) target(%dma_start3A_182 : memref<10240x64xf32, #tpu.memory_space<vmem_shared>>) offsets(%dma_start3A_179 : memref<128xi32, #tpu.memory_space<vmem>>) semaphore(%arg14 : memref<!tpu.dma_semaphore, #tpu.memory_space<semaphore_mem>>) {add = true}
      %lt3A_183 = arith.constant 25 : i32
      %lt3A_184 = arith.cmpi slt, %add3A_132, %lt3A_183 : i32
      %convert_element_type3A_185 = arith.extui %lt3A_184 : i1 to i32
      %cond3A_186 = arith.constant 0 : i32
      %cond3A_187 = arith.cmpi ne, %convert_element_type3A_185, %cond3A_186 : i32
      scf.if %cond3A_187 {
        %add3A_188 = arith.constant 0 : i32
        %add3A_189 = arith.addi %mul3A_134, %add3A_188 : i32
        %dma_wait3A_190 = arith.constant 1 : i32
        %dma_wait3A_191 = arith.constant 0 : i32
        %dma_wait3A_192 = tpu.memref_slice %arg5[%add3A_189, %dma_wait3A_190, %dma_wait3A_191] : memref<79x2x128xi32, #tpu.memory_space<vmem>> -> memref<1x1x128xi32, #tpu.memory_space<vmem>>
        %dma_wait3A_193 = tpu.memref_squeeze %dma_wait3A_192 : memref<1x1x128xi32, #tpu.memory_space<vmem>> -> memref<128xi32, #tpu.memory_space<vmem>>
        %dma_wait3A_194 = arith.constant 0 : i32
        %dma_wait3A_195 = arith.constant 0 : i32
        %dma_wait3A_196 = tpu.memref_slice %arg9[%dma_wait3A_194, %dma_wait3A_195] : memref<10240x64xf32, #tpu.memory_space<vmem_shared>> -> memref<10240x64xf32, #tpu.memory_space<vmem_shared>>
        tpu.wait_indirect_dma semaphore(%arg14 : memref<!tpu.dma_semaphore, #tpu.memory_space<semaphore_mem>>) src(%arg6 : memref<128x64xf32, #tpu.memory_space<vmem>>) dst(%dma_wait3A_196 : memref<10240x64xf32, #tpu.memory_space<vmem_shared>>)
        %add3A_197 = arith.constant 3 : i32
        %add3A_198 = arith.addi %add3A_189, %add3A_197 : i32
        %dma_start3A_199 = arith.constant 0 : i32
        %dma_start3A_200 = arith.constant 0 : i32
        %dma_start3A_201 = tpu.memref_slice %arg5[%add3A_198, %dma_start3A_199, %dma_start3A_200] : memref<79x2x128xi32, #tpu.memory_space<vmem>> -> memref<1x1x128xi32, #tpu.memory_space<vmem>>
        %dma_start3A_202 = tpu.memref_squeeze %dma_start3A_201 : memref<1x1x128xi32, #tpu.memory_space<vmem>> -> memref<128xi32, #tpu.memory_space<vmem>>
        %dma_start3A_203 = arith.constant 0 : i32
        %dma_start3A_204 = arith.constant 0 : i32
        %dma_start3A_205 = tpu.memref_slice %arg10[%dma_start3A_203, %dma_start3A_204] : memref<10240x64xf32, #tpu.memory_space<vmem_shared>> -> memref<10240x64xf32, #tpu.memory_space<vmem_shared>>
        tpu.enqueue_indirect_dma source(%dma_start3A_205 : memref<10240x64xf32, #tpu.memory_space<vmem_shared>>) target(%arg6 : memref<128x64xf32, #tpu.memory_space<vmem>>) offsets(%dma_start3A_202 : memref<128xi32, #tpu.memory_space<vmem>>) semaphore(%arg11 : memref<!tpu.dma_semaphore, #tpu.memory_space<semaphore_mem>>)
        %add3A_206 = arith.constant 1 : i32
        %add3A_207 = arith.addi %mul3A_134, %add3A_206 : i32
        %dma_wait3A_208 = arith.constant 1 : i32
        %dma_wait3A_209 = arith.constant 0 : i32
        %dma_wait3A_210 = tpu.memref_slice %arg5[%add3A_207, %dma_wait3A_208, %dma_wait3A_209] : memref<79x2x128xi32, #tpu.memory_space<vmem>> -> memref<1x1x128xi32, #tpu.memory_space<vmem>>
        %dma_wait3A_211 = tpu.memref_squeeze %dma_wait3A_210 : memref<1x1x128xi32, #tpu.memory_space<vmem>> -> memref<128xi32, #tpu.memory_space<vmem>>
        %dma_wait3A_212 = arith.constant 0 : i32
        %dma_wait3A_213 = arith.constant 0 : i32
        %dma_wait3A_214 = tpu.memref_slice %arg9[%dma_wait3A_212, %dma_wait3A_213] : memref<10240x64xf32, #tpu.memory_space<vmem_shared>> -> memref<10240x64xf32, #tpu.memory_space<vmem_shared>>
        tpu.wait_indirect_dma semaphore(%arg14 : memref<!tpu.dma_semaphore, #tpu.memory_space<semaphore_mem>>) src(%arg7 : memref<128x64xf32, #tpu.memory_space<vmem>>) dst(%dma_wait3A_214 : memref<10240x64xf32, #tpu.memory_space<vmem_shared>>)
        %add3A_215 = arith.constant 3 : i32
        %add3A_216 = arith.addi %add3A_207, %add3A_215 : i32
        %dma_start3A_217 = arith.constant 0 : i32
        %dma_start3A_218 = arith.constant 0 : i32
        %dma_start3A_219 = tpu.memref_slice %arg5[%add3A_216, %dma_start3A_217, %dma_start3A_218] : memref<79x2x128xi32, #tpu.memory_space<vmem>> -> memref<1x1x128xi32, #tpu.memory_space<vmem>>
        %dma_start3A_220 = tpu.memref_squeeze %dma_start3A_219 : memref<1x1x128xi32, #tpu.memory_space<vmem>> -> memref<128xi32, #tpu.memory_space<vmem>>
        %dma_start3A_221 = arith.constant 0 : i32
        %dma_start3A_222 = arith.constant 0 : i32
        %dma_start3A_223 = tpu.memref_slice %arg10[%dma_start3A_221, %dma_start3A_222] : memref<10240x64xf32, #tpu.memory_space<vmem_shared>> -> memref<10240x64xf32, #tpu.memory_space<vmem_shared>>
        tpu.enqueue_indirect_dma source(%dma_start3A_223 : memref<10240x64xf32, #tpu.memory_space<vmem_shared>>) target(%arg7 : memref<128x64xf32, #tpu.memory_space<vmem>>) offsets(%dma_start3A_220 : memref<128xi32, #tpu.memory_space<vmem>>) semaphore(%arg12 : memref<!tpu.dma_semaphore, #tpu.memory_space<semaphore_mem>>)
        %add3A_224 = arith.constant 2 : i32
        %add3A_225 = arith.addi %mul3A_134, %add3A_224 : i32
        %dma_wait3A_226 = arith.constant 1 : i32
        %dma_wait3A_227 = arith.constant 0 : i32
        %dma_wait3A_228 = tpu.memref_slice %arg5[%add3A_225, %dma_wait3A_226, %dma_wait3A_227] : memref<79x2x128xi32, #tpu.memory_space<vmem>> -> memref<1x1x128xi32, #tpu.memory_space<vmem>>
        %dma_wait3A_229 = tpu.memref_squeeze %dma_wait3A_228 : memref<1x1x128xi32, #tpu.memory_space<vmem>> -> memref<128xi32, #tpu.memory_space<vmem>>
        %dma_wait3A_230 = arith.constant 0 : i32
        %dma_wait3A_231 = arith.constant 0 : i32
        %dma_wait3A_232 = tpu.memref_slice %arg9[%dma_wait3A_230, %dma_wait3A_231] : memref<10240x64xf32, #tpu.memory_space<vmem_shared>> -> memref<10240x64xf32, #tpu.memory_space<vmem_shared>>
        tpu.wait_indirect_dma semaphore(%arg14 : memref<!tpu.dma_semaphore, #tpu.memory_space<semaphore_mem>>) src(%arg8 : memref<128x64xf32, #tpu.memory_space<vmem>>) dst(%dma_wait3A_232 : memref<10240x64xf32, #tpu.memory_space<vmem_shared>>)
        %add3A_233 = arith.constant 3 : i32
        %add3A_234 = arith.addi %add3A_225, %add3A_233 : i32
        %dma_start3A_235 = arith.constant 0 : i32
        %dma_start3A_236 = arith.constant 0 : i32
        %dma_start3A_237 = tpu.memref_slice %arg5[%add3A_234, %dma_start3A_235, %dma_start3A_236] : memref<79x2x128xi32, #tpu.memory_space<vmem>> -> memref<1x1x128xi32, #tpu.memory_space<vmem>>
        %dma_start3A_238 = tpu.memref_squeeze %dma_start3A_237 : memref<1x1x128xi32, #tpu.memory_space<vmem>> -> memref<128xi32, #tpu.memory_space<vmem>>
        %dma_start3A_239 = arith.constant 0 : i32
        %dma_start3A_240 = arith.constant 0 : i32
        %dma_start3A_241 = tpu.memref_slice %arg10[%dma_start3A_239, %dma_start3A_240] : memref<10240x64xf32, #tpu.memory_space<vmem_shared>> -> memref<10240x64xf32, #tpu.memory_space<vmem_shared>>
        tpu.enqueue_indirect_dma source(%dma_start3A_241 : memref<10240x64xf32, #tpu.memory_space<vmem_shared>>) target(%arg8 : memref<128x64xf32, #tpu.memory_space<vmem>>) offsets(%dma_start3A_238 : memref<128xi32, #tpu.memory_space<vmem>>) semaphore(%arg13 : memref<!tpu.dma_semaphore, #tpu.memory_space<semaphore_mem>>)
      } else {
      }
    }
    %scan3A_91 = arith.constant 26 : i32
    %dma_wait3A_92 = arith.constant 75 : i32
    %dma_wait3A_93 = arith.constant 1 : i32
    %dma_wait3A_94 = arith.constant 0 : i32
    %dma_wait3A_95 = tpu.memref_slice %arg5[%dma_wait3A_92, %dma_wait3A_93, %dma_wait3A_94] : memref<79x2x128xi32, #tpu.memory_space<vmem>> -> memref<1x1x128xi32, #tpu.memory_space<vmem>>
    %dma_wait3A_96 = tpu.memref_squeeze %dma_wait3A_95 : memref<1x1x128xi32, #tpu.memory_space<vmem>> -> memref<128xi32, #tpu.memory_space<vmem>>
    %dma_wait3A_97 = arith.constant 0 : i32
    %dma_wait3A_98 = arith.constant 0 : i32
    %dma_wait3A_99 = tpu.memref_slice %arg9[%dma_wait3A_97, %dma_wait3A_98] : memref<10240x64xf32, #tpu.memory_space<vmem_shared>> -> memref<10240x64xf32, #tpu.memory_space<vmem_shared>>
    tpu.wait_indirect_dma semaphore(%arg14 : memref<!tpu.dma_semaphore, #tpu.memory_space<semaphore_mem>>) src(%arg6 : memref<128x64xf32, #tpu.memory_space<vmem>>) dst(%dma_wait3A_99 : memref<10240x64xf32, #tpu.memory_space<vmem_shared>>)
    %dma_wait3A_100 = arith.constant 76 : i32
    %dma_wait3A_101 = arith.constant 1 : i32
    %dma_wait3A_102 = arith.constant 0 : i32
    %dma_wait3A_103 = tpu.memref_slice %arg5[%dma_wait3A_100, %dma_wait3A_101, %dma_wait3A_102] : memref<79x2x128xi32, #tpu.memory_space<vmem>> -> memref<1x1x128xi32, #tpu.memory_space<vmem>>
    %dma_wait3A_104 = tpu.memref_squeeze %dma_wait3A_103 : memref<1x1x128xi32, #tpu.memory_space<vmem>> -> memref<128xi32, #tpu.memory_space<vmem>>
    %dma_wait3A_105 = arith.constant 0 : i32
    %dma_wait3A_106 = arith.constant 0 : i32
    %dma_wait3A_107 = tpu.memref_slice %arg9[%dma_wait3A_105, %dma_wait3A_106] : memref<10240x64xf32, #tpu.memory_space<vmem_shared>> -> memref<10240x64xf32, #tpu.memory_space<vmem_shared>>
    tpu.wait_indirect_dma semaphore(%arg14 : memref<!tpu.dma_semaphore, #tpu.memory_space<semaphore_mem>>) src(%arg7 : memref<128x64xf32, #tpu.memory_space<vmem>>) dst(%dma_wait3A_107 : memref<10240x64xf32, #tpu.memory_space<vmem_shared>>)
    %dma_wait3A_108 = arith.constant 77 : i32
    %dma_wait3A_109 = arith.constant 1 : i32
    %dma_wait3A_110 = arith.constant 0 : i32
    %dma_wait3A_111 = tpu.memref_slice %arg5[%dma_wait3A_108, %dma_wait3A_109, %dma_wait3A_110] : memref<79x2x128xi32, #tpu.memory_space<vmem>> -> memref<1x1x128xi32, #tpu.memory_space<vmem>>
    %dma_wait3A_112 = tpu.memref_squeeze %dma_wait3A_111 : memref<1x1x128xi32, #tpu.memory_space<vmem>> -> memref<128xi32, #tpu.memory_space<vmem>>
    %dma_wait3A_113 = arith.constant 0 : i32
    %dma_wait3A_114 = arith.constant 0 : i32
    %dma_wait3A_115 = tpu.memref_slice %arg9[%dma_wait3A_113, %dma_wait3A_114] : memref<10240x64xf32, #tpu.memory_space<vmem_shared>> -> memref<10240x64xf32, #tpu.memory_space<vmem_shared>>
    tpu.wait_indirect_dma semaphore(%arg14 : memref<!tpu.dma_semaphore, #tpu.memory_space<semaphore_mem>>) src(%arg8 : memref<128x64xf32, #tpu.memory_space<vmem>>) dst(%dma_wait3A_115 : memref<10240x64xf32, #tpu.memory_space<vmem_shared>>)
    %lt3A_116 = arith.constant 4 : i32
    %lt3A_117 = arith.cmpi slt, %add3A, %lt3A_116 : i32
    %convert_element_type3A_118 = arith.extui %lt3A_117 : i1 to i32
    %cond3A_119 = arith.constant 0 : i32
    %cond3A_120 = arith.cmpi ne, %convert_element_type3A_118, %cond3A_119 : i32
    scf.if %cond3A_120 {
      %run_scoped3A = arith.constant 78 : i32
      %run_scoped3A_128 = arith.constant 0 : i32
      "tpu.region"() ({
        %run_scoped3A_131 = tpu.sem_alloc : memref<!tpu.dma_semaphore, #tpu.memory_space<semaphore_mem>>
        %dma_start3A_132 = arith.constant 0 : i32
        %dma_start3A_133 = tpu.memref_slice %arg5[%run_scoped3A, %run_scoped3A_128, %dma_start3A_132] : memref<79x2x128xi32, #tpu.memory_space<vmem>> -> memref<1x1x128xi32, #tpu.memory_space<vmem>>
        %dma_start3A_134 = tpu.memref_squeeze %dma_start3A_133 : memref<1x1x128xi32, #tpu.memory_space<vmem>> -> memref<128xi32, #tpu.memory_space<vmem>>
        %dma_start3A_135 = arith.constant 0 : i32
        %dma_start3A_136 = arith.constant 0 : i32
        %dma_start3A_137 = tpu.memref_slice %arg10[%dma_start3A_135, %dma_start3A_136] : memref<10240x64xf32, #tpu.memory_space<vmem_shared>> -> memref<10240x64xf32, #tpu.memory_space<vmem_shared>>
        tpu.enqueue_indirect_dma source(%dma_start3A_137 : memref<10240x64xf32, #tpu.memory_space<vmem_shared>>) target(%arg6 : memref<128x64xf32, #tpu.memory_space<vmem>>) offsets(%dma_start3A_134 : memref<128xi32, #tpu.memory_space<vmem>>) semaphore(%run_scoped3A_131 : memref<!tpu.dma_semaphore, #tpu.memory_space<semaphore_mem>>)
        %dma_wait3A_138 = arith.constant 0 : i32
        %dma_wait3A_139 = tpu.memref_slice %arg5[%run_scoped3A, %run_scoped3A_128, %dma_wait3A_138] : memref<79x2x128xi32, #tpu.memory_space<vmem>> -> memref<1x1x128xi32, #tpu.memory_space<vmem>>
        %dma_wait3A_140 = tpu.memref_squeeze %dma_wait3A_139 : memref<1x1x128xi32, #tpu.memory_space<vmem>> -> memref<128xi32, #tpu.memory_space<vmem>>
        %dma_wait3A_141 = arith.constant 0 : i32
        %dma_wait3A_142 = arith.constant 0 : i32
        %dma_wait3A_143 = tpu.memref_slice %arg10[%dma_wait3A_141, %dma_wait3A_142] : memref<10240x64xf32, #tpu.memory_space<vmem_shared>> -> memref<10240x64xf32, #tpu.memory_space<vmem_shared>>
        tpu.wait_indirect_dma semaphore(%run_scoped3A_131 : memref<!tpu.dma_semaphore, #tpu.memory_space<semaphore_mem>>) src(%dma_wait3A_143 : memref<10240x64xf32, #tpu.memory_space<vmem_shared>>) dst(%arg6 : memref<128x64xf32, #tpu.memory_space<vmem>>)
        tpu.yield
      }) : () -> ()
      %run_scoped3A_129 = arith.constant 78 : i32
      %run_scoped3A_130 = arith.constant 1 : i32
      "tpu.region"() ({
        %run_scoped3A_131 = tpu.sem_alloc : memref<!tpu.dma_semaphore, #tpu.memory_space<semaphore_mem>>
        %dma_start3A_132 = arith.constant 0 : i32
        %dma_start3A_133 = tpu.memref_slice %arg5[%run_scoped3A_129, %run_scoped3A_130, %dma_start3A_132] : memref<79x2x128xi32, #tpu.memory_space<vmem>> -> memref<1x1x128xi32, #tpu.memory_space<vmem>>
        %dma_start3A_134 = tpu.memref_squeeze %dma_start3A_133 : memref<1x1x128xi32, #tpu.memory_space<vmem>> -> memref<128xi32, #tpu.memory_space<vmem>>
        %dma_start3A_135 = arith.constant 0 : i32
        %dma_start3A_136 = arith.constant 0 : i32
        %dma_start3A_137 = tpu.memref_slice %arg9[%dma_start3A_135, %dma_start3A_136] : memref<10240x64xf32, #tpu.memory_space<vmem_shared>> -> memref<10240x64xf32, #tpu.memory_space<vmem_shared>>
        tpu.enqueue_indirect_dma source(%arg6 : memref<128x64xf32, #tpu.memory_space<vmem>>) target(%dma_start3A_137 : memref<10240x64xf32, #tpu.memory_space<vmem_shared>>) offsets(%dma_start3A_134 : memref<128xi32, #tpu.memory_space<vmem>>) semaphore(%run_scoped3A_131 : memref<!tpu.dma_semaphore, #tpu.memory_space<semaphore_mem>>) {add = true}
        %dma_wait3A_138 = arith.constant 0 : i32
        %dma_wait3A_139 = tpu.memref_slice %arg5[%run_scoped3A_129, %run_scoped3A_130, %dma_wait3A_138] : memref<79x2x128xi32, #tpu.memory_space<vmem>> -> memref<1x1x128xi32, #tpu.memory_space<vmem>>
        %dma_wait3A_140 = tpu.memref_squeeze %dma_wait3A_139 : memref<1x1x128xi32, #tpu.memory_space<vmem>> -> memref<128xi32, #tpu.memory_space<vmem>>
        %dma_wait3A_141 = arith.constant 0 : i32
        %dma_wait3A_142 = arith.constant 0 : i32
        %dma_wait3A_143 = tpu.memref_slice %arg9[%dma_wait3A_141, %dma_wait3A_142] : memref<10240x64xf32, #tpu.memory_space<vmem_shared>> -> memref<10240x64xf32, #tpu.memory_space<vmem_shared>>
        tpu.wait_indirect_dma semaphore(%run_scoped3A_131 : memref<!tpu.dma_semaphore, #tpu.memory_space<semaphore_mem>>) src(%arg6 : memref<128x64xf32, #tpu.memory_space<vmem>>) dst(%dma_wait3A_143 : memref<10240x64xf32, #tpu.memory_space<vmem_shared>>)
        tpu.yield
      }) : () -> ()
    } else {
    }
    %barrier3A_121 = arith.constant 0 : index
    tpu.barrier barrier_id(%barrier3A_121)
    %mul3A_122 = arith.constant 640 : i32
    %mul3A_123 = arith.muli %arg1, %mul3A_122 : i32
    %mul3A_124 = arith.constant 640 : i32
    %mul3A_125 = arith.muli %arg1, %mul3A_124 : i32
    %mul3A_126 = arith.constant 64 : i32
    %mul3A_127 = arith.muli %arg0, %mul3A_126 : i32
    "tpu.region"() ({
      %run_scoped3A = tpu.sem_alloc : memref<!tpu.dma_semaphore, #tpu.memory_space<semaphore_mem>>
      %dma_start3A_128 = tpu.memref_slice %arg4[%mul3A_125, %mul3A_127] : memref<10240x128xf32, #tpu.memory_space<hbm>> -> memref<640x64xf32, #tpu.memory_space<hbm>>
      %dma_start3A_129 = arith.constant 0 : i32
      %dma_start3A_130 = tpu.memref_slice %arg9[%mul3A_123, %dma_start3A_129] : memref<10240x64xf32, #tpu.memory_space<vmem_shared>> -> memref<640x64xf32, #tpu.memory_space<vmem_shared>>
      tpu.enqueue_dma source(%dma_start3A_130 : memref<640x64xf32, #tpu.memory_space<vmem_shared>>) target(%dma_start3A_128 : memref<640x64xf32, #tpu.memory_space<hbm>>) target_semaphore(%run_scoped3A : memref<!tpu.dma_semaphore, #tpu.memory_space<semaphore_mem>>)
      %dma_wait3A_131 = tpu.memref_slice %arg4[%mul3A_125, %mul3A_127] : memref<10240x128xf32, #tpu.memory_space<hbm>> -> memref<640x64xf32, #tpu.memory_space<hbm>>
      %dma_wait3A_132 = arith.constant 0 : i32
      %dma_wait3A_133 = tpu.memref_slice %arg9[%mul3A_123, %dma_wait3A_132] : memref<10240x64xf32, #tpu.memory_space<vmem_shared>> -> memref<640x64xf32, #tpu.memory_space<vmem_shared>>
      tpu.wait_dma2 semaphore(%run_scoped3A : memref<!tpu.dma_semaphore, #tpu.memory_space<semaphore_mem>>) src(%dma_wait3A_133 : memref<640x64xf32, #tpu.memory_space<vmem_shared>>) dst(%dma_wait3A_131 : memref<640x64xf32, #tpu.memory_space<hbm>>)
      tpu.yield
    }) : () -> ()
    return
  }
}

#map = affine_map<(d0, d1) -> (0, 0)>
#map1 = affine_map<(d0, d1) -> (0, 0, 0)>
module attributes {stable_mosaic.version = 14 : i64} {
  func.func @agg_kernel(%arg0: i32, %arg1: i32, %arg2: memref<10240x128xf32, #tpu.memory_space<hbm>>, %arg3: memref<2500x2x128xi32, #tpu.memory_space<hbm>>, %arg4: memref<10240x128xf32, #tpu.memory_space<hbm>>, %arg5: memref<79x2x128xi32, #tpu.memory_space<vmem>>, %arg6: memref<128x64xf32, #tpu.memory_space<vmem>>, %arg7: memref<128x64xf32, #tpu.memory_space<vmem>>, %arg8: memref<128x64xf32, #tpu.memory_space<vmem>>, %arg9: memref<10240x64xf32, #tpu.memory_space<vmem_shared>>, %arg10: memref<10240x64xf32, #tpu.memory_space<vmem_shared>>, %arg11: memref<!tpu.dma_semaphore, #tpu.memory_space<semaphore_mem>>, %arg12: memref<!tpu.dma_semaphore, #tpu.memory_space<semaphore_mem>>, %arg13: memref<!tpu.dma_semaphore, #tpu.memory_space<semaphore_mem>>, %arg14: memref<!tpu.dma_semaphore, #tpu.memory_space<semaphore_mem>>) attributes {dimension_semantics = [#tpu.dimension_semantics<core_parallel>, #tpu.dimension_semantics<subcore_parallel>], iteration_bounds = array<i64: 2, 16>, scalar_prefetch = 0 : i64, scratch_operands = 10 : i64, tpu.core_type = #tpu.core_type<sc_vector_subcore>, window_params = [{transform_indices = #map}, {transform_indices = #map1}, {transform_indices = #map}]} {
    %mul3A = arith.constant 2 : i32
    %mul3A_0 = arith.muli %arg1, %mul3A : i32
    %add3A = arith.addi %mul3A_0, %arg0 : i32
    %mul3A_1 = arith.constant 78 : i32
    %mul3A_2 = arith.muli %add3A, %mul3A_1 : i32
    %dma_start3A = arith.constant 0 : i32
    %dma_start3A_3 = arith.constant 0 : i32
    %dma_start3A_4 = arith.constant 0 : i32
    %dma_start3A_5 = tpu.memref_slice %arg5[%dma_start3A, %dma_start3A_3, %dma_start3A_4] : memref<79x2x128xi32, #tpu.memory_space<vmem>> -> memref<78x2x128xi32, #tpu.memory_space<vmem>>
    %dma_start3A_6 = arith.constant 0 : i32
    %dma_start3A_7 = arith.constant 0 : i32
    %dma_start3A_8 = tpu.memref_slice %arg3[%mul3A_2, %dma_start3A_6, %dma_start3A_7] : memref<2500x2x128xi32, #tpu.memory_space<hbm>> -> memref<78x2x128xi32, #tpu.memory_space<hbm>>
    %dma_start3A_9 = arith.constant 0 : i32
    %dma_start3A_10 = arith.constant 0 : i32
    %dma_start3A_11 = arith.constant 0 : i32
    %dma_start3A_12 = tpu.memref_slice %arg5[%dma_start3A_9, %dma_start3A_10, %dma_start3A_11] : memref<79x2x128xi32, #tpu.memory_space<vmem>> -> memref<78x2x128xi32, #tpu.memory_space<vmem>>
    %dma_start3A_13 = arith.constant 0 : i32
    %dma_start3A_14 = arith.constant 0 : i32
    %dma_start3A_15 = tpu.memref_slice %arg3[%mul3A_2, %dma_start3A_13, %dma_start3A_14] : memref<2500x2x128xi32, #tpu.memory_space<hbm>> -> memref<78x2x128xi32, #tpu.memory_space<hbm>>
    tpu.enqueue_dma source(%dma_start3A_15 : memref<78x2x128xi32, #tpu.memory_space<hbm>>) target(%dma_start3A_12 : memref<78x2x128xi32, #tpu.memory_space<vmem>>) target_semaphore(%arg11 : memref<!tpu.dma_semaphore, #tpu.memory_space<semaphore_mem>>)
    %mul3A_16 = arith.constant 640 : i32
    %mul3A_17 = arith.muli %arg1, %mul3A_16 : i32
    %mul3A_18 = arith.constant 640 : i32
    %mul3A_19 = arith.muli %arg1, %mul3A_18 : i32
    %dma_start3A_20 = arith.constant 0 : i32
    %dma_start3A_21 = tpu.memref_slice %arg10[%mul3A_19, %dma_start3A_20] : memref<10240x64xf32, #tpu.memory_space<vmem_shared>> -> memref<640x64xf32, #tpu.memory_space<vmem_shared>>
    %dma_start3A_22 = arith.constant 0 : i32
    %dma_start3A_23 = tpu.memref_slice %arg2[%mul3A_17, %dma_start3A_22] : memref<10240x128xf32, #tpu.memory_space<hbm>> -> memref<640x64xf32, #tpu.memory_space<hbm>>
    tpu.enqueue_dma source(%dma_start3A_23 : memref<640x64xf32, #tpu.memory_space<hbm>>) target(%dma_start3A_21 : memref<640x64xf32, #tpu.memory_space<vmem_shared>>) target_semaphore(%arg12 : memref<!tpu.dma_semaphore, #tpu.memory_space<semaphore_mem>>)
    %scan3A = arith.constant 0 : i32
    %scan3A_24 = arith.constant 128 : i32
    %scan3A_25 = arith.addi %scan3A, %scan3A_24 : i32
    %scan3A_26 = arith.constant 1 : i32
    scf.for %scan3A_128 = %scan3A to %scan3A_25 step %scan3A_26  : i32 {
      %mul3A_129 = arith.constant 1 : i32
      %mul3A_130 = arith.muli %scan3A_128, %mul3A_129 : i32
      %add3A_131 = arith.constant 0 : i32
      %add3A_132 = arith.addi %add3A_131, %mul3A_130 : i32
      %scan3A_133 = arith.constant 0 : i32
      %scan3A_134 = arith.constant 4 : i32
      %scan3A_135 = arith.addi %scan3A_133, %scan3A_134 : i32
      %scan3A_136 = arith.constant 1 : i32
      scf.for %scan3A_138 = %scan3A_133 to %scan3A_135 step %scan3A_136  : i32 {
        %mul3A_139 = arith.constant 16 : i32
        %mul3A_140 = arith.muli %scan3A_138, %mul3A_139 : i32
        %add3A_141 = arith.constant 0 : i32
        %add3A_142 = arith.addi %add3A_141, %mul3A_140 : i32
        %broadcast_in_dim3A = arith.constant 0.000000e+00 : f32
        %broadcast_in_dim3A_143 = vector.broadcast %broadcast_in_dim3A : f32 to vector<16xf32>
        %swap3A = arith.index_cast %add3A_132 : i32 to index
        %swap3A_144 = arith.index_cast %add3A_142 : i32 to index
        %swap3A_145 = tpu.vector_load %arg6[%swap3A, %swap3A_144] {strides = array<i32>} : memref<128x64xf32, #tpu.memory_space<vmem>>, vector<1x16xf32>,
        %swap3A_146 = vector.shape_cast %swap3A_145 : vector<1x16xf32> to vector<16xf32>
        %swap3A_147 = vector.shape_cast %broadcast_in_dim3A_143 : vector<16xf32> to vector<1x16xf32>
        tpu.vector_store %arg6[%swap3A, %swap3A_144], %swap3A_147 {strides = array<i32>} : memref<128x64xf32, #tpu.memory_space<vmem>>, vector<1x16xf32>,
      }
      %scan3A_137 = arith.constant 4 : i32
    }
    %scan3A_27 = arith.constant 128 : i32
    %scan3A_28 = arith.constant 0 : i32
    %scan3A_29 = arith.constant 5 : i32
    %scan3A_30 = arith.addi %scan3A_28, %scan3A_29 : i32
    %scan3A_31 = arith.constant 1 : i32
    scf.for %scan3A_128 = %scan3A_28 to %scan3A_30 step %scan3A_31  : i32 {
      %mul3A_129 = arith.constant 1 : i32
      %mul3A_130 = arith.muli %scan3A_128, %mul3A_129 : i32
      %add3A_131 = arith.constant 0 : i32
      %add3A_132 = arith.addi %add3A_131, %mul3A_130 : i32
      %mul3A_133 = arith.constant 640 : i32
      %mul3A_134 = arith.muli %arg1, %mul3A_133 : i32
      %mul3A_135 = arith.constant 128 : i32
      %mul3A_136 = arith.muli %add3A_132, %mul3A_135 : i32
      %add3A_137 = arith.addi %mul3A_134, %mul3A_136 : i32
      %dma_start3A_138 = arith.constant 0 : i32
      %dma_start3A_139 = tpu.memref_slice %arg9[%add3A_137, %dma_start3A_138] : memref<10240x64xf32, #tpu.memory_space<vmem_shared>> -> memref<128x64xf32, #tpu.memory_space<vmem_shared>>
      %dma_start3A_140 = arith.constant 0 : i32
      %dma_start3A_141 = tpu.memref_slice %arg9[%add3A_137, %dma_start3A_140] : memref<10240x64xf32, #tpu.memory_space<vmem_shared>> -> memref<128x64xf32, #tpu.memory_space<vmem_shared>>
      tpu.enqueue_dma source(%arg6 : memref<128x64xf32, #tpu.memory_space<vmem>>) target(%dma_start3A_141 : memref<128x64xf32, #tpu.memory_space<vmem_shared>>) target_semaphore(%arg14 : memref<!tpu.dma_semaphore, #tpu.memory_space<semaphore_mem>>)
    }
    %scan3A_32 = arith.constant 5 : i32
    %scan3A_33 = arith.constant 0 : i32
    %scan3A_34 = arith.constant 5 : i32
    %scan3A_35 = arith.addi %scan3A_33, %scan3A_34 : i32
    %scan3A_36 = arith.constant 1 : i32
    scf.for %scan3A_128 = %scan3A_33 to %scan3A_35 step %scan3A_36  : i32 {
      %mul3A_129 = arith.constant 1 : i32
      %mul3A_130 = arith.muli %scan3A_128, %mul3A_129 : i32
      %add3A_131 = arith.constant 0 : i32
      %add3A_132 = arith.addi %add3A_131, %mul3A_130 : i32
      %mul3A_133 = arith.constant 640 : i32
      %mul3A_134 = arith.muli %arg1, %mul3A_133 : i32
      %mul3A_135 = arith.constant 128 : i32
      %mul3A_136 = arith.muli %add3A_132, %mul3A_135 : i32
      %add3A_137 = arith.addi %mul3A_134, %mul3A_136 : i32
      %dma_wait3A_138 = arith.constant 0 : i32
      %dma_wait3A_139 = tpu.memref_slice %arg9[%add3A_137, %dma_wait3A_138] : memref<10240x64xf32, #tpu.memory_space<vmem_shared>> -> memref<128x64xf32, #tpu.memory_space<vmem_shared>>
      %dma_wait3A_140 = arith.constant 0 : i32
      %dma_wait3A_141 = tpu.memref_slice %arg9[%add3A_137, %dma_wait3A_140] : memref<10240x64xf32, #tpu.memory_space<vmem_shared>> -> memref<128x64xf32, #tpu.memory_space<vmem_shared>>
      tpu.wait_dma2 semaphore(%arg14 : memref<!tpu.dma_semaphore, #tpu.memory_space<semaphore_mem>>) src(%arg6 : memref<128x64xf32, #tpu.memory_space<vmem>>) dst(%dma_wait3A_141 : memref<128x64xf32, #tpu.memory_space<vmem_shared>>)
    }
    %scan3A_37 = arith.constant 5 : i32
    %mul3A_38 = arith.constant 78 : i32
    %mul3A_39 = arith.muli %add3A, %mul3A_38 : i32
    %dma_wait3A = arith.constant 0 : i32
    %dma_wait3A_40 = arith.constant 0 : i32
    %dma_wait3A_41 = arith.constant 0 : i32
    %dma_wait3A_42 = tpu.memref_slice %arg5[%dma_wait3A, %dma_wait3A_40, %dma_wait3A_41] : memref<79x2x128xi32, #tpu.memory_space<vmem>> -> memref<78x2x128xi32, #tpu.memory_space<vmem>>
    %dma_wait3A_43 = arith.constant 0 : i32
    %dma_wait3A_44 = arith.constant 0 : i32
    %dma_wait3A_45 = tpu.memref_slice %arg3[%mul3A_39, %dma_wait3A_43, %dma_wait3A_44] : memref<2500x2x128xi32, #tpu.memory_space<hbm>> -> memref<78x2x128xi32, #tpu.memory_space<hbm>>
    %dma_wait3A_46 = arith.constant 0 : i32
    %dma_wait3A_47 = arith.constant 0 : i32
    %dma_wait3A_48 = arith.constant 0 : i32
    %dma_wait3A_49 = tpu.memref_slice %arg5[%dma_wait3A_46, %dma_wait3A_47, %dma_wait3A_48] : memref<79x2x128xi32, #tpu.memory_space<vmem>> -> memref<78x2x128xi32, #tpu.memory_space<vmem>>
    %dma_wait3A_50 = arith.constant 0 : i32
    %dma_wait3A_51 = arith.constant 0 : i32
    %dma_wait3A_52 = tpu.memref_slice %arg3[%mul3A_39, %dma_wait3A_50, %dma_wait3A_51] : memref<2500x2x128xi32, #tpu.memory_space<hbm>> -> memref<78x2x128xi32, #tpu.memory_space<hbm>>
    tpu.wait_dma2 semaphore(%arg11 : memref<!tpu.dma_semaphore, #tpu.memory_space<semaphore_mem>>) src(%dma_wait3A_52 : memref<78x2x128xi32, #tpu.memory_space<hbm>>) dst(%dma_wait3A_49 : memref<78x2x128xi32, #tpu.memory_space<vmem>>)
    %lt3A = arith.constant 4 : i32
    %lt3A_53 = arith.cmpi slt, %add3A, %lt3A : i32
    %convert_element_type3A = arith.extui %lt3A_53 : i1 to i32
    %cond3A = arith.constant 0 : i32
    %cond3A_54 = arith.cmpi ne, %convert_element_type3A, %cond3A : i32
    scf.if %cond3A_54 {
      %add3A_128 = arith.constant 2496 : i32
      %add3A_129 = arith.addi %add3A_128, %add3A : i32
      "tpu.region"() ({
        %run_scoped3A = tpu.sem_alloc : memref<!tpu.dma_semaphore, #tpu.memory_space<semaphore_mem>>
        %dma_start3A_130 = arith.constant 78 : i32
        %dma_start3A_131 = arith.constant 0 : i32
        %dma_start3A_132 = arith.constant 0 : i32
        %dma_start3A_133 = tpu.memref_slice %arg5[%dma_start3A_130, %dma_start3A_131, %dma_start3A_132] : memref<79x2x128xi32, #tpu.memory_space<vmem>> -> memref<1x2x128xi32, #tpu.memory_space<vmem>>
        %dma_start3A_134 = arith.constant 0 : i32
        %dma_start3A_135 = arith.constant 0 : i32
        %dma_start3A_136 = tpu.memref_slice %arg3[%add3A_129, %dma_start3A_134, %dma_start3A_135] : memref<2500x2x128xi32, #tpu.memory_space<hbm>> -> memref<1x2x128xi32, #tpu.memory_space<hbm>>
        %dma_start3A_137 = arith.constant 78 : i32
        %dma_start3A_138 = arith.constant 0 : i32
        %dma_start3A_139 = arith.constant 0 : i32
        %dma_start3A_140 = tpu.memref_slice %arg5[%dma_start3A_137, %dma_start3A_138, %dma_start3A_139] : memref<79x2x128xi32, #tpu.memory_space<vmem>> -> memref<1x2x128xi32, #tpu.memory_space<vmem>>
        %dma_start3A_141 = arith.constant 0 : i32
        %dma_start3A_142 = arith.constant 0 : i32
        %dma_start3A_143 = tpu.memref_slice %arg3[%add3A_129, %dma_start3A_141, %dma_start3A_142] : memref<2500x2x128xi32, #tpu.memory_space<hbm>> -> memref<1x2x128xi32, #tpu.memory_space<hbm>>
        tpu.enqueue_dma source(%dma_start3A_143 : memref<1x2x128xi32, #tpu.memory_space<hbm>>) target(%dma_start3A_140 : memref<1x2x128xi32, #tpu.memory_space<vmem>>) target_semaphore(%run_scoped3A : memref<!tpu.dma_semaphore, #tpu.memory_space<semaphore_mem>>)
        %dma_wait3A_144 = arith.constant 78 : i32
        %dma_wait3A_145 = arith.constant 0 : i32
        %dma_wait3A_146 = arith.constant 0 : i32
        %dma_wait3A_147 = tpu.memref_slice %arg5[%dma_wait3A_144, %dma_wait3A_145, %dma_wait3A_146] : memref<79x2x128xi32, #tpu.memory_space<vmem>> -> memref<1x2x128xi32, #tpu.memory_space<vmem>>
        %dma_wait3A_148 = arith.constant 0 : i32
        %dma_wait3A_149 = arith.constant 0 : i32
        %dma_wait3A_150 = tpu.memref_slice %arg3[%add3A_129, %dma_wait3A_148, %dma_wait3A_149] : memref<2500x2x128xi32, #tpu.memory_space<hbm>> -> memref<1x2x128xi32, #tpu.memory_space<hbm>>
        %dma_wait3A_151 = arith.constant 78 : i32
        %dma_wait3A_152 = arith.constant 0 : i32
        %dma_wait3A_153 = arith.constant 0 : i32
        %dma_wait3A_154 = tpu.memref_slice %arg5[%dma_wait3A_151, %dma_wait3A_152, %dma_wait3A_153] : memref<79x2x128xi32, #tpu.memory_space<vmem>> -> memref<1x2x128xi32, #tpu.memory_space<vmem>>
        %dma_wait3A_155 = arith.constant 0 : i32
        %dma_wait3A_156 = arith.constant 0 : i32
        %dma_wait3A_157 = tpu.memref_slice %arg3[%add3A_129, %dma_wait3A_155, %dma_wait3A_156] : memref<2500x2x128xi32, #tpu.memory_space<hbm>> -> memref<1x2x128xi32, #tpu.memory_space<hbm>>
        tpu.wait_dma2 semaphore(%run_scoped3A : memref<!tpu.dma_semaphore, #tpu.memory_space<semaphore_mem>>) src(%dma_wait3A_157 : memref<1x2x128xi32, #tpu.memory_space<hbm>>) dst(%dma_wait3A_154 : memref<1x2x128xi32, #tpu.memory_space<vmem>>)
        tpu.yield
      }) : () -> ()
    } else {
    }
    %mul3A_55 = arith.constant 640 : i32
    %mul3A_56 = arith.muli %arg1, %mul3A_55 : i32
    %mul3A_57 = arith.constant 640 : i32
    %mul3A_58 = arith.muli %arg1, %mul3A_57 : i32
    %dma_wait3A_59 = arith.constant 0 : i32
    %dma_wait3A_60 = tpu.memref_slice %arg10[%mul3A_58, %dma_wait3A_59] : memref<10240x64xf32, #tpu.memory_space<vmem_shared>> -> memref<640x64xf32, #tpu.memory_space<vmem_shared>>
    %dma_wait3A_61 = arith.constant 0 : i32
    %dma_wait3A_62 = tpu.memref_slice %arg2[%mul3A_56, %dma_wait3A_61] : memref<10240x128xf32, #tpu.memory_space<hbm>> -> memref<640x64xf32, #tpu.memory_space<hbm>>
    tpu.wait_dma2 semaphore(%arg12 : memref<!tpu.dma_semaphore, #tpu.memory_space<semaphore_mem>>) src(%dma_wait3A_62 : memref<640x64xf32, #tpu.memory_space<hbm>>) dst(%dma_wait3A_60 : memref<640x64xf32, #tpu.memory_space<vmem_shared>>)
    %barrier3A = arith.constant 0 : index
    tpu.barrier barrier_id(%barrier3A)
    %dma_start3A_63 = arith.constant 0 : i32
    %dma_start3A_64 = arith.constant 0 : i32
    %dma_start3A_65 = arith.constant 0 : i32
    %dma_start3A_66 = tpu.memref_slice %arg5[%dma_start3A_63, %dma_start3A_64, %dma_start3A_65] : memref<79x2x128xi32, #tpu.memory_space<vmem>> -> memref<1x1x128xi32, #tpu.memory_space<vmem>>
    %dma_start3A_67 = tpu.memref_squeeze %dma_start3A_66 : memref<1x1x128xi32, #tpu.memory_space<vmem>> -> memref<128xi32, #tpu.memory_space<vmem>>
    %dma_start3A_68 = arith.constant 0 : i32
    %dma_start3A_69 = arith.constant 0 : i32
    %dma_start3A_70 = tpu.memref_slice %arg10[%dma_start3A_68, %dma_start3A_69] : memref<10240x64xf32, #tpu.memory_space<vmem_shared>> -> memref<10240x64xf32, #tpu.memory_space<vmem_shared>>
    tpu.enqueue_indirect_dma source(%dma_start3A_70 : memref<10240x64xf32, #tpu.memory_space<vmem_shared>>) target(%arg6 : memref<128x64xf32, #tpu.memory_space<vmem>>) offsets(%dma_start3A_67 : memref<128xi32, #tpu.memory_space<vmem>>) semaphore(%arg11 : memref<!tpu.dma_semaphore, #tpu.memory_space<semaphore_mem>>)
    %dma_start3A_71 = arith.constant 1 : i32
    %dma_start3A_72 = arith.constant 0 : i32
    %dma_start3A_73 = arith.constant 0 : i32
    %dma_start3A_74 = tpu.memref_slice %arg5[%dma_start3A_71, %dma_start3A_72, %dma_start3A_73] : memref<79x2x128xi32, #tpu.memory_space<vmem>> -> memref<1x1x128xi32, #tpu.memory_space<vmem>>
    %dma_start3A_75 = tpu.memref_squeeze %dma_start3A_74 : memref<1x1x128xi32, #tpu.memory_space<vmem>> -> memref<128xi32, #tpu.memory_space<vmem>>
    %dma_start3A_76 = arith.constant 0 : i32
    %dma_start3A_77 = arith.constant 0 : i32
    %dma_start3A_78 = tpu.memref_slice %arg10[%dma_start3A_76, %dma_start3A_77] : memref<10240x64xf32, #tpu.memory_space<vmem_shared>> -> memref<10240x64xf32, #tpu.memory_space<vmem_shared>>
    tpu.enqueue_indirect_dma source(%dma_start3A_78 : memref<10240x64xf32, #tpu.memory_space<vmem_shared>>) target(%arg7 : memref<128x64xf32, #tpu.memory_space<vmem>>) offsets(%dma_start3A_75 : memref<128xi32, #tpu.memory_space<vmem>>) semaphore(%arg12 : memref<!tpu.dma_semaphore, #tpu.memory_space<semaphore_mem>>)
    %dma_start3A_79 = arith.constant 2 : i32
    %dma_start3A_80 = arith.constant 0 : i32
    %dma_start3A_81 = arith.constant 0 : i32
    %dma_start3A_82 = tpu.memref_slice %arg5[%dma_start3A_79, %dma_start3A_80, %dma_start3A_81] : memref<79x2x128xi32, #tpu.memory_space<vmem>> -> memref<1x1x128xi32, #tpu.memory_space<vmem>>
    %dma_start3A_83 = tpu.memref_squeeze %dma_start3A_82 : memref<1x1x128xi32, #tpu.memory_space<vmem>> -> memref<128xi32, #tpu.memory_space<vmem>>
    %dma_start3A_84 = arith.constant 0 : i32
    %dma_start3A_85 = arith.constant 0 : i32
    %dma_start3A_86 = tpu.memref_slice %arg10[%dma_start3A_84, %dma_start3A_85] : memref<10240x64xf32, #tpu.memory_space<vmem_shared>> -> memref<10240x64xf32, #tpu.memory_space<vmem_shared>>
    tpu.enqueue_indirect_dma source(%dma_start3A_86 : memref<10240x64xf32, #tpu.memory_space<vmem_shared>>) target(%arg8 : memref<128x64xf32, #tpu.memory_space<vmem>>) offsets(%dma_start3A_83 : memref<128xi32, #tpu.memory_space<vmem>>) semaphore(%arg13 : memref<!tpu.dma_semaphore, #tpu.memory_space<semaphore_mem>>)
    %scan3A_87 = arith.constant 0 : i32
    %scan3A_88 = arith.constant 26 : i32
    %scan3A_89 = arith.addi %scan3A_87, %scan3A_88 : i32
    %scan3A_90 = arith.constant 1 : i32
    scf.for %scan3A_128 = %scan3A_87 to %scan3A_89 step %scan3A_90  : i32 {
      %mul3A_129 = arith.constant 1 : i32
      %mul3A_130 = arith.muli %scan3A_128, %mul3A_129 : i32
      %add3A_131 = arith.constant 0 : i32
      %add3A_132 = arith.addi %add3A_131, %mul3A_130 : i32
      %mul3A_133 = arith.constant 3 : i32
      %mul3A_134 = arith.muli %add3A_132, %mul3A_133 : i32
      %add3A_135 = arith.constant 0 : i32
      %add3A_136 = arith.addi %mul3A_134, %add3A_135 : i32
      %dma_wait3A_137 = arith.constant 0 : i32
      %dma_wait3A_138 = arith.constant 0 : i32
      %dma_wait3A_139 = tpu.memref_slice %arg5[%add3A_136, %dma_wait3A_137, %dma_wait3A_138] : memref<79x2x128xi32, #tpu.memory_space<vmem>> -> memref<1x1x128xi32, #tpu.memory_space<vmem>>
      %dma_wait3A_140 = tpu.memref_squeeze %dma_wait3A_139 : memref<1x1x128xi32, #tpu.memory_space<vmem>> -> memref<128xi32, #tpu.memory_space<vmem>>
      %dma_wait3A_141 = arith.constant 0 : i32
      %dma_wait3A_142 = arith.constant 0 : i32
      %dma_wait3A_143 = tpu.memref_slice %arg10[%dma_wait3A_141, %dma_wait3A_142] : memref<10240x64xf32, #tpu.memory_space<vmem_shared>> -> memref<10240x64xf32, #tpu.memory_space<vmem_shared>>
      tpu.wait_indirect_dma semaphore(%arg11 : memref<!tpu.dma_semaphore, #tpu.memory_space<semaphore_mem>>) src(%dma_wait3A_143 : memref<10240x64xf32, #tpu.memory_space<vmem_shared>>) dst(%arg6 : memref<128x64xf32, #tpu.memory_space<vmem>>)
      %dma_start3A_144 = arith.constant 1 : i32
      %dma_start3A_145 = arith.constant 0 : i32
      %dma_start3A_146 = tpu.memref_slice %arg5[%add3A_136, %dma_start3A_144, %dma_start3A_145] : memref<79x2x128xi32, #tpu.memory_space<vmem>> -> memref<1x1x128xi32, #tpu.memory_space<vmem>>
      %dma_start3A_147 = tpu.memref_squeeze %dma_start3A_146 : memref<1x1x128xi32, #tpu.memory_space<vmem>> -> memref<128xi32, #tpu.memory_space<vmem>>
      %dma_start3A_148 = arith.constant 0 : i32
      %dma_start3A_149 = arith.constant 0 : i32
      %dma_start3A_150 = tpu.memref_slice %arg9[%dma_start3A_148, %dma_start3A_149] : memref<10240x64xf32, #tpu.memory_space<vmem_shared>> -> memref<10240x64xf32, #tpu.memory_space<vmem_shared>>
      tpu.enqueue_indirect_dma source(%arg6 : memref<128x64xf32, #tpu.memory_space<vmem>>) target(%dma_start3A_150 : memref<10240x64xf32, #tpu.memory_space<vmem_shared>>) offsets(%dma_start3A_147 : memref<128xi32, #tpu.memory_space<vmem>>) semaphore(%arg14 : memref<!tpu.dma_semaphore, #tpu.memory_space<semaphore_mem>>) {add = true}
      %add3A_151 = arith.constant 1 : i32
      %add3A_152 = arith.addi %mul3A_134, %add3A_151 : i32
      %dma_wait3A_153 = arith.constant 0 : i32
      %dma_wait3A_154 = arith.constant 0 : i32
      %dma_wait3A_155 = tpu.memref_slice %arg5[%add3A_152, %dma_wait3A_153, %dma_wait3A_154] : memref<79x2x128xi32, #tpu.memory_space<vmem>> -> memref<1x1x128xi32, #tpu.memory_space<vmem>>
      %dma_wait3A_156 = tpu.memref_squeeze %dma_wait3A_155 : memref<1x1x128xi32, #tpu.memory_space<vmem>> -> memref<128xi32, #tpu.memory_space<vmem>>
      %dma_wait3A_157 = arith.constant 0 : i32
      %dma_wait3A_158 = arith.constant 0 : i32
      %dma_wait3A_159 = tpu.memref_slice %arg10[%dma_wait3A_157, %dma_wait3A_158] : memref<10240x64xf32, #tpu.memory_space<vmem_shared>> -> memref<10240x64xf32, #tpu.memory_space<vmem_shared>>
      tpu.wait_indirect_dma semaphore(%arg12 : memref<!tpu.dma_semaphore, #tpu.memory_space<semaphore_mem>>) src(%dma_wait3A_159 : memref<10240x64xf32, #tpu.memory_space<vmem_shared>>) dst(%arg7 : memref<128x64xf32, #tpu.memory_space<vmem>>)
      %dma_start3A_160 = arith.constant 1 : i32
      %dma_start3A_161 = arith.constant 0 : i32
      %dma_start3A_162 = tpu.memref_slice %arg5[%add3A_152, %dma_start3A_160, %dma_start3A_161] : memref<79x2x128xi32, #tpu.memory_space<vmem>> -> memref<1x1x128xi32, #tpu.memory_space<vmem>>
      %dma_start3A_163 = tpu.memref_squeeze %dma_start3A_162 : memref<1x1x128xi32, #tpu.memory_space<vmem>> -> memref<128xi32, #tpu.memory_space<vmem>>
      %dma_start3A_164 = arith.constant 0 : i32
      %dma_start3A_165 = arith.constant 0 : i32
      %dma_start3A_166 = tpu.memref_slice %arg9[%dma_start3A_164, %dma_start3A_165] : memref<10240x64xf32, #tpu.memory_space<vmem_shared>> -> memref<10240x64xf32, #tpu.memory_space<vmem_shared>>
      tpu.enqueue_indirect_dma source(%arg7 : memref<128x64xf32, #tpu.memory_space<vmem>>) target(%dma_start3A_166 : memref<10240x64xf32, #tpu.memory_space<vmem_shared>>) offsets(%dma_start3A_163 : memref<128xi32, #tpu.memory_space<vmem>>) semaphore(%arg14 : memref<!tpu.dma_semaphore, #tpu.memory_space<semaphore_mem>>) {add = true}
      %add3A_167 = arith.constant 2 : i32
      %add3A_168 = arith.addi %mul3A_134, %add3A_167 : i32
      %dma_wait3A_169 = arith.constant 0 : i32
      %dma_wait3A_170 = arith.constant 0 : i32
      %dma_wait3A_171 = tpu.memref_slice %arg5[%add3A_168, %dma_wait3A_169, %dma_wait3A_170] : memref<79x2x128xi32, #tpu.memory_space<vmem>> -> memref<1x1x128xi32, #tpu.memory_space<vmem>>
      %dma_wait3A_172 = tpu.memref_squeeze %dma_wait3A_171 : memref<1x1x128xi32, #tpu.memory_space<vmem>> -> memref<128xi32, #tpu.memory_space<vmem>>
      %dma_wait3A_173 = arith.constant 0 : i32
      %dma_wait3A_174 = arith.constant 0 : i32
      %dma_wait3A_175 = tpu.memref_slice %arg10[%dma_wait3A_173, %dma_wait3A_174] : memref<10240x64xf32, #tpu.memory_space<vmem_shared>> -> memref<10240x64xf32, #tpu.memory_space<vmem_shared>>
      tpu.wait_indirect_dma semaphore(%arg13 : memref<!tpu.dma_semaphore, #tpu.memory_space<semaphore_mem>>) src(%dma_wait3A_175 : memref<10240x64xf32, #tpu.memory_space<vmem_shared>>) dst(%arg8 : memref<128x64xf32, #tpu.memory_space<vmem>>)
      %dma_start3A_176 = arith.constant 1 : i32
      %dma_start3A_177 = arith.constant 0 : i32
      %dma_start3A_178 = tpu.memref_slice %arg5[%add3A_168, %dma_start3A_176, %dma_start3A_177] : memref<79x2x128xi32, #tpu.memory_space<vmem>> -> memref<1x1x128xi32, #tpu.memory_space<vmem>>
      %dma_start3A_179 = tpu.memref_squeeze %dma_start3A_178 : memref<1x1x128xi32, #tpu.memory_space<vmem>> -> memref<128xi32, #tpu.memory_space<vmem>>
      %dma_start3A_180 = arith.constant 0 : i32
      %dma_start3A_181 = arith.constant 0 : i32
      %dma_start3A_182 = tpu.memref_slice %arg9[%dma_start3A_180, %dma_start3A_181] : memref<10240x64xf32, #tpu.memory_space<vmem_shared>> -> memref<10240x64xf32, #tpu.memory_space<vmem_shared>>
      tpu.enqueue_indirect_dma source(%arg8 : memref<128x64xf32, #tpu.memory_space<vmem>>) target(%dma_start3A_182 : memref<10240x64xf32, #tpu.memory_space<vmem_shared>>) offsets(%dma_start3A_179 : memref<128xi32, #tpu.memory_space<vmem>>) semaphore(%arg14 : memref<!tpu.dma_semaphore, #tpu.memory_space<semaphore_mem>>) {add = true}
      %lt3A_183 = arith.constant 25 : i32
      %lt3A_184 = arith.cmpi slt, %add3A_132, %lt3A_183 : i32
      %convert_element_type3A_185 = arith.extui %lt3A_184 : i1 to i32
      %cond3A_186 = arith.constant 0 : i32
      %cond3A_187 = arith.cmpi ne, %convert_element_type3A_185, %cond3A_186 : i32
      scf.if %cond3A_187 {
        %add3A_188 = arith.constant 0 : i32
        %add3A_189 = arith.addi %mul3A_134, %add3A_188 : i32
        %dma_wait3A_190 = arith.constant 1 : i32
        %dma_wait3A_191 = arith.constant 0 : i32
        %dma_wait3A_192 = tpu.memref_slice %arg5[%add3A_189, %dma_wait3A_190, %dma_wait3A_191] : memref<79x2x128xi32, #tpu.memory_space<vmem>> -> memref<1x1x128xi32, #tpu.memory_space<vmem>>
        %dma_wait3A_193 = tpu.memref_squeeze %dma_wait3A_192 : memref<1x1x128xi32, #tpu.memory_space<vmem>> -> memref<128xi32, #tpu.memory_space<vmem>>
        %dma_wait3A_194 = arith.constant 0 : i32
        %dma_wait3A_195 = arith.constant 0 : i32
        %dma_wait3A_196 = tpu.memref_slice %arg9[%dma_wait3A_194, %dma_wait3A_195] : memref<10240x64xf32, #tpu.memory_space<vmem_shared>> -> memref<10240x64xf32, #tpu.memory_space<vmem_shared>>
        tpu.wait_indirect_dma semaphore(%arg14 : memref<!tpu.dma_semaphore, #tpu.memory_space<semaphore_mem>>) src(%arg6 : memref<128x64xf32, #tpu.memory_space<vmem>>) dst(%dma_wait3A_196 : memref<10240x64xf32, #tpu.memory_space<vmem_shared>>)
        %add3A_197 = arith.constant 3 : i32
        %add3A_198 = arith.addi %add3A_189, %add3A_197 : i32
        %dma_start3A_199 = arith.constant 0 : i32
        %dma_start3A_200 = arith.constant 0 : i32
        %dma_start3A_201 = tpu.memref_slice %arg5[%add3A_198, %dma_start3A_199, %dma_start3A_200] : memref<79x2x128xi32, #tpu.memory_space<vmem>> -> memref<1x1x128xi32, #tpu.memory_space<vmem>>
        %dma_start3A_202 = tpu.memref_squeeze %dma_start3A_201 : memref<1x1x128xi32, #tpu.memory_space<vmem>> -> memref<128xi32, #tpu.memory_space<vmem>>
        %dma_start3A_203 = arith.constant 0 : i32
        %dma_start3A_204 = arith.constant 0 : i32
        %dma_start3A_205 = tpu.memref_slice %arg10[%dma_start3A_203, %dma_start3A_204] : memref<10240x64xf32, #tpu.memory_space<vmem_shared>> -> memref<10240x64xf32, #tpu.memory_space<vmem_shared>>
        tpu.enqueue_indirect_dma source(%dma_start3A_205 : memref<10240x64xf32, #tpu.memory_space<vmem_shared>>) target(%arg6 : memref<128x64xf32, #tpu.memory_space<vmem>>) offsets(%dma_start3A_202 : memref<128xi32, #tpu.memory_space<vmem>>) semaphore(%arg11 : memref<!tpu.dma_semaphore, #tpu.memory_space<semaphore_mem>>)
        %add3A_206 = arith.constant 1 : i32
        %add3A_207 = arith.addi %mul3A_134, %add3A_206 : i32
        %dma_wait3A_208 = arith.constant 1 : i32
        %dma_wait3A_209 = arith.constant 0 : i32
        %dma_wait3A_210 = tpu.memref_slice %arg5[%add3A_207, %dma_wait3A_208, %dma_wait3A_209] : memref<79x2x128xi32, #tpu.memory_space<vmem>> -> memref<1x1x128xi32, #tpu.memory_space<vmem>>
        %dma_wait3A_211 = tpu.memref_squeeze %dma_wait3A_210 : memref<1x1x128xi32, #tpu.memory_space<vmem>> -> memref<128xi32, #tpu.memory_space<vmem>>
        %dma_wait3A_212 = arith.constant 0 : i32
        %dma_wait3A_213 = arith.constant 0 : i32
        %dma_wait3A_214 = tpu.memref_slice %arg9[%dma_wait3A_212, %dma_wait3A_213] : memref<10240x64xf32, #tpu.memory_space<vmem_shared>> -> memref<10240x64xf32, #tpu.memory_space<vmem_shared>>
        tpu.wait_indirect_dma semaphore(%arg14 : memref<!tpu.dma_semaphore, #tpu.memory_space<semaphore_mem>>) src(%arg7 : memref<128x64xf32, #tpu.memory_space<vmem>>) dst(%dma_wait3A_214 : memref<10240x64xf32, #tpu.memory_space<vmem_shared>>)
        %add3A_215 = arith.constant 3 : i32
        %add3A_216 = arith.addi %add3A_207, %add3A_215 : i32
        %dma_start3A_217 = arith.constant 0 : i32
        %dma_start3A_218 = arith.constant 0 : i32
        %dma_start3A_219 = tpu.memref_slice %arg5[%add3A_216, %dma_start3A_217, %dma_start3A_218] : memref<79x2x128xi32, #tpu.memory_space<vmem>> -> memref<1x1x128xi32, #tpu.memory_space<vmem>>
        %dma_start3A_220 = tpu.memref_squeeze %dma_start3A_219 : memref<1x1x128xi32, #tpu.memory_space<vmem>> -> memref<128xi32, #tpu.memory_space<vmem>>
        %dma_start3A_221 = arith.constant 0 : i32
        %dma_start3A_222 = arith.constant 0 : i32
        %dma_start3A_223 = tpu.memref_slice %arg10[%dma_start3A_221, %dma_start3A_222] : memref<10240x64xf32, #tpu.memory_space<vmem_shared>> -> memref<10240x64xf32, #tpu.memory_space<vmem_shared>>
        tpu.enqueue_indirect_dma source(%dma_start3A_223 : memref<10240x64xf32, #tpu.memory_space<vmem_shared>>) target(%arg7 : memref<128x64xf32, #tpu.memory_space<vmem>>) offsets(%dma_start3A_220 : memref<128xi32, #tpu.memory_space<vmem>>) semaphore(%arg12 : memref<!tpu.dma_semaphore, #tpu.memory_space<semaphore_mem>>)
        %add3A_224 = arith.constant 2 : i32
        %add3A_225 = arith.addi %mul3A_134, %add3A_224 : i32
        %dma_wait3A_226 = arith.constant 1 : i32
        %dma_wait3A_227 = arith.constant 0 : i32
        %dma_wait3A_228 = tpu.memref_slice %arg5[%add3A_225, %dma_wait3A_226, %dma_wait3A_227] : memref<79x2x128xi32, #tpu.memory_space<vmem>> -> memref<1x1x128xi32, #tpu.memory_space<vmem>>
        %dma_wait3A_229 = tpu.memref_squeeze %dma_wait3A_228 : memref<1x1x128xi32, #tpu.memory_space<vmem>> -> memref<128xi32, #tpu.memory_space<vmem>>
        %dma_wait3A_230 = arith.constant 0 : i32
        %dma_wait3A_231 = arith.constant 0 : i32
        %dma_wait3A_232 = tpu.memref_slice %arg9[%dma_wait3A_230, %dma_wait3A_231] : memref<10240x64xf32, #tpu.memory_space<vmem_shared>> -> memref<10240x64xf32, #tpu.memory_space<vmem_shared>>
        tpu.wait_indirect_dma semaphore(%arg14 : memref<!tpu.dma_semaphore, #tpu.memory_space<semaphore_mem>>) src(%arg8 : memref<128x64xf32, #tpu.memory_space<vmem>>) dst(%dma_wait3A_232 : memref<10240x64xf32, #tpu.memory_space<vmem_shared>>)
        %add3A_233 = arith.constant 3 : i32
        %add3A_234 = arith.addi %add3A_225, %add3A_233 : i32
        %dma_start3A_235 = arith.constant 0 : i32
        %dma_start3A_236 = arith.constant 0 : i32
        %dma_start3A_237 = tpu.memref_slice %arg5[%add3A_234, %dma_start3A_235, %dma_start3A_236] : memref<79x2x128xi32, #tpu.memory_space<vmem>> -> memref<1x1x128xi32, #tpu.memory_space<vmem>>
        %dma_start3A_238 = tpu.memref_squeeze %dma_start3A_237 : memref<1x1x128xi32, #tpu.memory_space<vmem>> -> memref<128xi32, #tpu.memory_space<vmem>>
        %dma_start3A_239 = arith.constant 0 : i32
        %dma_start3A_240 = arith.constant 0 : i32
        %dma_start3A_241 = tpu.memref_slice %arg10[%dma_start3A_239, %dma_start3A_240] : memref<10240x64xf32, #tpu.memory_space<vmem_shared>> -> memref<10240x64xf32, #tpu.memory_space<vmem_shared>>
        tpu.enqueue_indirect_dma source(%dma_start3A_241 : memref<10240x64xf32, #tpu.memory_space<vmem_shared>>) target(%arg8 : memref<128x64xf32, #tpu.memory_space<vmem>>) offsets(%dma_start3A_238 : memref<128xi32, #tpu.memory_space<vmem>>) semaphore(%arg13 : memref<!tpu.dma_semaphore, #tpu.memory_space<semaphore_mem>>)
      } else {
      }
    }
    %scan3A_91 = arith.constant 26 : i32
    %dma_wait3A_92 = arith.constant 75 : i32
    %dma_wait3A_93 = arith.constant 1 : i32
    %dma_wait3A_94 = arith.constant 0 : i32
    %dma_wait3A_95 = tpu.memref_slice %arg5[%dma_wait3A_92, %dma_wait3A_93, %dma_wait3A_94] : memref<79x2x128xi32, #tpu.memory_space<vmem>> -> memref<1x1x128xi32, #tpu.memory_space<vmem>>
    %dma_wait3A_96 = tpu.memref_squeeze %dma_wait3A_95 : memref<1x1x128xi32, #tpu.memory_space<vmem>> -> memref<128xi32, #tpu.memory_space<vmem>>
    %dma_wait3A_97 = arith.constant 0 : i32
    %dma_wait3A_98 = arith.constant 0 : i32
    %dma_wait3A_99 = tpu.memref_slice %arg9[%dma_wait3A_97, %dma_wait3A_98] : memref<10240x64xf32, #tpu.memory_space<vmem_shared>> -> memref<10240x64xf32, #tpu.memory_space<vmem_shared>>
    tpu.wait_indirect_dma semaphore(%arg14 : memref<!tpu.dma_semaphore, #tpu.memory_space<semaphore_mem>>) src(%arg6 : memref<128x64xf32, #tpu.memory_space<vmem>>) dst(%dma_wait3A_99 : memref<10240x64xf32, #tpu.memory_space<vmem_shared>>)
    %dma_wait3A_100 = arith.constant 76 : i32
    %dma_wait3A_101 = arith.constant 1 : i32
    %dma_wait3A_102 = arith.constant 0 : i32
    %dma_wait3A_103 = tpu.memref_slice %arg5[%dma_wait3A_100, %dma_wait3A_101, %dma_wait3A_102] : memref<79x2x128xi32, #tpu.memory_space<vmem>> -> memref<1x1x128xi32, #tpu.memory_space<vmem>>
    %dma_wait3A_104 = tpu.memref_squeeze %dma_wait3A_103 : memref<1x1x128xi32, #tpu.memory_space<vmem>> -> memref<128xi32, #tpu.memory_space<vmem>>
    %dma_wait3A_105 = arith.constant 0 : i32
    %dma_wait3A_106 = arith.constant 0 : i32
    %dma_wait3A_107 = tpu.memref_slice %arg9[%dma_wait3A_105, %dma_wait3A_106] : memref<10240x64xf32, #tpu.memory_space<vmem_shared>> -> memref<10240x64xf32, #tpu.memory_space<vmem_shared>>
    tpu.wait_indirect_dma semaphore(%arg14 : memref<!tpu.dma_semaphore, #tpu.memory_space<semaphore_mem>>) src(%arg7 : memref<128x64xf32, #tpu.memory_space<vmem>>) dst(%dma_wait3A_107 : memref<10240x64xf32, #tpu.memory_space<vmem_shared>>)
    %dma_wait3A_108 = arith.constant 77 : i32
    %dma_wait3A_109 = arith.constant 1 : i32
    %dma_wait3A_110 = arith.constant 0 : i32
    %dma_wait3A_111 = tpu.memref_slice %arg5[%dma_wait3A_108, %dma_wait3A_109, %dma_wait3A_110] : memref<79x2x128xi32, #tpu.memory_space<vmem>> -> memref<1x1x128xi32, #tpu.memory_space<vmem>>
    %dma_wait3A_112 = tpu.memref_squeeze %dma_wait3A_111 : memref<1x1x128xi32, #tpu.memory_space<vmem>> -> memref<128xi32, #tpu.memory_space<vmem>>
    %dma_wait3A_113 = arith.constant 0 : i32
    %dma_wait3A_114 = arith.constant 0 : i32
    %dma_wait3A_115 = tpu.memref_slice %arg9[%dma_wait3A_113, %dma_wait3A_114] : memref<10240x64xf32, #tpu.memory_space<vmem_shared>> -> memref<10240x64xf32, #tpu.memory_space<vmem_shared>>
    tpu.wait_indirect_dma semaphore(%arg14 : memref<!tpu.dma_semaphore, #tpu.memory_space<semaphore_mem>>) src(%arg8 : memref<128x64xf32, #tpu.memory_space<vmem>>) dst(%dma_wait3A_115 : memref<10240x64xf32, #tpu.memory_space<vmem_shared>>)
    %lt3A_116 = arith.constant 4 : i32
    %lt3A_117 = arith.cmpi slt, %add3A, %lt3A_116 : i32
    %convert_element_type3A_118 = arith.extui %lt3A_117 : i1 to i32
    %cond3A_119 = arith.constant 0 : i32
    %cond3A_120 = arith.cmpi ne, %convert_element_type3A_118, %cond3A_119 : i32
    scf.if %cond3A_120 {
      %run_scoped3A = arith.constant 78 : i32
      %run_scoped3A_128 = arith.constant 0 : i32
      "tpu.region"() ({
        %run_scoped3A_131 = tpu.sem_alloc : memref<!tpu.dma_semaphore, #tpu.memory_space<semaphore_mem>>
        %dma_start3A_132 = arith.constant 0 : i32
        %dma_start3A_133 = tpu.memref_slice %arg5[%run_scoped3A, %run_scoped3A_128, %dma_start3A_132] : memref<79x2x128xi32, #tpu.memory_space<vmem>> -> memref<1x1x128xi32, #tpu.memory_space<vmem>>
        %dma_start3A_134 = tpu.memref_squeeze %dma_start3A_133 : memref<1x1x128xi32, #tpu.memory_space<vmem>> -> memref<128xi32, #tpu.memory_space<vmem>>
        %dma_start3A_135 = arith.constant 0 : i32
        %dma_start3A_136 = arith.constant 0 : i32
        %dma_start3A_137 = tpu.memref_slice %arg10[%dma_start3A_135, %dma_start3A_136] : memref<10240x64xf32, #tpu.memory_space<vmem_shared>> -> memref<10240x64xf32, #tpu.memory_space<vmem_shared>>
        tpu.enqueue_indirect_dma source(%dma_start3A_137 : memref<10240x64xf32, #tpu.memory_space<vmem_shared>>) target(%arg6 : memref<128x64xf32, #tpu.memory_space<vmem>>) offsets(%dma_start3A_134 : memref<128xi32, #tpu.memory_space<vmem>>) semaphore(%run_scoped3A_131 : memref<!tpu.dma_semaphore, #tpu.memory_space<semaphore_mem>>)
        %dma_wait3A_138 = arith.constant 0 : i32
        %dma_wait3A_139 = tpu.memref_slice %arg5[%run_scoped3A, %run_scoped3A_128, %dma_wait3A_138] : memref<79x2x128xi32, #tpu.memory_space<vmem>> -> memref<1x1x128xi32, #tpu.memory_space<vmem>>
        %dma_wait3A_140 = tpu.memref_squeeze %dma_wait3A_139 : memref<1x1x128xi32, #tpu.memory_space<vmem>> -> memref<128xi32, #tpu.memory_space<vmem>>
        %dma_wait3A_141 = arith.constant 0 : i32
        %dma_wait3A_142 = arith.constant 0 : i32
        %dma_wait3A_143 = tpu.memref_slice %arg10[%dma_wait3A_141, %dma_wait3A_142] : memref<10240x64xf32, #tpu.memory_space<vmem_shared>> -> memref<10240x64xf32, #tpu.memory_space<vmem_shared>>
        tpu.wait_indirect_dma semaphore(%run_scoped3A_131 : memref<!tpu.dma_semaphore, #tpu.memory_space<semaphore_mem>>) src(%dma_wait3A_143 : memref<10240x64xf32, #tpu.memory_space<vmem_shared>>) dst(%arg6 : memref<128x64xf32, #tpu.memory_space<vmem>>)
        tpu.yield
      }) : () -> ()
      %run_scoped3A_129 = arith.constant 78 : i32
      %run_scoped3A_130 = arith.constant 1 : i32
      "tpu.region"() ({
        %run_scoped3A_131 = tpu.sem_alloc : memref<!tpu.dma_semaphore, #tpu.memory_space<semaphore_mem>>
        %dma_start3A_132 = arith.constant 0 : i32
        %dma_start3A_133 = tpu.memref_slice %arg5[%run_scoped3A_129, %run_scoped3A_130, %dma_start3A_132] : memref<79x2x128xi32, #tpu.memory_space<vmem>> -> memref<1x1x128xi32, #tpu.memory_space<vmem>>
        %dma_start3A_134 = tpu.memref_squeeze %dma_start3A_133 : memref<1x1x128xi32, #tpu.memory_space<vmem>> -> memref<128xi32, #tpu.memory_space<vmem>>
        %dma_start3A_135 = arith.constant 0 : i32
        %dma_start3A_136 = arith.constant 0 : i32
        %dma_start3A_137 = tpu.memref_slice %arg9[%dma_start3A_135, %dma_start3A_136] : memref<10240x64xf32, #tpu.memory_space<vmem_shared>> -> memref<10240x64xf32, #tpu.memory_space<vmem_shared>>
        tpu.enqueue_indirect_dma source(%arg6 : memref<128x64xf32, #tpu.memory_space<vmem>>) target(%dma_start3A_137 : memref<10240x64xf32, #tpu.memory_space<vmem_shared>>) offsets(%dma_start3A_134 : memref<128xi32, #tpu.memory_space<vmem>>) semaphore(%run_scoped3A_131 : memref<!tpu.dma_semaphore, #tpu.memory_space<semaphore_mem>>) {add = true}
        %dma_wait3A_138 = arith.constant 0 : i32
        %dma_wait3A_139 = tpu.memref_slice %arg5[%run_scoped3A_129, %run_scoped3A_130, %dma_wait3A_138] : memref<79x2x128xi32, #tpu.memory_space<vmem>> -> memref<1x1x128xi32, #tpu.memory_space<vmem>>
        %dma_wait3A_140 = tpu.memref_squeeze %dma_wait3A_139 : memref<1x1x128xi32, #tpu.memory_space<vmem>> -> memref<128xi32, #tpu.memory_space<vmem>>
        %dma_wait3A_141 = arith.constant 0 : i32
        %dma_wait3A_142 = arith.constant 0 : i32
        %dma_wait3A_143 = tpu.memref_slice %arg9[%dma_wait3A_141, %dma_wait3A_142] : memref<10240x64xf32, #tpu.memory_space<vmem_shared>> -> memref<10240x64xf32, #tpu.memory_space<vmem_shared>>
        tpu.wait_indirect_dma semaphore(%run_scoped3A_131 : memref<!tpu.dma_semaphore, #tpu.memory_space<semaphore_mem>>) src(%arg6 : memref<128x64xf32, #tpu.memory_space<vmem>>) dst(%dma_wait3A_143 : memref<10240x64xf32, #tpu.memory_space<vmem_shared>>)
        tpu.yield
      }) : () -> ()
    } else {
    }
    %barrier3A_121 = arith.constant 0 : index
    tpu.barrier barrier_id(%barrier3A_121)
    %mul3A_122 = arith.constant 640 : i32
    %mul3A_123 = arith.muli %arg1, %mul3A_122 : i32
    %mul3A_124 = arith.constant 640 : i32
    %mul3A_125 = arith.muli %arg1, %mul3A_124 : i32
    %mul3A_126 = arith.constant 64 : i32
    %mul3A_127 = arith.muli %arg0, %mul3A_126 : i32
    "tpu.region"() ({
      %run_scoped3A = tpu.sem_alloc : memref<!tpu.dma_semaphore, #tpu.memory_space<semaphore_mem>>
      %dma_start3A_128 = tpu.memref_slice %arg4[%mul3A_125, %mul3A_127] : memref<10240x128xf32, #tpu.memory_space<hbm>> -> memref<640x64xf32, #tpu.memory_space<hbm>>
      %dma_start3A_129 = arith.constant 0 : i32
      %dma_start3A_130 = tpu.memref_slice %arg9[%mul3A_123, %dma_start3A_129] : memref<10240x64xf32, #tpu.memory_space<vmem_shared>> -> memref<640x64xf32, #tpu.memory_space<vmem_shared>>
      tpu.enqueue_dma source(%dma_start3A_130 : memref<640x64xf32, #tpu.memory_space<vmem_shared>>) target(%dma_start3A_128 : memref<640x64xf32, #tpu.memory_space<hbm>>) target_semaphore(%run_scoped3A : memref<!tpu.dma_semaphore, #tpu.memory_space<semaphore_mem>>)
      %dma_wait3A_131 = tpu.memref_slice %arg4[%mul3A_125, %mul3A_127] : memref<10240x128xf32, #tpu.memory_space<hbm>> -> memref<640x64xf32, #tpu.memory_space<hbm>>
      %dma_wait3A_132 = arith.constant 0 : i32
      %dma_wait3A_133 = tpu.memref_slice %arg9[%mul3A_123, %dma_wait3A_132] : memref<10240x64xf32, #tpu.memory_space<vmem_shared>> -> memref<640x64xf32, #tpu.memory_space<vmem_shared>>
      tpu.wait_dma2 semaphore(%run_scoped3A : memref<!tpu.dma_semaphore, #tpu.memory_space<semaphore_mem>>) src(%dma_wait3A_133 : memref<640x64xf32, #tpu.memory_space<vmem_shared>>) dst(%dma_wait3A_131 : memref<640x64xf32, #tpu.memory_space<hbm>>)
      tpu.yield
    }) : () -> ()
    return
  }
}

#map = affine_map<(d0, d1) -> (0, 0)>
#map1 = affine_map<(d0, d1) -> (0, 0, 0)>
module attributes {stable_mosaic.version = 14 : i64} {
  func.func @agg_kernel(%arg0: i32, %arg1: i32, %arg2: memref<10240x128xf32, #tpu.memory_space<hbm>>, %arg3: memref<2500x2x128xi32, #tpu.memory_space<hbm>>, %arg4: memref<10240x128xf32, #tpu.memory_space<hbm>>, %arg5: memref<79x2x128xi32, #tpu.memory_space<vmem>>, %arg6: memref<128x64xf32, #tpu.memory_space<vmem>>, %arg7: memref<128x64xf32, #tpu.memory_space<vmem>>, %arg8: memref<128x64xf32, #tpu.memory_space<vmem>>, %arg9: memref<10240x64xf32, #tpu.memory_space<vmem_shared>>, %arg10: memref<10240x64xf32, #tpu.memory_space<vmem_shared>>, %arg11: memref<!tpu.dma_semaphore, #tpu.memory_space<semaphore_mem>>, %arg12: memref<!tpu.dma_semaphore, #tpu.memory_space<semaphore_mem>>, %arg13: memref<!tpu.dma_semaphore, #tpu.memory_space<semaphore_mem>>, %arg14: memref<!tpu.dma_semaphore, #tpu.memory_space<semaphore_mem>>) attributes {dimension_semantics = [#tpu.dimension_semantics<core_parallel>, #tpu.dimension_semantics<subcore_parallel>], iteration_bounds = array<i64: 2, 16>, scalar_prefetch = 0 : i64, scratch_operands = 10 : i64, tpu.core_type = #tpu.core_type<sc_vector_subcore>, window_params = [{transform_indices = #map}, {transform_indices = #map1}, {transform_indices = #map}]} {
    %mul3A = arith.constant 2 : i32
    %mul3A_0 = arith.muli %arg1, %mul3A : i32
    %add3A = arith.addi %mul3A_0, %arg0 : i32
    %mul3A_1 = arith.constant 78 : i32
    %mul3A_2 = arith.muli %add3A, %mul3A_1 : i32
    %dma_start3A = arith.constant 0 : i32
    %dma_start3A_3 = arith.constant 0 : i32
    %dma_start3A_4 = arith.constant 0 : i32
    %dma_start3A_5 = tpu.memref_slice %arg5[%dma_start3A, %dma_start3A_3, %dma_start3A_4] : memref<79x2x128xi32, #tpu.memory_space<vmem>> -> memref<78x2x128xi32, #tpu.memory_space<vmem>>
    %dma_start3A_6 = arith.constant 0 : i32
    %dma_start3A_7 = arith.constant 0 : i32
    %dma_start3A_8 = tpu.memref_slice %arg3[%mul3A_2, %dma_start3A_6, %dma_start3A_7] : memref<2500x2x128xi32, #tpu.memory_space<hbm>> -> memref<78x2x128xi32, #tpu.memory_space<hbm>>
    %dma_start3A_9 = arith.constant 0 : i32
    %dma_start3A_10 = arith.constant 0 : i32
    %dma_start3A_11 = arith.constant 0 : i32
    %dma_start3A_12 = tpu.memref_slice %arg5[%dma_start3A_9, %dma_start3A_10, %dma_start3A_11] : memref<79x2x128xi32, #tpu.memory_space<vmem>> -> memref<78x2x128xi32, #tpu.memory_space<vmem>>
    %dma_start3A_13 = arith.constant 0 : i32
    %dma_start3A_14 = arith.constant 0 : i32
    %dma_start3A_15 = tpu.memref_slice %arg3[%mul3A_2, %dma_start3A_13, %dma_start3A_14] : memref<2500x2x128xi32, #tpu.memory_space<hbm>> -> memref<78x2x128xi32, #tpu.memory_space<hbm>>
    tpu.enqueue_dma source(%dma_start3A_15 : memref<78x2x128xi32, #tpu.memory_space<hbm>>) target(%dma_start3A_12 : memref<78x2x128xi32, #tpu.memory_space<vmem>>) target_semaphore(%arg11 : memref<!tpu.dma_semaphore, #tpu.memory_space<semaphore_mem>>)
    %mul3A_16 = arith.constant 640 : i32
    %mul3A_17 = arith.muli %arg1, %mul3A_16 : i32
    %mul3A_18 = arith.constant 640 : i32
    %mul3A_19 = arith.muli %arg1, %mul3A_18 : i32
    %dma_start3A_20 = arith.constant 0 : i32
    %dma_start3A_21 = tpu.memref_slice %arg10[%mul3A_19, %dma_start3A_20] : memref<10240x64xf32, #tpu.memory_space<vmem_shared>> -> memref<640x64xf32, #tpu.memory_space<vmem_shared>>
    %dma_start3A_22 = arith.constant 0 : i32
    %dma_start3A_23 = tpu.memref_slice %arg2[%mul3A_17, %dma_start3A_22] : memref<10240x128xf32, #tpu.memory_space<hbm>> -> memref<640x64xf32, #tpu.memory_space<hbm>>
    tpu.enqueue_dma source(%dma_start3A_23 : memref<640x64xf32, #tpu.memory_space<hbm>>) target(%dma_start3A_21 : memref<640x64xf32, #tpu.memory_space<vmem_shared>>) target_semaphore(%arg12 : memref<!tpu.dma_semaphore, #tpu.memory_space<semaphore_mem>>)
    %scan3A = arith.constant 0 : i32
    %scan3A_24 = arith.constant 128 : i32
    %scan3A_25 = arith.addi %scan3A, %scan3A_24 : i32
    %scan3A_26 = arith.constant 1 : i32
    scf.for %scan3A_128 = %scan3A to %scan3A_25 step %scan3A_26  : i32 {
      %mul3A_129 = arith.constant 1 : i32
      %mul3A_130 = arith.muli %scan3A_128, %mul3A_129 : i32
      %add3A_131 = arith.constant 0 : i32
      %add3A_132 = arith.addi %add3A_131, %mul3A_130 : i32
      %scan3A_133 = arith.constant 0 : i32
      %scan3A_134 = arith.constant 4 : i32
      %scan3A_135 = arith.addi %scan3A_133, %scan3A_134 : i32
      %scan3A_136 = arith.constant 1 : i32
      scf.for %scan3A_138 = %scan3A_133 to %scan3A_135 step %scan3A_136  : i32 {
        %mul3A_139 = arith.constant 16 : i32
        %mul3A_140 = arith.muli %scan3A_138, %mul3A_139 : i32
        %add3A_141 = arith.constant 0 : i32
        %add3A_142 = arith.addi %add3A_141, %mul3A_140 : i32
        %broadcast_in_dim3A = arith.constant 0.000000e+00 : f32
        %broadcast_in_dim3A_143 = vector.broadcast %broadcast_in_dim3A : f32 to vector<16xf32>
        %swap3A = arith.index_cast %add3A_132 : i32 to index
        %swap3A_144 = arith.index_cast %add3A_142 : i32 to index
        %swap3A_145 = tpu.vector_load %arg6[%swap3A, %swap3A_144] {strides = array<i32>} : memref<128x64xf32, #tpu.memory_space<vmem>>, vector<1x16xf32>,
        %swap3A_146 = vector.shape_cast %swap3A_145 : vector<1x16xf32> to vector<16xf32>
        %swap3A_147 = vector.shape_cast %broadcast_in_dim3A_143 : vector<16xf32> to vector<1x16xf32>
        tpu.vector_store %arg6[%swap3A, %swap3A_144], %swap3A_147 {strides = array<i32>} : memref<128x64xf32, #tpu.memory_space<vmem>>, vector<1x16xf32>,
      }
      %scan3A_137 = arith.constant 4 : i32
    }
    %scan3A_27 = arith.constant 128 : i32
    %scan3A_28 = arith.constant 0 : i32
    %scan3A_29 = arith.constant 5 : i32
    %scan3A_30 = arith.addi %scan3A_28, %scan3A_29 : i32
    %scan3A_31 = arith.constant 1 : i32
    scf.for %scan3A_128 = %scan3A_28 to %scan3A_30 step %scan3A_31  : i32 {
      %mul3A_129 = arith.constant 1 : i32
      %mul3A_130 = arith.muli %scan3A_128, %mul3A_129 : i32
      %add3A_131 = arith.constant 0 : i32
      %add3A_132 = arith.addi %add3A_131, %mul3A_130 : i32
      %mul3A_133 = arith.constant 640 : i32
      %mul3A_134 = arith.muli %arg1, %mul3A_133 : i32
      %mul3A_135 = arith.constant 128 : i32
      %mul3A_136 = arith.muli %add3A_132, %mul3A_135 : i32
      %add3A_137 = arith.addi %mul3A_134, %mul3A_136 : i32
      %dma_start3A_138 = arith.constant 0 : i32
      %dma_start3A_139 = tpu.memref_slice %arg9[%add3A_137, %dma_start3A_138] : memref<10240x64xf32, #tpu.memory_space<vmem_shared>> -> memref<128x64xf32, #tpu.memory_space<vmem_shared>>
      %dma_start3A_140 = arith.constant 0 : i32
      %dma_start3A_141 = tpu.memref_slice %arg9[%add3A_137, %dma_start3A_140] : memref<10240x64xf32, #tpu.memory_space<vmem_shared>> -> memref<128x64xf32, #tpu.memory_space<vmem_shared>>
      tpu.enqueue_dma source(%arg6 : memref<128x64xf32, #tpu.memory_space<vmem>>) target(%dma_start3A_141 : memref<128x64xf32, #tpu.memory_space<vmem_shared>>) target_semaphore(%arg14 : memref<!tpu.dma_semaphore, #tpu.memory_space<semaphore_mem>>)
    }
    %scan3A_32 = arith.constant 5 : i32
    %scan3A_33 = arith.constant 0 : i32
    %scan3A_34 = arith.constant 5 : i32
    %scan3A_35 = arith.addi %scan3A_33, %scan3A_34 : i32
    %scan3A_36 = arith.constant 1 : i32
    scf.for %scan3A_128 = %scan3A_33 to %scan3A_35 step %scan3A_36  : i32 {
      %mul3A_129 = arith.constant 1 : i32
      %mul3A_130 = arith.muli %scan3A_128, %mul3A_129 : i32
      %add3A_131 = arith.constant 0 : i32
      %add3A_132 = arith.addi %add3A_131, %mul3A_130 : i32
      %mul3A_133 = arith.constant 640 : i32
      %mul3A_134 = arith.muli %arg1, %mul3A_133 : i32
      %mul3A_135 = arith.constant 128 : i32
      %mul3A_136 = arith.muli %add3A_132, %mul3A_135 : i32
      %add3A_137 = arith.addi %mul3A_134, %mul3A_136 : i32
      %dma_wait3A_138 = arith.constant 0 : i32
      %dma_wait3A_139 = tpu.memref_slice %arg9[%add3A_137, %dma_wait3A_138] : memref<10240x64xf32, #tpu.memory_space<vmem_shared>> -> memref<128x64xf32, #tpu.memory_space<vmem_shared>>
      %dma_wait3A_140 = arith.constant 0 : i32
      %dma_wait3A_141 = tpu.memref_slice %arg9[%add3A_137, %dma_wait3A_140] : memref<10240x64xf32, #tpu.memory_space<vmem_shared>> -> memref<128x64xf32, #tpu.memory_space<vmem_shared>>
      tpu.wait_dma2 semaphore(%arg14 : memref<!tpu.dma_semaphore, #tpu.memory_space<semaphore_mem>>) src(%arg6 : memref<128x64xf32, #tpu.memory_space<vmem>>) dst(%dma_wait3A_141 : memref<128x64xf32, #tpu.memory_space<vmem_shared>>)
    }
    %scan3A_37 = arith.constant 5 : i32
    %mul3A_38 = arith.constant 78 : i32
    %mul3A_39 = arith.muli %add3A, %mul3A_38 : i32
    %dma_wait3A = arith.constant 0 : i32
    %dma_wait3A_40 = arith.constant 0 : i32
    %dma_wait3A_41 = arith.constant 0 : i32
    %dma_wait3A_42 = tpu.memref_slice %arg5[%dma_wait3A, %dma_wait3A_40, %dma_wait3A_41] : memref<79x2x128xi32, #tpu.memory_space<vmem>> -> memref<78x2x128xi32, #tpu.memory_space<vmem>>
    %dma_wait3A_43 = arith.constant 0 : i32
    %dma_wait3A_44 = arith.constant 0 : i32
    %dma_wait3A_45 = tpu.memref_slice %arg3[%mul3A_39, %dma_wait3A_43, %dma_wait3A_44] : memref<2500x2x128xi32, #tpu.memory_space<hbm>> -> memref<78x2x128xi32, #tpu.memory_space<hbm>>
    %dma_wait3A_46 = arith.constant 0 : i32
    %dma_wait3A_47 = arith.constant 0 : i32
    %dma_wait3A_48 = arith.constant 0 : i32
    %dma_wait3A_49 = tpu.memref_slice %arg5[%dma_wait3A_46, %dma_wait3A_47, %dma_wait3A_48] : memref<79x2x128xi32, #tpu.memory_space<vmem>> -> memref<78x2x128xi32, #tpu.memory_space<vmem>>
    %dma_wait3A_50 = arith.constant 0 : i32
    %dma_wait3A_51 = arith.constant 0 : i32
    %dma_wait3A_52 = tpu.memref_slice %arg3[%mul3A_39, %dma_wait3A_50, %dma_wait3A_51] : memref<2500x2x128xi32, #tpu.memory_space<hbm>> -> memref<78x2x128xi32, #tpu.memory_space<hbm>>
    tpu.wait_dma2 semaphore(%arg11 : memref<!tpu.dma_semaphore, #tpu.memory_space<semaphore_mem>>) src(%dma_wait3A_52 : memref<78x2x128xi32, #tpu.memory_space<hbm>>) dst(%dma_wait3A_49 : memref<78x2x128xi32, #tpu.memory_space<vmem>>)
    %lt3A = arith.constant 4 : i32
    %lt3A_53 = arith.cmpi slt, %add3A, %lt3A : i32
    %convert_element_type3A = arith.extui %lt3A_53 : i1 to i32
    %cond3A = arith.constant 0 : i32
    %cond3A_54 = arith.cmpi ne, %convert_element_type3A, %cond3A : i32
    scf.if %cond3A_54 {
      %add3A_128 = arith.constant 2496 : i32
      %add3A_129 = arith.addi %add3A_128, %add3A : i32
      "tpu.region"() ({
        %run_scoped3A = tpu.sem_alloc : memref<!tpu.dma_semaphore, #tpu.memory_space<semaphore_mem>>
        %dma_start3A_130 = arith.constant 78 : i32
        %dma_start3A_131 = arith.constant 0 : i32
        %dma_start3A_132 = arith.constant 0 : i32
        %dma_start3A_133 = tpu.memref_slice %arg5[%dma_start3A_130, %dma_start3A_131, %dma_start3A_132] : memref<79x2x128xi32, #tpu.memory_space<vmem>> -> memref<1x2x128xi32, #tpu.memory_space<vmem>>
        %dma_start3A_134 = arith.constant 0 : i32
        %dma_start3A_135 = arith.constant 0 : i32
        %dma_start3A_136 = tpu.memref_slice %arg3[%add3A_129, %dma_start3A_134, %dma_start3A_135] : memref<2500x2x128xi32, #tpu.memory_space<hbm>> -> memref<1x2x128xi32, #tpu.memory_space<hbm>>
        %dma_start3A_137 = arith.constant 78 : i32
        %dma_start3A_138 = arith.constant 0 : i32
        %dma_start3A_139 = arith.constant 0 : i32
        %dma_start3A_140 = tpu.memref_slice %arg5[%dma_start3A_137, %dma_start3A_138, %dma_start3A_139] : memref<79x2x128xi32, #tpu.memory_space<vmem>> -> memref<1x2x128xi32, #tpu.memory_space<vmem>>
        %dma_start3A_141 = arith.constant 0 : i32
        %dma_start3A_142 = arith.constant 0 : i32
        %dma_start3A_143 = tpu.memref_slice %arg3[%add3A_129, %dma_start3A_141, %dma_start3A_142] : memref<2500x2x128xi32, #tpu.memory_space<hbm>> -> memref<1x2x128xi32, #tpu.memory_space<hbm>>
        tpu.enqueue_dma source(%dma_start3A_143 : memref<1x2x128xi32, #tpu.memory_space<hbm>>) target(%dma_start3A_140 : memref<1x2x128xi32, #tpu.memory_space<vmem>>) target_semaphore(%run_scoped3A : memref<!tpu.dma_semaphore, #tpu.memory_space<semaphore_mem>>)
        %dma_wait3A_144 = arith.constant 78 : i32
        %dma_wait3A_145 = arith.constant 0 : i32
        %dma_wait3A_146 = arith.constant 0 : i32
        %dma_wait3A_147 = tpu.memref_slice %arg5[%dma_wait3A_144, %dma_wait3A_145, %dma_wait3A_146] : memref<79x2x128xi32, #tpu.memory_space<vmem>> -> memref<1x2x128xi32, #tpu.memory_space<vmem>>
        %dma_wait3A_148 = arith.constant 0 : i32
        %dma_wait3A_149 = arith.constant 0 : i32
        %dma_wait3A_150 = tpu.memref_slice %arg3[%add3A_129, %dma_wait3A_148, %dma_wait3A_149] : memref<2500x2x128xi32, #tpu.memory_space<hbm>> -> memref<1x2x128xi32, #tpu.memory_space<hbm>>
        %dma_wait3A_151 = arith.constant 78 : i32
        %dma_wait3A_152 = arith.constant 0 : i32
        %dma_wait3A_153 = arith.constant 0 : i32
        %dma_wait3A_154 = tpu.memref_slice %arg5[%dma_wait3A_151, %dma_wait3A_152, %dma_wait3A_153] : memref<79x2x128xi32, #tpu.memory_space<vmem>> -> memref<1x2x128xi32, #tpu.memory_space<vmem>>
        %dma_wait3A_155 = arith.constant 0 : i32
        %dma_wait3A_156 = arith.constant 0 : i32
        %dma_wait3A_157 = tpu.memref_slice %arg3[%add3A_129, %dma_wait3A_155, %dma_wait3A_156] : memref<2500x2x128xi32, #tpu.memory_space<hbm>> -> memref<1x2x128xi32, #tpu.memory_space<hbm>>
        tpu.wait_dma2 semaphore(%run_scoped3A : memref<!tpu.dma_semaphore, #tpu.memory_space<semaphore_mem>>) src(%dma_wait3A_157 : memref<1x2x128xi32, #tpu.memory_space<hbm>>) dst(%dma_wait3A_154 : memref<1x2x128xi32, #tpu.memory_space<vmem>>)
        tpu.yield
      }) : () -> ()
    } else {
    }
    %mul3A_55 = arith.constant 640 : i32
    %mul3A_56 = arith.muli %arg1, %mul3A_55 : i32
    %mul3A_57 = arith.constant 640 : i32
    %mul3A_58 = arith.muli %arg1, %mul3A_57 : i32
    %dma_wait3A_59 = arith.constant 0 : i32
    %dma_wait3A_60 = tpu.memref_slice %arg10[%mul3A_58, %dma_wait3A_59] : memref<10240x64xf32, #tpu.memory_space<vmem_shared>> -> memref<640x64xf32, #tpu.memory_space<vmem_shared>>
    %dma_wait3A_61 = arith.constant 0 : i32
    %dma_wait3A_62 = tpu.memref_slice %arg2[%mul3A_56, %dma_wait3A_61] : memref<10240x128xf32, #tpu.memory_space<hbm>> -> memref<640x64xf32, #tpu.memory_space<hbm>>
    tpu.wait_dma2 semaphore(%arg12 : memref<!tpu.dma_semaphore, #tpu.memory_space<semaphore_mem>>) src(%dma_wait3A_62 : memref<640x64xf32, #tpu.memory_space<hbm>>) dst(%dma_wait3A_60 : memref<640x64xf32, #tpu.memory_space<vmem_shared>>)
    %barrier3A = arith.constant 0 : index
    tpu.barrier barrier_id(%barrier3A)
    %dma_start3A_63 = arith.constant 0 : i32
    %dma_start3A_64 = arith.constant 0 : i32
    %dma_start3A_65 = arith.constant 0 : i32
    %dma_start3A_66 = tpu.memref_slice %arg5[%dma_start3A_63, %dma_start3A_64, %dma_start3A_65] : memref<79x2x128xi32, #tpu.memory_space<vmem>> -> memref<1x1x128xi32, #tpu.memory_space<vmem>>
    %dma_start3A_67 = tpu.memref_squeeze %dma_start3A_66 : memref<1x1x128xi32, #tpu.memory_space<vmem>> -> memref<128xi32, #tpu.memory_space<vmem>>
    %dma_start3A_68 = arith.constant 0 : i32
    %dma_start3A_69 = arith.constant 0 : i32
    %dma_start3A_70 = tpu.memref_slice %arg10[%dma_start3A_68, %dma_start3A_69] : memref<10240x64xf32, #tpu.memory_space<vmem_shared>> -> memref<10240x64xf32, #tpu.memory_space<vmem_shared>>
    tpu.enqueue_indirect_dma source(%dma_start3A_70 : memref<10240x64xf32, #tpu.memory_space<vmem_shared>>) target(%arg6 : memref<128x64xf32, #tpu.memory_space<vmem>>) offsets(%dma_start3A_67 : memref<128xi32, #tpu.memory_space<vmem>>) semaphore(%arg11 : memref<!tpu.dma_semaphore, #tpu.memory_space<semaphore_mem>>)
    %dma_start3A_71 = arith.constant 1 : i32
    %dma_start3A_72 = arith.constant 0 : i32
    %dma_start3A_73 = arith.constant 0 : i32
    %dma_start3A_74 = tpu.memref_slice %arg5[%dma_start3A_71, %dma_start3A_72, %dma_start3A_73] : memref<79x2x128xi32, #tpu.memory_space<vmem>> -> memref<1x1x128xi32, #tpu.memory_space<vmem>>
    %dma_start3A_75 = tpu.memref_squeeze %dma_start3A_74 : memref<1x1x128xi32, #tpu.memory_space<vmem>> -> memref<128xi32, #tpu.memory_space<vmem>>
    %dma_start3A_76 = arith.constant 0 : i32
    %dma_start3A_77 = arith.constant 0 : i32
    %dma_start3A_78 = tpu.memref_slice %arg10[%dma_start3A_76, %dma_start3A_77] : memref<10240x64xf32, #tpu.memory_space<vmem_shared>> -> memref<10240x64xf32, #tpu.memory_space<vmem_shared>>
    tpu.enqueue_indirect_dma source(%dma_start3A_78 : memref<10240x64xf32, #tpu.memory_space<vmem_shared>>) target(%arg7 : memref<128x64xf32, #tpu.memory_space<vmem>>) offsets(%dma_start3A_75 : memref<128xi32, #tpu.memory_space<vmem>>) semaphore(%arg12 : memref<!tpu.dma_semaphore, #tpu.memory_space<semaphore_mem>>)
    %dma_start3A_79 = arith.constant 2 : i32
    %dma_start3A_80 = arith.constant 0 : i32
    %dma_start3A_81 = arith.constant 0 : i32
    %dma_start3A_82 = tpu.memref_slice %arg5[%dma_start3A_79, %dma_start3A_80, %dma_start3A_81] : memref<79x2x128xi32, #tpu.memory_space<vmem>> -> memref<1x1x128xi32, #tpu.memory_space<vmem>>
    %dma_start3A_83 = tpu.memref_squeeze %dma_start3A_82 : memref<1x1x128xi32, #tpu.memory_space<vmem>> -> memref<128xi32, #tpu.memory_space<vmem>>
    %dma_start3A_84 = arith.constant 0 : i32
    %dma_start3A_85 = arith.constant 0 : i32
    %dma_start3A_86 = tpu.memref_slice %arg10[%dma_start3A_84, %dma_start3A_85] : memref<10240x64xf32, #tpu.memory_space<vmem_shared>> -> memref<10240x64xf32, #tpu.memory_space<vmem_shared>>
    tpu.enqueue_indirect_dma source(%dma_start3A_86 : memref<10240x64xf32, #tpu.memory_space<vmem_shared>>) target(%arg8 : memref<128x64xf32, #tpu.memory_space<vmem>>) offsets(%dma_start3A_83 : memref<128xi32, #tpu.memory_space<vmem>>) semaphore(%arg13 : memref<!tpu.dma_semaphore, #tpu.memory_space<semaphore_mem>>)
    %scan3A_87 = arith.constant 0 : i32
    %scan3A_88 = arith.constant 26 : i32
    %scan3A_89 = arith.addi %scan3A_87, %scan3A_88 : i32
    %scan3A_90 = arith.constant 1 : i32
    scf.for %scan3A_128 = %scan3A_87 to %scan3A_89 step %scan3A_90  : i32 {
      %mul3A_129 = arith.constant 1 : i32
      %mul3A_130 = arith.muli %scan3A_128, %mul3A_129 : i32
      %add3A_131 = arith.constant 0 : i32
      %add3A_132 = arith.addi %add3A_131, %mul3A_130 : i32
      %mul3A_133 = arith.constant 3 : i32
      %mul3A_134 = arith.muli %add3A_132, %mul3A_133 : i32
      %add3A_135 = arith.constant 0 : i32
      %add3A_136 = arith.addi %mul3A_134, %add3A_135 : i32
      %dma_wait3A_137 = arith.constant 0 : i32
      %dma_wait3A_138 = arith.constant 0 : i32
      %dma_wait3A_139 = tpu.memref_slice %arg5[%add3A_136, %dma_wait3A_137, %dma_wait3A_138] : memref<79x2x128xi32, #tpu.memory_space<vmem>> -> memref<1x1x128xi32, #tpu.memory_space<vmem>>
      %dma_wait3A_140 = tpu.memref_squeeze %dma_wait3A_139 : memref<1x1x128xi32, #tpu.memory_space<vmem>> -> memref<128xi32, #tpu.memory_space<vmem>>
      %dma_wait3A_141 = arith.constant 0 : i32
      %dma_wait3A_142 = arith.constant 0 : i32
      %dma_wait3A_143 = tpu.memref_slice %arg10[%dma_wait3A_141, %dma_wait3A_142] : memref<10240x64xf32, #tpu.memory_space<vmem_shared>> -> memref<10240x64xf32, #tpu.memory_space<vmem_shared>>
      tpu.wait_indirect_dma semaphore(%arg11 : memref<!tpu.dma_semaphore, #tpu.memory_space<semaphore_mem>>) src(%dma_wait3A_143 : memref<10240x64xf32, #tpu.memory_space<vmem_shared>>) dst(%arg6 : memref<128x64xf32, #tpu.memory_space<vmem>>)
      %dma_start3A_144 = arith.constant 1 : i32
      %dma_start3A_145 = arith.constant 0 : i32
      %dma_start3A_146 = tpu.memref_slice %arg5[%add3A_136, %dma_start3A_144, %dma_start3A_145] : memref<79x2x128xi32, #tpu.memory_space<vmem>> -> memref<1x1x128xi32, #tpu.memory_space<vmem>>
      %dma_start3A_147 = tpu.memref_squeeze %dma_start3A_146 : memref<1x1x128xi32, #tpu.memory_space<vmem>> -> memref<128xi32, #tpu.memory_space<vmem>>
      %dma_start3A_148 = arith.constant 0 : i32
      %dma_start3A_149 = arith.constant 0 : i32
      %dma_start3A_150 = tpu.memref_slice %arg9[%dma_start3A_148, %dma_start3A_149] : memref<10240x64xf32, #tpu.memory_space<vmem_shared>> -> memref<10240x64xf32, #tpu.memory_space<vmem_shared>>
      tpu.enqueue_indirect_dma source(%arg6 : memref<128x64xf32, #tpu.memory_space<vmem>>) target(%dma_start3A_150 : memref<10240x64xf32, #tpu.memory_space<vmem_shared>>) offsets(%dma_start3A_147 : memref<128xi32, #tpu.memory_space<vmem>>) semaphore(%arg14 : memref<!tpu.dma_semaphore, #tpu.memory_space<semaphore_mem>>) {add = true}
      %add3A_151 = arith.constant 1 : i32
      %add3A_152 = arith.addi %mul3A_134, %add3A_151 : i32
      %dma_wait3A_153 = arith.constant 0 : i32
      %dma_wait3A_154 = arith.constant 0 : i32
      %dma_wait3A_155 = tpu.memref_slice %arg5[%add3A_152, %dma_wait3A_153, %dma_wait3A_154] : memref<79x2x128xi32, #tpu.memory_space<vmem>> -> memref<1x1x128xi32, #tpu.memory_space<vmem>>
      %dma_wait3A_156 = tpu.memref_squeeze %dma_wait3A_155 : memref<1x1x128xi32, #tpu.memory_space<vmem>> -> memref<128xi32, #tpu.memory_space<vmem>>
      %dma_wait3A_157 = arith.constant 0 : i32
      %dma_wait3A_158 = arith.constant 0 : i32
      %dma_wait3A_159 = tpu.memref_slice %arg10[%dma_wait3A_157, %dma_wait3A_158] : memref<10240x64xf32, #tpu.memory_space<vmem_shared>> -> memref<10240x64xf32, #tpu.memory_space<vmem_shared>>
      tpu.wait_indirect_dma semaphore(%arg12 : memref<!tpu.dma_semaphore, #tpu.memory_space<semaphore_mem>>) src(%dma_wait3A_159 : memref<10240x64xf32, #tpu.memory_space<vmem_shared>>) dst(%arg7 : memref<128x64xf32, #tpu.memory_space<vmem>>)
      %dma_start3A_160 = arith.constant 1 : i32
      %dma_start3A_161 = arith.constant 0 : i32
      %dma_start3A_162 = tpu.memref_slice %arg5[%add3A_152, %dma_start3A_160, %dma_start3A_161] : memref<79x2x128xi32, #tpu.memory_space<vmem>> -> memref<1x1x128xi32, #tpu.memory_space<vmem>>
      %dma_start3A_163 = tpu.memref_squeeze %dma_start3A_162 : memref<1x1x128xi32, #tpu.memory_space<vmem>> -> memref<128xi32, #tpu.memory_space<vmem>>
      %dma_start3A_164 = arith.constant 0 : i32
      %dma_start3A_165 = arith.constant 0 : i32
      %dma_start3A_166 = tpu.memref_slice %arg9[%dma_start3A_164, %dma_start3A_165] : memref<10240x64xf32, #tpu.memory_space<vmem_shared>> -> memref<10240x64xf32, #tpu.memory_space<vmem_shared>>
      tpu.enqueue_indirect_dma source(%arg7 : memref<128x64xf32, #tpu.memory_space<vmem>>) target(%dma_start3A_166 : memref<10240x64xf32, #tpu.memory_space<vmem_shared>>) offsets(%dma_start3A_163 : memref<128xi32, #tpu.memory_space<vmem>>) semaphore(%arg14 : memref<!tpu.dma_semaphore, #tpu.memory_space<semaphore_mem>>) {add = true}
      %add3A_167 = arith.constant 2 : i32
      %add3A_168 = arith.addi %mul3A_134, %add3A_167 : i32
      %dma_wait3A_169 = arith.constant 0 : i32
      %dma_wait3A_170 = arith.constant 0 : i32
      %dma_wait3A_171 = tpu.memref_slice %arg5[%add3A_168, %dma_wait3A_169, %dma_wait3A_170] : memref<79x2x128xi32, #tpu.memory_space<vmem>> -> memref<1x1x128xi32, #tpu.memory_space<vmem>>
      %dma_wait3A_172 = tpu.memref_squeeze %dma_wait3A_171 : memref<1x1x128xi32, #tpu.memory_space<vmem>> -> memref<128xi32, #tpu.memory_space<vmem>>
      %dma_wait3A_173 = arith.constant 0 : i32
      %dma_wait3A_174 = arith.constant 0 : i32
      %dma_wait3A_175 = tpu.memref_slice %arg10[%dma_wait3A_173, %dma_wait3A_174] : memref<10240x64xf32, #tpu.memory_space<vmem_shared>> -> memref<10240x64xf32, #tpu.memory_space<vmem_shared>>
      tpu.wait_indirect_dma semaphore(%arg13 : memref<!tpu.dma_semaphore, #tpu.memory_space<semaphore_mem>>) src(%dma_wait3A_175 : memref<10240x64xf32, #tpu.memory_space<vmem_shared>>) dst(%arg8 : memref<128x64xf32, #tpu.memory_space<vmem>>)
      %dma_start3A_176 = arith.constant 1 : i32
      %dma_start3A_177 = arith.constant 0 : i32
      %dma_start3A_178 = tpu.memref_slice %arg5[%add3A_168, %dma_start3A_176, %dma_start3A_177] : memref<79x2x128xi32, #tpu.memory_space<vmem>> -> memref<1x1x128xi32, #tpu.memory_space<vmem>>
      %dma_start3A_179 = tpu.memref_squeeze %dma_start3A_178 : memref<1x1x128xi32, #tpu.memory_space<vmem>> -> memref<128xi32, #tpu.memory_space<vmem>>
      %dma_start3A_180 = arith.constant 0 : i32
      %dma_start3A_181 = arith.constant 0 : i32
      %dma_start3A_182 = tpu.memref_slice %arg9[%dma_start3A_180, %dma_start3A_181] : memref<10240x64xf32, #tpu.memory_space<vmem_shared>> -> memref<10240x64xf32, #tpu.memory_space<vmem_shared>>
      tpu.enqueue_indirect_dma source(%arg8 : memref<128x64xf32, #tpu.memory_space<vmem>>) target(%dma_start3A_182 : memref<10240x64xf32, #tpu.memory_space<vmem_shared>>) offsets(%dma_start3A_179 : memref<128xi32, #tpu.memory_space<vmem>>) semaphore(%arg14 : memref<!tpu.dma_semaphore, #tpu.memory_space<semaphore_mem>>) {add = true}
      %lt3A_183 = arith.constant 25 : i32
      %lt3A_184 = arith.cmpi slt, %add3A_132, %lt3A_183 : i32
      %convert_element_type3A_185 = arith.extui %lt3A_184 : i1 to i32
      %cond3A_186 = arith.constant 0 : i32
      %cond3A_187 = arith.cmpi ne, %convert_element_type3A_185, %cond3A_186 : i32
      scf.if %cond3A_187 {
        %add3A_188 = arith.constant 0 : i32
        %add3A_189 = arith.addi %mul3A_134, %add3A_188 : i32
        %dma_wait3A_190 = arith.constant 1 : i32
        %dma_wait3A_191 = arith.constant 0 : i32
        %dma_wait3A_192 = tpu.memref_slice %arg5[%add3A_189, %dma_wait3A_190, %dma_wait3A_191] : memref<79x2x128xi32, #tpu.memory_space<vmem>> -> memref<1x1x128xi32, #tpu.memory_space<vmem>>
        %dma_wait3A_193 = tpu.memref_squeeze %dma_wait3A_192 : memref<1x1x128xi32, #tpu.memory_space<vmem>> -> memref<128xi32, #tpu.memory_space<vmem>>
        %dma_wait3A_194 = arith.constant 0 : i32
        %dma_wait3A_195 = arith.constant 0 : i32
        %dma_wait3A_196 = tpu.memref_slice %arg9[%dma_wait3A_194, %dma_wait3A_195] : memref<10240x64xf32, #tpu.memory_space<vmem_shared>> -> memref<10240x64xf32, #tpu.memory_space<vmem_shared>>
        tpu.wait_indirect_dma semaphore(%arg14 : memref<!tpu.dma_semaphore, #tpu.memory_space<semaphore_mem>>) src(%arg6 : memref<128x64xf32, #tpu.memory_space<vmem>>) dst(%dma_wait3A_196 : memref<10240x64xf32, #tpu.memory_space<vmem_shared>>)
        %add3A_197 = arith.constant 3 : i32
        %add3A_198 = arith.addi %add3A_189, %add3A_197 : i32
        %dma_start3A_199 = arith.constant 0 : i32
        %dma_start3A_200 = arith.constant 0 : i32
        %dma_start3A_201 = tpu.memref_slice %arg5[%add3A_198, %dma_start3A_199, %dma_start3A_200] : memref<79x2x128xi32, #tpu.memory_space<vmem>> -> memref<1x1x128xi32, #tpu.memory_space<vmem>>
        %dma_start3A_202 = tpu.memref_squeeze %dma_start3A_201 : memref<1x1x128xi32, #tpu.memory_space<vmem>> -> memref<128xi32, #tpu.memory_space<vmem>>
        %dma_start3A_203 = arith.constant 0 : i32
        %dma_start3A_204 = arith.constant 0 : i32
        %dma_start3A_205 = tpu.memref_slice %arg10[%dma_start3A_203, %dma_start3A_204] : memref<10240x64xf32, #tpu.memory_space<vmem_shared>> -> memref<10240x64xf32, #tpu.memory_space<vmem_shared>>
        tpu.enqueue_indirect_dma source(%dma_start3A_205 : memref<10240x64xf32, #tpu.memory_space<vmem_shared>>) target(%arg6 : memref<128x64xf32, #tpu.memory_space<vmem>>) offsets(%dma_start3A_202 : memref<128xi32, #tpu.memory_space<vmem>>) semaphore(%arg11 : memref<!tpu.dma_semaphore, #tpu.memory_space<semaphore_mem>>)
        %add3A_206 = arith.constant 1 : i32
        %add3A_207 = arith.addi %mul3A_134, %add3A_206 : i32
        %dma_wait3A_208 = arith.constant 1 : i32
        %dma_wait3A_209 = arith.constant 0 : i32
        %dma_wait3A_210 = tpu.memref_slice %arg5[%add3A_207, %dma_wait3A_208, %dma_wait3A_209] : memref<79x2x128xi32, #tpu.memory_space<vmem>> -> memref<1x1x128xi32, #tpu.memory_space<vmem>>
        %dma_wait3A_211 = tpu.memref_squeeze %dma_wait3A_210 : memref<1x1x128xi32, #tpu.memory_space<vmem>> -> memref<128xi32, #tpu.memory_space<vmem>>
        %dma_wait3A_212 = arith.constant 0 : i32
        %dma_wait3A_213 = arith.constant 0 : i32
        %dma_wait3A_214 = tpu.memref_slice %arg9[%dma_wait3A_212, %dma_wait3A_213] : memref<10240x64xf32, #tpu.memory_space<vmem_shared>> -> memref<10240x64xf32, #tpu.memory_space<vmem_shared>>
        tpu.wait_indirect_dma semaphore(%arg14 : memref<!tpu.dma_semaphore, #tpu.memory_space<semaphore_mem>>) src(%arg7 : memref<128x64xf32, #tpu.memory_space<vmem>>) dst(%dma_wait3A_214 : memref<10240x64xf32, #tpu.memory_space<vmem_shared>>)
        %add3A_215 = arith.constant 3 : i32
        %add3A_216 = arith.addi %add3A_207, %add3A_215 : i32
        %dma_start3A_217 = arith.constant 0 : i32
        %dma_start3A_218 = arith.constant 0 : i32
        %dma_start3A_219 = tpu.memref_slice %arg5[%add3A_216, %dma_start3A_217, %dma_start3A_218] : memref<79x2x128xi32, #tpu.memory_space<vmem>> -> memref<1x1x128xi32, #tpu.memory_space<vmem>>
        %dma_start3A_220 = tpu.memref_squeeze %dma_start3A_219 : memref<1x1x128xi32, #tpu.memory_space<vmem>> -> memref<128xi32, #tpu.memory_space<vmem>>
        %dma_start3A_221 = arith.constant 0 : i32
        %dma_start3A_222 = arith.constant 0 : i32
        %dma_start3A_223 = tpu.memref_slice %arg10[%dma_start3A_221, %dma_start3A_222] : memref<10240x64xf32, #tpu.memory_space<vmem_shared>> -> memref<10240x64xf32, #tpu.memory_space<vmem_shared>>
        tpu.enqueue_indirect_dma source(%dma_start3A_223 : memref<10240x64xf32, #tpu.memory_space<vmem_shared>>) target(%arg7 : memref<128x64xf32, #tpu.memory_space<vmem>>) offsets(%dma_start3A_220 : memref<128xi32, #tpu.memory_space<vmem>>) semaphore(%arg12 : memref<!tpu.dma_semaphore, #tpu.memory_space<semaphore_mem>>)
        %add3A_224 = arith.constant 2 : i32
        %add3A_225 = arith.addi %mul3A_134, %add3A_224 : i32
        %dma_wait3A_226 = arith.constant 1 : i32
        %dma_wait3A_227 = arith.constant 0 : i32
        %dma_wait3A_228 = tpu.memref_slice %arg5[%add3A_225, %dma_wait3A_226, %dma_wait3A_227] : memref<79x2x128xi32, #tpu.memory_space<vmem>> -> memref<1x1x128xi32, #tpu.memory_space<vmem>>
        %dma_wait3A_229 = tpu.memref_squeeze %dma_wait3A_228 : memref<1x1x128xi32, #tpu.memory_space<vmem>> -> memref<128xi32, #tpu.memory_space<vmem>>
        %dma_wait3A_230 = arith.constant 0 : i32
        %dma_wait3A_231 = arith.constant 0 : i32
        %dma_wait3A_232 = tpu.memref_slice %arg9[%dma_wait3A_230, %dma_wait3A_231] : memref<10240x64xf32, #tpu.memory_space<vmem_shared>> -> memref<10240x64xf32, #tpu.memory_space<vmem_shared>>
        tpu.wait_indirect_dma semaphore(%arg14 : memref<!tpu.dma_semaphore, #tpu.memory_space<semaphore_mem>>) src(%arg8 : memref<128x64xf32, #tpu.memory_space<vmem>>) dst(%dma_wait3A_232 : memref<10240x64xf32, #tpu.memory_space<vmem_shared>>)
        %add3A_233 = arith.constant 3 : i32
        %add3A_234 = arith.addi %add3A_225, %add3A_233 : i32
        %dma_start3A_235 = arith.constant 0 : i32
        %dma_start3A_236 = arith.constant 0 : i32
        %dma_start3A_237 = tpu.memref_slice %arg5[%add3A_234, %dma_start3A_235, %dma_start3A_236] : memref<79x2x128xi32, #tpu.memory_space<vmem>> -> memref<1x1x128xi32, #tpu.memory_space<vmem>>
        %dma_start3A_238 = tpu.memref_squeeze %dma_start3A_237 : memref<1x1x128xi32, #tpu.memory_space<vmem>> -> memref<128xi32, #tpu.memory_space<vmem>>
        %dma_start3A_239 = arith.constant 0 : i32
        %dma_start3A_240 = arith.constant 0 : i32
        %dma_start3A_241 = tpu.memref_slice %arg10[%dma_start3A_239, %dma_start3A_240] : memref<10240x64xf32, #tpu.memory_space<vmem_shared>> -> memref<10240x64xf32, #tpu.memory_space<vmem_shared>>
        tpu.enqueue_indirect_dma source(%dma_start3A_241 : memref<10240x64xf32, #tpu.memory_space<vmem_shared>>) target(%arg8 : memref<128x64xf32, #tpu.memory_space<vmem>>) offsets(%dma_start3A_238 : memref<128xi32, #tpu.memory_space<vmem>>) semaphore(%arg13 : memref<!tpu.dma_semaphore, #tpu.memory_space<semaphore_mem>>)
      } else {
      }
    }
    %scan3A_91 = arith.constant 26 : i32
    %dma_wait3A_92 = arith.constant 75 : i32
    %dma_wait3A_93 = arith.constant 1 : i32
    %dma_wait3A_94 = arith.constant 0 : i32
    %dma_wait3A_95 = tpu.memref_slice %arg5[%dma_wait3A_92, %dma_wait3A_93, %dma_wait3A_94] : memref<79x2x128xi32, #tpu.memory_space<vmem>> -> memref<1x1x128xi32, #tpu.memory_space<vmem>>
    %dma_wait3A_96 = tpu.memref_squeeze %dma_wait3A_95 : memref<1x1x128xi32, #tpu.memory_space<vmem>> -> memref<128xi32, #tpu.memory_space<vmem>>
    %dma_wait3A_97 = arith.constant 0 : i32
    %dma_wait3A_98 = arith.constant 0 : i32
    %dma_wait3A_99 = tpu.memref_slice %arg9[%dma_wait3A_97, %dma_wait3A_98] : memref<10240x64xf32, #tpu.memory_space<vmem_shared>> -> memref<10240x64xf32, #tpu.memory_space<vmem_shared>>
    tpu.wait_indirect_dma semaphore(%arg14 : memref<!tpu.dma_semaphore, #tpu.memory_space<semaphore_mem>>) src(%arg6 : memref<128x64xf32, #tpu.memory_space<vmem>>) dst(%dma_wait3A_99 : memref<10240x64xf32, #tpu.memory_space<vmem_shared>>)
    %dma_wait3A_100 = arith.constant 76 : i32
    %dma_wait3A_101 = arith.constant 1 : i32
    %dma_wait3A_102 = arith.constant 0 : i32
    %dma_wait3A_103 = tpu.memref_slice %arg5[%dma_wait3A_100, %dma_wait3A_101, %dma_wait3A_102] : memref<79x2x128xi32, #tpu.memory_space<vmem>> -> memref<1x1x128xi32, #tpu.memory_space<vmem>>
    %dma_wait3A_104 = tpu.memref_squeeze %dma_wait3A_103 : memref<1x1x128xi32, #tpu.memory_space<vmem>> -> memref<128xi32, #tpu.memory_space<vmem>>
    %dma_wait3A_105 = arith.constant 0 : i32
    %dma_wait3A_106 = arith.constant 0 : i32
    %dma_wait3A_107 = tpu.memref_slice %arg9[%dma_wait3A_105, %dma_wait3A_106] : memref<10240x64xf32, #tpu.memory_space<vmem_shared>> -> memref<10240x64xf32, #tpu.memory_space<vmem_shared>>
    tpu.wait_indirect_dma semaphore(%arg14 : memref<!tpu.dma_semaphore, #tpu.memory_space<semaphore_mem>>) src(%arg7 : memref<128x64xf32, #tpu.memory_space<vmem>>) dst(%dma_wait3A_107 : memref<10240x64xf32, #tpu.memory_space<vmem_shared>>)
    %dma_wait3A_108 = arith.constant 77 : i32
    %dma_wait3A_109 = arith.constant 1 : i32
    %dma_wait3A_110 = arith.constant 0 : i32
    %dma_wait3A_111 = tpu.memref_slice %arg5[%dma_wait3A_108, %dma_wait3A_109, %dma_wait3A_110] : memref<79x2x128xi32, #tpu.memory_space<vmem>> -> memref<1x1x128xi32, #tpu.memory_space<vmem>>
    %dma_wait3A_112 = tpu.memref_squeeze %dma_wait3A_111 : memref<1x1x128xi32, #tpu.memory_space<vmem>> -> memref<128xi32, #tpu.memory_space<vmem>>
    %dma_wait3A_113 = arith.constant 0 : i32
    %dma_wait3A_114 = arith.constant 0 : i32
    %dma_wait3A_115 = tpu.memref_slice %arg9[%dma_wait3A_113, %dma_wait3A_114] : memref<10240x64xf32, #tpu.memory_space<vmem_shared>> -> memref<10240x64xf32, #tpu.memory_space<vmem_shared>>
    tpu.wait_indirect_dma semaphore(%arg14 : memref<!tpu.dma_semaphore, #tpu.memory_space<semaphore_mem>>) src(%arg8 : memref<128x64xf32, #tpu.memory_space<vmem>>) dst(%dma_wait3A_115 : memref<10240x64xf32, #tpu.memory_space<vmem_shared>>)
    %lt3A_116 = arith.constant 4 : i32
    %lt3A_117 = arith.cmpi slt, %add3A, %lt3A_116 : i32
    %convert_element_type3A_118 = arith.extui %lt3A_117 : i1 to i32
    %cond3A_119 = arith.constant 0 : i32
    %cond3A_120 = arith.cmpi ne, %convert_element_type3A_118, %cond3A_119 : i32
    scf.if %cond3A_120 {
      %run_scoped3A = arith.constant 78 : i32
      %run_scoped3A_128 = arith.constant 0 : i32
      "tpu.region"() ({
        %run_scoped3A_131 = tpu.sem_alloc : memref<!tpu.dma_semaphore, #tpu.memory_space<semaphore_mem>>
        %dma_start3A_132 = arith.constant 0 : i32
        %dma_start3A_133 = tpu.memref_slice %arg5[%run_scoped3A, %run_scoped3A_128, %dma_start3A_132] : memref<79x2x128xi32, #tpu.memory_space<vmem>> -> memref<1x1x128xi32, #tpu.memory_space<vmem>>
        %dma_start3A_134 = tpu.memref_squeeze %dma_start3A_133 : memref<1x1x128xi32, #tpu.memory_space<vmem>> -> memref<128xi32, #tpu.memory_space<vmem>>
        %dma_start3A_135 = arith.constant 0 : i32
        %dma_start3A_136 = arith.constant 0 : i32
        %dma_start3A_137 = tpu.memref_slice %arg10[%dma_start3A_135, %dma_start3A_136] : memref<10240x64xf32, #tpu.memory_space<vmem_shared>> -> memref<10240x64xf32, #tpu.memory_space<vmem_shared>>
        tpu.enqueue_indirect_dma source(%dma_start3A_137 : memref<10240x64xf32, #tpu.memory_space<vmem_shared>>) target(%arg6 : memref<128x64xf32, #tpu.memory_space<vmem>>) offsets(%dma_start3A_134 : memref<128xi32, #tpu.memory_space<vmem>>) semaphore(%run_scoped3A_131 : memref<!tpu.dma_semaphore, #tpu.memory_space<semaphore_mem>>)
        %dma_wait3A_138 = arith.constant 0 : i32
        %dma_wait3A_139 = tpu.memref_slice %arg5[%run_scoped3A, %run_scoped3A_128, %dma_wait3A_138] : memref<79x2x128xi32, #tpu.memory_space<vmem>> -> memref<1x1x128xi32, #tpu.memory_space<vmem>>
        %dma_wait3A_140 = tpu.memref_squeeze %dma_wait3A_139 : memref<1x1x128xi32, #tpu.memory_space<vmem>> -> memref<128xi32, #tpu.memory_space<vmem>>
        %dma_wait3A_141 = arith.constant 0 : i32
        %dma_wait3A_142 = arith.constant 0 : i32
        %dma_wait3A_143 = tpu.memref_slice %arg10[%dma_wait3A_141, %dma_wait3A_142] : memref<10240x64xf32, #tpu.memory_space<vmem_shared>> -> memref<10240x64xf32, #tpu.memory_space<vmem_shared>>
        tpu.wait_indirect_dma semaphore(%run_scoped3A_131 : memref<!tpu.dma_semaphore, #tpu.memory_space<semaphore_mem>>) src(%dma_wait3A_143 : memref<10240x64xf32, #tpu.memory_space<vmem_shared>>) dst(%arg6 : memref<128x64xf32, #tpu.memory_space<vmem>>)
        tpu.yield
      }) : () -> ()
      %run_scoped3A_129 = arith.constant 78 : i32
      %run_scoped3A_130 = arith.constant 1 : i32
      "tpu.region"() ({
        %run_scoped3A_131 = tpu.sem_alloc : memref<!tpu.dma_semaphore, #tpu.memory_space<semaphore_mem>>
        %dma_start3A_132 = arith.constant 0 : i32
        %dma_start3A_133 = tpu.memref_slice %arg5[%run_scoped3A_129, %run_scoped3A_130, %dma_start3A_132] : memref<79x2x128xi32, #tpu.memory_space<vmem>> -> memref<1x1x128xi32, #tpu.memory_space<vmem>>
        %dma_start3A_134 = tpu.memref_squeeze %dma_start3A_133 : memref<1x1x128xi32, #tpu.memory_space<vmem>> -> memref<128xi32, #tpu.memory_space<vmem>>
        %dma_start3A_135 = arith.constant 0 : i32
        %dma_start3A_136 = arith.constant 0 : i32
        %dma_start3A_137 = tpu.memref_slice %arg9[%dma_start3A_135, %dma_start3A_136] : memref<10240x64xf32, #tpu.memory_space<vmem_shared>> -> memref<10240x64xf32, #tpu.memory_space<vmem_shared>>
        tpu.enqueue_indirect_dma source(%arg6 : memref<128x64xf32, #tpu.memory_space<vmem>>) target(%dma_start3A_137 : memref<10240x64xf32, #tpu.memory_space<vmem_shared>>) offsets(%dma_start3A_134 : memref<128xi32, #tpu.memory_space<vmem>>) semaphore(%run_scoped3A_131 : memref<!tpu.dma_semaphore, #tpu.memory_space<semaphore_mem>>) {add = true}
        %dma_wait3A_138 = arith.constant 0 : i32
        %dma_wait3A_139 = tpu.memref_slice %arg5[%run_scoped3A_129, %run_scoped3A_130, %dma_wait3A_138] : memref<79x2x128xi32, #tpu.memory_space<vmem>> -> memref<1x1x128xi32, #tpu.memory_space<vmem>>
        %dma_wait3A_140 = tpu.memref_squeeze %dma_wait3A_139 : memref<1x1x128xi32, #tpu.memory_space<vmem>> -> memref<128xi32, #tpu.memory_space<vmem>>
        %dma_wait3A_141 = arith.constant 0 : i32
        %dma_wait3A_142 = arith.constant 0 : i32
        %dma_wait3A_143 = tpu.memref_slice %arg9[%dma_wait3A_141, %dma_wait3A_142] : memref<10240x64xf32, #tpu.memory_space<vmem_shared>> -> memref<10240x64xf32, #tpu.memory_space<vmem_shared>>
        tpu.wait_indirect_dma semaphore(%run_scoped3A_131 : memref<!tpu.dma_semaphore, #tpu.memory_space<semaphore_mem>>) src(%arg6 : memref<128x64xf32, #tpu.memory_space<vmem>>) dst(%dma_wait3A_143 : memref<10240x64xf32, #tpu.memory_space<vmem_shared>>)
        tpu.yield
      }) : () -> ()
    } else {
    }
    %barrier3A_121 = arith.constant 0 : index
    tpu.barrier barrier_id(%barrier3A_121)
    %mul3A_122 = arith.constant 640 : i32
    %mul3A_123 = arith.muli %arg1, %mul3A_122 : i32
    %mul3A_124 = arith.constant 640 : i32
    %mul3A_125 = arith.muli %arg1, %mul3A_124 : i32
    %mul3A_126 = arith.constant 64 : i32
    %mul3A_127 = arith.muli %arg0, %mul3A_126 : i32
    "tpu.region"() ({
      %run_scoped3A = tpu.sem_alloc : memref<!tpu.dma_semaphore, #tpu.memory_space<semaphore_mem>>
      %dma_start3A_128 = tpu.memref_slice %arg4[%mul3A_125, %mul3A_127] : memref<10240x128xf32, #tpu.memory_space<hbm>> -> memref<640x64xf32, #tpu.memory_space<hbm>>
      %dma_start3A_129 = arith.constant 0 : i32
      %dma_start3A_130 = tpu.memref_slice %arg9[%mul3A_123, %dma_start3A_129] : memref<10240x64xf32, #tpu.memory_space<vmem_shared>> -> memref<640x64xf32, #tpu.memory_space<vmem_shared>>
      tpu.enqueue_dma source(%dma_start3A_130 : memref<640x64xf32, #tpu.memory_space<vmem_shared>>) target(%dma_start3A_128 : memref<640x64xf32, #tpu.memory_space<hbm>>) target_semaphore(%run_scoped3A : memref<!tpu.dma_semaphore, #tpu.memory_space<semaphore_mem>>)
      %dma_wait3A_131 = tpu.memref_slice %arg4[%mul3A_125, %mul3A_127] : memref<10240x128xf32, #tpu.memory_space<hbm>> -> memref<640x64xf32, #tpu.memory_space<hbm>>
      %dma_wait3A_132 = arith.constant 0 : i32
      %dma_wait3A_133 = tpu.memref_slice %arg9[%mul3A_123, %dma_wait3A_132] : memref<10240x64xf32, #tpu.memory_space<vmem_shared>> -> memref<640x64xf32, #tpu.memory_space<vmem_shared>>
      tpu.wait_dma2 semaphore(%run_scoped3A : memref<!tpu.dma_semaphore, #tpu.memory_space<semaphore_mem>>) src(%dma_wait3A_133 : memref<640x64xf32, #tpu.memory_space<vmem_shared>>) dst(%dma_wait3A_131 : memref<640x64xf32, #tpu.memory_space<hbm>>)
      tpu.yield
    }) : () -> ()
    return
  }
}

module attributes {stable_mosaic.version = 14 : i64} {
  func.func @body(%arg0: i32, %arg1: memref<2560x128xf32, #tpu.memory_space<vmem>>, %arg2: memref<2560x64xf32, #tpu.memory_space<vmem>>, %arg3: memref<2560x16xf32, #tpu.memory_space<vmem>>, %arg4: memref<2560x128xf32, #tpu.memory_space<vmem>>) attributes {dimension_semantics = [#tpu.dimension_semantics<arbitrary>], iteration_bounds = array<i64: 4>, scalar_prefetch = 0 : i64, scratch_operands = 0 : i64, tpu.core_type = #tpu.core_type<tc>, window_params = [{transform_indices = @transform_0, window_bounds = array<i64: 2560, 128>}, {transform_indices = @transform_1, window_bounds = array<i64: 2560, 64>}, {transform_indices = @transform_2, window_bounds = array<i64: 2560, 16>}, {transform_indices = @transform_3, window_bounds = array<i64: 2560, 128>}]} {
    %get3A = arith.constant 0 : index
    %get3A_0 = arith.constant 0 : index
    %get3A_1 = vector.load %arg1[%get3A, %get3A_0] : memref<2560x128xf32, #tpu.memory_space<vmem>>, vector<2560x128xf32>
    %slice3A = vector.extract_strided_slice %get3A_1 {offsets = [0, 0], sizes = [2560, 16], strides = [1, 1]} : vector<2560x128xf32> to vector<2560x16xf32>
    %slice3A_2 = vector.extract_strided_slice %get3A_1 {offsets = [0, 64], sizes = [2560, 16], strides = [1, 1]} : vector<2560x128xf32> to vector<2560x16xf32>
    %add3A = arith.addf %slice3A, %slice3A_2 : vector<2560x16xf32>
    %add3A_3 = arith.constant 1.000000e+00 : f32
    %add3A_4 = vector.broadcast %add3A_3 : f32 to vector<2560x16xf32>
    %add3A_5 = arith.addf %add3A, %add3A_4 : vector<2560x16xf32>
    %rsqrt3A = math.rsqrt %add3A_5 : vector<2560x16xf32>
    %swap3A = arith.constant 0 : index
    %swap3A_6 = arith.constant 0 : index
    %swap3A_7 = vector.load %arg3[%swap3A, %swap3A_6] : memref<2560x16xf32, #tpu.memory_space<vmem>>, vector<2560x16xf32>
    tpu.vector_store %arg3[%swap3A, %swap3A_6], %rsqrt3A {strides = array<i32>} : memref<2560x16xf32, #tpu.memory_space<vmem>>, vector<2560x16xf32>,
    %get3A_8 = arith.constant 0 : index
    %get3A_9 = arith.constant 0 : index
    %get3A_10 = vector.load %arg2[%get3A_8, %get3A_9] : memref<2560x64xf32, #tpu.memory_space<vmem>>, vector<2560x64xf32>
    %slice3A_11 = vector.extract_strided_slice %rsqrt3A {offsets = [0, 0], sizes = [2560, 1], strides = [1, 1]} : vector<2560x16xf32> to vector<2560x1xf32>
    %mul3A = vector.broadcast %slice3A_11 : vector<2560x1xf32> to vector<2560x64xf32>
    %mul3A_12 = arith.mulf %get3A_10, %mul3A : vector<2560x64xf32>
    %swap3A_13 = arith.constant 0 : index
    %swap3A_14 = arith.constant 0 : index
    %swap3A_15 = vector.load %arg4[%swap3A_13, %swap3A_14] : memref<2560x128xf32, #tpu.memory_space<vmem>>, vector<2560x64xf32>
    tpu.vector_store %arg4[%swap3A_13, %swap3A_14], %mul3A_12 {strides = array<i32>} : memref<2560x128xf32, #tpu.memory_space<vmem>>, vector<2560x64xf32>,
    return
  }
  func.func @transform_0(%arg0: i32) -> (i32, i32) {
    %c0_i32 = arith.constant 0 : i32
    %c0_i32_0 = arith.constant 0 : i32
    return %arg0, %c0_i32 : i32, i32
  }
  func.func @transform_1(%arg0: i32) -> (i32, i32) {
    %c0_i32 = arith.constant 0 : i32
    %c0_i32_0 = arith.constant 0 : i32
    return %arg0, %c0_i32 : i32, i32
  }
  func.func @transform_2(%arg0: i32) -> (i32, i32) {
    %c0_i32 = arith.constant 0 : i32
    %c0_i32_0 = arith.constant 0 : i32
    return %arg0, %c0_i32 : i32, i32
  }
  func.func @transform_3(%arg0: i32) -> (i32, i32) {
    %c0_i32 = arith.constant 0 : i32
    %c0_i32_0 = arith.constant 0 : i32
    return %arg0, %c0_i32 : i32, i32
  }
}

module attributes {stable_mosaic.version = 14 : i64} {
  func.func @body(%arg0: i32, %arg1: memref<2560x128xf32, #tpu.memory_space<vmem>>, %arg2: memref<128x64xf32, #tpu.memory_space<vmem>>, %arg3: memref<2560x64xf32, #tpu.memory_space<vmem>>) attributes {dimension_semantics = [#tpu.dimension_semantics<arbitrary>], iteration_bounds = array<i64: 4>, scalar_prefetch = 0 : i64, scratch_operands = 0 : i64, tpu.core_type = #tpu.core_type<tc>, window_params = [{transform_indices = @transform_0, window_bounds = array<i64: 2560, 128>}, {pipeline_mode = #tpu.pipeline_mode<synchronous>, transform_indices = @transform_1, window_bounds = array<i64: 128, 64>}, {transform_indices = @transform_2, window_bounds = array<i64: 2560, 64>}]} {
    %get3A = arith.constant 0 : index
    %get3A_0 = arith.constant 0 : index
    %get3A_1 = vector.load %arg1[%get3A, %get3A_0] : memref<2560x128xf32, #tpu.memory_space<vmem>>, vector<2560x128xf32>
    %get3A_2 = arith.constant 0 : index
    %get3A_3 = arith.constant 0 : index
    %get3A_4 = vector.load %arg2[%get3A_2, %get3A_3] : memref<128x64xf32, #tpu.memory_space<vmem>>, vector<128x64xf32>
    %dot_general3A = arith.constant dense<0.000000e+00> : vector<2560x64xf32>
    %dot_general3A_5 = tpu.matmul %get3A_1, %get3A_4, %dot_general3A {dimension_numbers = #tpu.dot_dimension_numbers<[1], [0], [0], [1], [0, 0, 1, 1], [], []>, precision = #tpu.contract_precision<fp32>, transpose_lhs_hint = false} : vector<2560x128xf32>, vector<128x64xf32>, vector<2560x64xf32> -> vector<2560x64xf32>
    %swap3A = arith.constant 0 : index
    %swap3A_6 = arith.constant 0 : index
    %swap3A_7 = vector.load %arg3[%swap3A, %swap3A_6] : memref<2560x64xf32, #tpu.memory_space<vmem>>, vector<2560x64xf32>
    tpu.vector_store %arg3[%swap3A, %swap3A_6], %dot_general3A_5 {strides = array<i32>} : memref<2560x64xf32, #tpu.memory_space<vmem>>, vector<2560x64xf32>,
    return
  }
  func.func @transform_0(%arg0: i32) -> (i32, i32) {
    %c0_i32 = arith.constant 0 : i32
    %c0_i32_0 = arith.constant 0 : i32
    return %arg0, %c0_i32 : i32, i32
  }
  func.func @transform_1(%arg0: i32) -> (i32, i32) {
    %c0_i32 = arith.constant 0 : i32
    %c0_i32_0 = arith.constant 0 : i32
    %c0_i32_1 = arith.constant 0 : i32
    return %c0_i32, %c0_i32_0 : i32, i32
  }
  func.func @transform_2(%arg0: i32) -> (i32, i32) {
    %c0_i32 = arith.constant 0 : i32
    %c0_i32_0 = arith.constant 0 : i32
    return %arg0, %c0_i32 : i32, i32
  }
}

module attributes {stable_mosaic.version = 14 : i64} {
  func.func @body(%arg0: i32, %arg1: memref<2560x128xf32, #tpu.memory_space<vmem>>, %arg2: memref<2560x128xf32, #tpu.memory_space<vmem>>, %arg3: memref<2560x16xf32, #tpu.memory_space<vmem>>, %arg4: memref<1x64xf32, #tpu.memory_space<vmem>>, %arg5: memref<64x64xf32, #tpu.memory_space<vmem>>, %arg6: memref<2560x64xf32, #tpu.memory_space<vmem>>, %arg7: memref<2560x128xf32, #tpu.memory_space<vmem>>) attributes {dimension_semantics = [#tpu.dimension_semantics<arbitrary>], iteration_bounds = array<i64: 4>, scalar_prefetch = 0 : i64, scratch_operands = 0 : i64, tpu.core_type = #tpu.core_type<tc>, window_params = [{transform_indices = @transform_0, window_bounds = array<i64: 2560, 128>}, {transform_indices = @transform_1, window_bounds = array<i64: 2560, 128>}, {transform_indices = @transform_2, window_bounds = array<i64: 2560, 16>}, {pipeline_mode = #tpu.pipeline_mode<synchronous>, transform_indices = @transform_3, window_bounds = array<i64: 1, 64>}, {pipeline_mode = #tpu.pipeline_mode<synchronous>, transform_indices = @transform_4, window_bounds = array<i64: 64, 64>}, {transform_indices = @transform_5, window_bounds = array<i64: 2560, 64>}, {transform_indices = @transform_6, window_bounds = array<i64: 2560, 128>}]} {
    %get3A = arith.constant 0 : index
    %get3A_0 = arith.constant 0 : index
    %get3A_1 = vector.load %arg3[%get3A, %get3A_0] : memref<2560x16xf32, #tpu.memory_space<vmem>>, vector<2560x16xf32>
    %slice3A = vector.extract_strided_slice %get3A_1 {offsets = [0, 0], sizes = [2560, 1], strides = [1, 1]} : vector<2560x16xf32> to vector<2560x1xf32>
    %get3A_2 = arith.constant 0 : index
    %get3A_3 = arith.constant 0 : index
    %get3A_4 = vector.load %arg1[%get3A_2, %get3A_3] : memref<2560x128xf32, #tpu.memory_space<vmem>>, vector<2560x128xf32>
    %get3A_5 = arith.constant 0 : index
    %get3A_6 = arith.constant 0 : index
    %get3A_7 = vector.load %arg2[%get3A_5, %get3A_6] : memref<2560x128xf32, #tpu.memory_space<vmem>>, vector<2560x128xf32>
    %slice3A_8 = vector.extract_strided_slice %get3A_7 {offsets = [0, 0], sizes = [2560, 64], strides = [1, 1]} : vector<2560x128xf32> to vector<2560x64xf32>
    %slice3A_9 = vector.extract_strided_slice %get3A_4 {offsets = [0, 0], sizes = [2560, 64], strides = [1, 1]} : vector<2560x128xf32> to vector<2560x64xf32>
    %slice3A_10 = vector.extract_strided_slice %get3A_4 {offsets = [0, 64], sizes = [2560, 64], strides = [1, 1]} : vector<2560x128xf32> to vector<2560x64xf32>
    %add3A = arith.addf %slice3A_9, %slice3A_10 : vector<2560x64xf32>
    %add3A_11 = arith.addf %add3A, %slice3A_8 : vector<2560x64xf32>
    %mul3A = vector.broadcast %slice3A : vector<2560x1xf32> to vector<2560x64xf32>
    %mul3A_12 = arith.mulf %add3A_11, %mul3A : vector<2560x64xf32>
    %get3A_13 = arith.constant 0 : index
    %get3A_14 = arith.constant 0 : index
    %get3A_15 = vector.load %arg4[%get3A_13, %get3A_14] : memref<1x64xf32, #tpu.memory_space<vmem>>, vector<1x64xf32>
    %add3A_16 = vector.broadcast %get3A_15 : vector<1x64xf32> to vector<2560x64xf32>
    %add3A_17 = arith.addf %mul3A_12, %add3A_16 : vector<2560x64xf32>
    %max3A = arith.constant 0.000000e+00 : f32
    %max3A_18 = vector.broadcast %max3A : f32 to vector<2560x64xf32>
    %max3A_19 = arith.maximumf %add3A_17, %max3A_18 : vector<2560x64xf32>
    %swap3A = arith.constant 0 : index
    %swap3A_20 = arith.constant 0 : index
    %swap3A_21 = vector.load %arg6[%swap3A, %swap3A_20] : memref<2560x64xf32, #tpu.memory_space<vmem>>, vector<2560x64xf32>
    tpu.vector_store %arg6[%swap3A, %swap3A_20], %max3A_19 {strides = array<i32>} : memref<2560x64xf32, #tpu.memory_space<vmem>>, vector<2560x64xf32>,
    %get3A_22 = arith.constant 0 : index
    %get3A_23 = arith.constant 0 : index
    %get3A_24 = vector.load %arg5[%get3A_22, %get3A_23] : memref<64x64xf32, #tpu.memory_space<vmem>>, vector<64x64xf32>
    %dot_general3A = arith.constant dense<0.000000e+00> : vector<2560x64xf32>
    %dot_general3A_25 = tpu.matmul %max3A_19, %get3A_24, %dot_general3A {dimension_numbers = #tpu.dot_dimension_numbers<[1], [0], [0], [1], [0, 0, 1, 1], [], []>, precision = #tpu.contract_precision<fp32>, transpose_lhs_hint = false} : vector<2560x64xf32>, vector<64x64xf32>, vector<2560x64xf32> -> vector<2560x64xf32>
    %mul3A_26 = vector.broadcast %slice3A : vector<2560x1xf32> to vector<2560x64xf32>
    %mul3A_27 = arith.mulf %mul3A_26, %dot_general3A_25 : vector<2560x64xf32>
    %swap3A_28 = arith.constant 0 : index
    %swap3A_29 = arith.constant 0 : index
    %swap3A_30 = vector.load %arg7[%swap3A_28, %swap3A_29] : memref<2560x128xf32, #tpu.memory_space<vmem>>, vector<2560x64xf32>
    tpu.vector_store %arg7[%swap3A_28, %swap3A_29], %mul3A_27 {strides = array<i32>} : memref<2560x128xf32, #tpu.memory_space<vmem>>, vector<2560x64xf32>,
    return
  }
  func.func @transform_0(%arg0: i32) -> (i32, i32) {
    %c0_i32 = arith.constant 0 : i32
    %c0_i32_0 = arith.constant 0 : i32
    return %arg0, %c0_i32 : i32, i32
  }
  func.func @transform_1(%arg0: i32) -> (i32, i32) {
    %c0_i32 = arith.constant 0 : i32
    %c0_i32_0 = arith.constant 0 : i32
    return %arg0, %c0_i32 : i32, i32
  }
  func.func @transform_2(%arg0: i32) -> (i32, i32) {
    %c0_i32 = arith.constant 0 : i32
    %c0_i32_0 = arith.constant 0 : i32
    return %arg0, %c0_i32 : i32, i32
  }
  func.func @transform_3(%arg0: i32) -> (i32, i32) {
    %c0_i32 = arith.constant 0 : i32
    %c0_i32_0 = arith.constant 0 : i32
    %c0_i32_1 = arith.constant 0 : i32
    return %c0_i32, %c0_i32_0 : i32, i32
  }
  func.func @transform_4(%arg0: i32) -> (i32, i32) {
    %c0_i32 = arith.constant 0 : i32
    %c0_i32_0 = arith.constant 0 : i32
    %c0_i32_1 = arith.constant 0 : i32
    return %c0_i32, %c0_i32_0 : i32, i32
  }
  func.func @transform_5(%arg0: i32) -> (i32, i32) {
    %c0_i32 = arith.constant 0 : i32
    %c0_i32_0 = arith.constant 0 : i32
    return %arg0, %c0_i32 : i32, i32
  }
  func.func @transform_6(%arg0: i32) -> (i32, i32) {
    %c0_i32 = arith.constant 0 : i32
    %c0_i32_0 = arith.constant 0 : i32
    return %arg0, %c0_i32 : i32, i32
  }
}

module attributes {stable_mosaic.version = 14 : i64} {
  func.func @body(%arg0: i32, %arg1: memref<2560x128xf32, #tpu.memory_space<vmem>>, %arg2: memref<2560x128xf32, #tpu.memory_space<vmem>>, %arg3: memref<2560x16xf32, #tpu.memory_space<vmem>>, %arg4: memref<1x64xf32, #tpu.memory_space<vmem>>, %arg5: memref<2560x64xf32, #tpu.memory_space<vmem>>, %arg6: memref<2560x64xf32, #tpu.memory_space<vmem>>, %arg7: memref<2560x1xi32, #tpu.memory_space<vmem>>, %arg8: memref<64x10xf32, #tpu.memory_space<vmem>>, %arg9: memref<1x10xf32, #tpu.memory_space<vmem>>, %arg10: memref<64x10xf32, #tpu.memory_space<vmem>>, %arg11: memref<64x64xf32, #tpu.memory_space<vmem>>, %arg12: memref<1x64xf32, #tpu.memory_space<vmem>>) attributes {dimension_semantics = [#tpu.dimension_semantics<arbitrary>], iteration_bounds = array<i64: 4>, scalar_prefetch = 0 : i64, scratch_operands = 2 : i64, tpu.core_type = #tpu.core_type<tc>, window_params = [{transform_indices = @transform_0, window_bounds = array<i64: 2560, 128>}, {transform_indices = @transform_1, window_bounds = array<i64: 2560, 128>}, {transform_indices = @transform_2, window_bounds = array<i64: 2560, 16>}, {pipeline_mode = #tpu.pipeline_mode<synchronous>, transform_indices = @transform_3, window_bounds = array<i64: 1, 64>}, {transform_indices = @transform_4, window_bounds = array<i64: 2560, 64>}, {transform_indices = @transform_5, window_bounds = array<i64: 2560, 64>}, {transform_indices = @transform_6, window_bounds = array<i64: 2560, 1>}, {pipeline_mode = #tpu.pipeline_mode<synchronous>, transform_indices = @transform_7, window_bounds = array<i64: 64, 10>}, {pipeline_mode = #tpu.pipeline_mode<synchronous>, transform_indices = @transform_8, window_bounds = array<i64: 1, 10>}, {pipeline_mode = #tpu.pipeline_mode<synchronous>, transform_indices = @transform_9, window_bounds = array<i64: 64, 10>}]} {
    %get3A = arith.constant 0 : index
    %get3A_0 = arith.constant 0 : index
    %get3A_1 = vector.load %arg3[%get3A, %get3A_0] : memref<2560x16xf32, #tpu.memory_space<vmem>>, vector<2560x16xf32>
    %slice3A = vector.extract_strided_slice %get3A_1 {offsets = [0, 0], sizes = [2560, 1], strides = [1, 1]} : vector<2560x16xf32> to vector<2560x1xf32>
    %get3A_2 = arith.constant 0 : index
    %get3A_3 = arith.constant 0 : index
    %get3A_4 = vector.load %arg1[%get3A_2, %get3A_3] : memref<2560x128xf32, #tpu.memory_space<vmem>>, vector<2560x128xf32>
    %get3A_5 = arith.constant 0 : index
    %get3A_6 = arith.constant 0 : index
    %get3A_7 = vector.load %arg2[%get3A_5, %get3A_6] : memref<2560x128xf32, #tpu.memory_space<vmem>>, vector<2560x128xf32>
    %slice3A_8 = vector.extract_strided_slice %get3A_7 {offsets = [0, 0], sizes = [2560, 64], strides = [1, 1]} : vector<2560x128xf32> to vector<2560x64xf32>
    %slice3A_9 = vector.extract_strided_slice %get3A_4 {offsets = [0, 0], sizes = [2560, 64], strides = [1, 1]} : vector<2560x128xf32> to vector<2560x64xf32>
    %slice3A_10 = vector.extract_strided_slice %get3A_4 {offsets = [0, 64], sizes = [2560, 64], strides = [1, 1]} : vector<2560x128xf32> to vector<2560x64xf32>
    %add3A = arith.addf %slice3A_9, %slice3A_10 : vector<2560x64xf32>
    %add3A_11 = arith.addf %add3A, %slice3A_8 : vector<2560x64xf32>
    %mul3A = vector.broadcast %slice3A : vector<2560x1xf32> to vector<2560x64xf32>
    %mul3A_12 = arith.mulf %add3A_11, %mul3A : vector<2560x64xf32>
    %get3A_13 = arith.constant 0 : index
    %get3A_14 = arith.constant 0 : index
    %get3A_15 = vector.load %arg4[%get3A_13, %get3A_14] : memref<1x64xf32, #tpu.memory_space<vmem>>, vector<1x64xf32>
    %add3A_16 = vector.broadcast %get3A_15 : vector<1x64xf32> to vector<2560x64xf32>
    %add3A_17 = arith.addf %mul3A_12, %add3A_16 : vector<2560x64xf32>
    %max3A = arith.constant 0.000000e+00 : f32
    %max3A_18 = vector.broadcast %max3A : f32 to vector<2560x64xf32>
    %max3A_19 = arith.maximumf %add3A_17, %max3A_18 : vector<2560x64xf32>
    %get3A_20 = arith.constant 0 : index
    %get3A_21 = arith.constant 0 : index
    %get3A_22 = vector.load %arg5[%get3A_20, %get3A_21] : memref<2560x64xf32, #tpu.memory_space<vmem>>, vector<2560x64xf32>
    %get3A_23 = arith.constant 0 : index
    %get3A_24 = arith.constant 0 : index
    %get3A_25 = vector.load %arg6[%get3A_23, %get3A_24] : memref<2560x64xf32, #tpu.memory_space<vmem>>, vector<2560x64xf32>
    %add3A_26 = arith.addf %get3A_22, %get3A_25 : vector<2560x64xf32>
    %add3A_27 = arith.addf %add3A_26, %max3A_19 : vector<2560x64xf32>
    %mul3A_28 = arith.constant 0.333333343 : f32
    %mul3A_29 = vector.broadcast %mul3A_28 : f32 to vector<2560x64xf32>
    %mul3A_30 = arith.mulf %add3A_27, %mul3A_29 : vector<2560x64xf32>
    %iota3A = tpu.iota {dimensions = array<i32: 1>} : vector<2560x64xi32>
    %get3A_31 = arith.constant 0 : index
    %get3A_32 = arith.constant 0 : index
    %get3A_33 = vector.load %arg7[%get3A_31, %get3A_32] : memref<2560x1xi32, #tpu.memory_space<vmem>>, vector<2560x1xi32>
    %eq3A = vector.broadcast %get3A_33 : vector<2560x1xi32> to vector<2560x64xi32>
    %eq3A_34 = arith.cmpi eq, %eq3A, %iota3A : vector<2560x64xi32>
    %convert_element_type3A = arith.extui %eq3A_34 : vector<2560x64xi1> to vector<2560x64xi32>
    %convert_element_type3A_35 = arith.sitofp %convert_element_type3A : vector<2560x64xi32> to vector<2560x64xf32>
    %dot_general3A = arith.constant dense<0.000000e+00> : vector<64x64xf32>
    %dot_general3A_36 = tpu.matmul %convert_element_type3A_35, %mul3A_30, %dot_general3A {dimension_numbers = #tpu.dot_dimension_numbers<[0], [0], [1], [1], [0, 1, 1, 1], [], []>, precision = #tpu.contract_precision<fp32>, transpose_lhs_hint = false} : vector<2560x64xf32>, vector<2560x64xf32>, vector<64x64xf32> -> vector<64x64xf32>
    %reduce_sum3A = arith.constant dense<0.000000e+00> : vector<64xf32>
    %reduce_sum3A_37 = vector.multi_reduction <add>, %convert_element_type3A_35, %reduce_sum3A [0] : vector<2560x64xf32> to vector<64xf32>
    %broadcast_in_dim3A = vector.shape_cast %reduce_sum3A_37 : vector<64xf32> to vector<1x64xf32>
    %eq3A_38 = arith.constant 0 : i32
    %eq3A_39 = arith.cmpi eq, %arg0, %eq3A_38 : i32
    %convert_element_type3A_40 = arith.extui %eq3A_39 : i1 to i32
    %cond3A = arith.constant 0 : i32
    %cond3A_41 = arith.cmpi ne, %convert_element_type3A_40, %cond3A : i32
    scf.if %cond3A_41 {
      %swap3A = arith.constant 0 : index
      %swap3A_51 = arith.constant 0 : index
      %swap3A_52 = vector.load %arg11[%swap3A, %swap3A_51] : memref<64x64xf32, #tpu.memory_space<vmem>>, vector<64x64xf32>
      tpu.vector_store %arg11[%swap3A, %swap3A_51], %dot_general3A_36 {strides = array<i32>} : memref<64x64xf32, #tpu.memory_space<vmem>>, vector<64x64xf32>,
      %swap3A_53 = arith.constant 0 : index
      %swap3A_54 = arith.constant 0 : index
      %swap3A_55 = vector.load %arg12[%swap3A_53, %swap3A_54] : memref<1x64xf32, #tpu.memory_space<vmem>>, vector<1x64xf32>
      tpu.vector_store %arg12[%swap3A_53, %swap3A_54], %broadcast_in_dim3A {strides = array<i32>} : memref<1x64xf32, #tpu.memory_space<vmem>>, vector<1x64xf32>,
    } else {
    }
    %gt3A = arith.constant 0 : i32
    %gt3A_42 = arith.cmpi sgt, %arg0, %gt3A : i32
    %convert_element_type3A_43 = arith.extui %gt3A_42 : i1 to i32
    %cond3A_44 = arith.constant 0 : i32
    %cond3A_45 = arith.cmpi ne, %convert_element_type3A_43, %cond3A_44 : i32
    scf.if %cond3A_45 {
      %get3A_51 = arith.constant 0 : index
      %get3A_52 = arith.constant 0 : index
      %get3A_53 = vector.load %arg11[%get3A_51, %get3A_52] : memref<64x64xf32, #tpu.memory_space<vmem>>, vector<64x64xf32>
      %add3A_54 = arith.addf %get3A_53, %dot_general3A_36 : vector<64x64xf32>
      %swap3A = arith.constant 0 : index
      %swap3A_55 = arith.constant 0 : index
      %swap3A_56 = vector.load %arg11[%swap3A, %swap3A_55] : memref<64x64xf32, #tpu.memory_space<vmem>>, vector<64x64xf32>
      tpu.vector_store %arg11[%swap3A, %swap3A_55], %add3A_54 {strides = array<i32>} : memref<64x64xf32, #tpu.memory_space<vmem>>, vector<64x64xf32>,
      %get3A_57 = arith.constant 0 : index
      %get3A_58 = arith.constant 0 : index
      %get3A_59 = vector.load %arg12[%get3A_57, %get3A_58] : memref<1x64xf32, #tpu.memory_space<vmem>>, vector<1x64xf32>
      %add3A_60 = arith.addf %get3A_59, %broadcast_in_dim3A : vector<1x64xf32>
      %swap3A_61 = arith.constant 0 : index
      %swap3A_62 = arith.constant 0 : index
      %swap3A_63 = vector.load %arg12[%swap3A_61, %swap3A_62] : memref<1x64xf32, #tpu.memory_space<vmem>>, vector<1x64xf32>
      tpu.vector_store %arg12[%swap3A_61, %swap3A_62], %add3A_60 {strides = array<i32>} : memref<1x64xf32, #tpu.memory_space<vmem>>, vector<1x64xf32>,
    } else {
    }
    %eq3A_46 = arith.constant 3 : i32
    %eq3A_47 = arith.cmpi eq, %arg0, %eq3A_46 : i32
    %convert_element_type3A_48 = arith.extui %eq3A_47 : i1 to i32
    %cond3A_49 = arith.constant 0 : i32
    %cond3A_50 = arith.cmpi ne, %convert_element_type3A_48, %cond3A_49 : i32
    scf.if %cond3A_50 {
      %get3A_51 = arith.constant 0 : index
      %get3A_52 = arith.constant 0 : index
      %get3A_53 = vector.load %arg11[%get3A_51, %get3A_52] : memref<64x64xf32, #tpu.memory_space<vmem>>, vector<64x64xf32>
      %get3A_54 = arith.constant 0 : index
      %get3A_55 = arith.constant 0 : index
      %get3A_56 = vector.load %arg12[%get3A_54, %get3A_55] : memref<1x64xf32, #tpu.memory_space<vmem>>, vector<1x64xf32>
      %max3A_57 = arith.constant 1.000000e+00 : f32
      %max3A_58 = vector.broadcast %max3A_57 : f32 to vector<1x64xf32>
      %max3A_59 = arith.maximumf %get3A_56, %max3A_58 : vector<1x64xf32>
      %reshape3A = vector.shape_cast %max3A_59 : vector<1x64xf32> to vector<64x1xf32>
      %div3A = vector.broadcast %reshape3A : vector<64x1xf32> to vector<64x64xf32>
      %div3A_60 = arith.divf %get3A_53, %div3A : vector<64x64xf32>
      %get3A_61 = arith.constant 0 : index
      %get3A_62 = arith.constant 0 : index
      %get3A_63 = vector.load %arg8[%get3A_61, %get3A_62] : memref<64x10xf32, #tpu.memory_space<vmem>>, vector<64x10xf32>
      %dot_general3A_64 = arith.constant dense<0.000000e+00> : vector<64x10xf32>
      %dot_general3A_65 = tpu.matmul %div3A_60, %get3A_63, %dot_general3A_64 {dimension_numbers = #tpu.dot_dimension_numbers<[1], [0], [0], [1], [0, 0, 1, 1], [], []>, precision = #tpu.contract_precision<fp32>, transpose_lhs_hint = false} : vector<64x64xf32>, vector<64x10xf32>, vector<64x10xf32> -> vector<64x10xf32>
      %get3A_66 = arith.constant 0 : index
      %get3A_67 = arith.constant 0 : index
      %get3A_68 = vector.load %arg9[%get3A_66, %get3A_67] : memref<1x10xf32, #tpu.memory_space<vmem>>, vector<1x10xf32>
      %add3A_69 = vector.broadcast %get3A_68 : vector<1x10xf32> to vector<64x10xf32>
      %add3A_70 = arith.addf %dot_general3A_65, %add3A_69 : vector<64x10xf32>
      %reduce_max3A = arith.constant dense<0xFF800000> : vector<64xf32>
      %reduce_max3A_71 = vector.multi_reduction <maximumf>, %add3A_70, %reduce_max3A [1] : vector<64x10xf32> to vector<64xf32>
      %broadcast_in_dim3A_72 = vector.shape_cast %reduce_max3A_71 : vector<64xf32> to vector<64x1xf32>
      %sub3A = vector.broadcast %broadcast_in_dim3A_72 : vector<64x1xf32> to vector<64x10xf32>
      %sub3A_73 = arith.subf %add3A_70, %sub3A : vector<64x10xf32>
      %exp3A = math.exp %sub3A_73 : vector<64x10xf32>
      %reduce_sum3A_74 = arith.constant dense<0.000000e+00> : vector<64xf32>
      %reduce_sum3A_75 = vector.multi_reduction <add>, %exp3A, %reduce_sum3A_74 [1] : vector<64x10xf32> to vector<64xf32>
      %broadcast_in_dim3A_76 = vector.shape_cast %reduce_sum3A_75 : vector<64xf32> to vector<64x1xf32>
      %div3A_77 = vector.broadcast %broadcast_in_dim3A_76 : vector<64x1xf32> to vector<64x10xf32>
      %div3A_78 = arith.divf %exp3A, %div3A_77 : vector<64x10xf32>
      %swap3A = arith.constant 0 : index
      %swap3A_79 = arith.constant 0 : index
      %swap3A_80 = vector.load %arg10[%swap3A, %swap3A_79] : memref<64x10xf32, #tpu.memory_space<vmem>>, vector<64x10xf32>
      tpu.vector_store %arg10[%swap3A, %swap3A_79], %div3A_78 {strides = array<i32>} : memref<64x10xf32, #tpu.memory_space<vmem>>, vector<64x10xf32>,
    } else {
    }
    return
  }
  func.func @transform_0(%arg0: i32) -> (i32, i32) {
    %c0_i32 = arith.constant 0 : i32
    %c0_i32_0 = arith.constant 0 : i32
    return %arg0, %c0_i32 : i32, i32
  }
  func.func @transform_1(%arg0: i32) -> (i32, i32) {
    %c0_i32 = arith.constant 0 : i32
    %c0_i32_0 = arith.constant 0 : i32
    return %arg0, %c0_i32 : i32, i32
  }
  func.func @transform_2(%arg0: i32) -> (i32, i32) {
    %c0_i32 = arith.constant 0 : i32
    %c0_i32_0 = arith.constant 0 : i32
    return %arg0, %c0_i32 : i32, i32
  }
  func.func @transform_3(%arg0: i32) -> (i32, i32) {
    %c0_i32 = arith.constant 0 : i32
    %c0_i32_0 = arith.constant 0 : i32
    %c0_i32_1 = arith.constant 0 : i32
    return %c0_i32, %c0_i32_0 : i32, i32
  }
  func.func @transform_4(%arg0: i32) -> (i32, i32) {
    %c0_i32 = arith.constant 0 : i32
    %c0_i32_0 = arith.constant 0 : i32
    return %arg0, %c0_i32 : i32, i32
  }
  func.func @transform_5(%arg0: i32) -> (i32, i32) {
    %c0_i32 = arith.constant 0 : i32
    %c0_i32_0 = arith.constant 0 : i32
    return %arg0, %c0_i32 : i32, i32
  }
  func.func @transform_6(%arg0: i32) -> (i32, i32) {
    %c0_i32 = arith.constant 0 : i32
    %c0_i32_0 = arith.constant 0 : i32
    return %arg0, %c0_i32 : i32, i32
  }
  func.func @transform_7(%arg0: i32) -> (i32, i32) {
    %c0_i32 = arith.constant 0 : i32
    %c0_i32_0 = arith.constant 0 : i32
    %c0_i32_1 = arith.constant 0 : i32
    return %c0_i32, %c0_i32_0 : i32, i32
  }
  func.func @transform_8(%arg0: i32) -> (i32, i32) {
    %c0_i32 = arith.constant 0 : i32
    %c0_i32_0 = arith.constant 0 : i32
    %c0_i32_1 = arith.constant 0 : i32
    return %c0_i32, %c0_i32_0 : i32, i32
  }
  func.func @transform_9(%arg0: i32) -> (i32, i32) {
    %c0_i32 = arith.constant 0 : i32
    %c0_i32_0 = arith.constant 0 : i32
    %c0_i32_1 = arith.constant 0 : i32
    return %c0_i32, %c0_i32_0 : i32, i32
  }
}

</mosaic_0001>

<sc_bundles>
// kernel: kernel.11.cloned.1.call-start
scs
__scs_entry_jumppad:
0x0: {  	(pc) =	sbr.rel $0x88, $3  }
0x1: {  	(tag) =	ssettag $0x0;
	lr =	simm.s32 $0x1  }
0x2: {  	[smem:$0x3F96] =	sst lr;
	_ =	strace $0xD0000000  }
0x3: {  	_ = 	snop  }
0x4: {  	_ = 	snop  }
0x5: {  	_ = 	snop  }
0x6: {  	_ = 	snop  }
0x7: {  	_ = 	snop  }
__scs_overlays_trampoline_lowered:
0x8: {  	[smem:$0x3FA5] =	sst s0  }
0x9: {  	[smem:$0x3FA6] =	sst s1  }
0xa: {  	[smem:$0x3FA7] =	sst s2  }
0xb: {  	[smem:$0x3FA8] =	sst s3  }
0xc: {  	[smem:$0x3FA9] =	sst s4  }
0xd: {  	[smem:$0x3FAA] =	sst s5  }
0xe: {  	[smem:$0x3FAB] =	sst s6  }
0xf: {  	[smem:$0x3FAC] =	sst s7  }
0x10: {  	[smem:$0x3FAD] =	sst s8  }
0x11: {  	[smem:$0x3FAE] =	sst s9;
	s0 =	simm.s32 @!p0 $0x0  }
0x12: {  	s1 =	sld [smem:$0x3F94];
	s0 =	simm.s32 @p0 $0x1  }
0x13: {  	[smem:$0x3FAF] =	sst s0;
	s0 =	simm.s32 @!p1 $0x0  }
0x14: {  	s2 =	sld [smem:$0x3F93];
	s0 =	simm.s32 @p1 $0x1  }
0x15: {  	[smem:$0x3FB0] =	sst s0;
	s0 =	simm.s32 @!p2 $0x0  }
0x16: {  	s3 =	sld [smem:$0x3FDB];
	s0 =	simm.s32 @p2 $0x1  }
0x17: {  	s4 =	simm.s32 $0x1BF5;
	[smem:$0x3FB2] =	sst s0  }
0x18: {  	s0 =	sld [smem:$0x3F95];
	_ =	swait.ge [sflag:s4], $0x0  }
0x19: {  	s7 =	sld [smem:$0x3F96]  }
0x1a: {  	s8 =	sadd.s32 $0xFFFFE003, lr  }
0x1b: {  	s9 =	sadd.s32 $0xFFFFFEF7, lr;
	s5 =	simm.s32 $0xFFFFFFFF;
	p2 =	slt.u32 s8, $0xFFFFF086  }
0x1c: {  	p1 =	slt.u32 s9, $0xF7A;
	s5 =	simm.s32 @!p2 $0x0  }
0x1d: {  	s5 =	simm.s32 @p1 $0x1;
	p0 =	seq.s32 s7, s2  }
0x1e: {  	s7 =	smul.u32 @!p0 $0xF7A, s2;
	p2 =	seq.s32 @!p0 s5, $0x0  }
0x1f: {  	s9 =	smul.u32 $0xF7A, s1;
	s8 =	simm.s32 @!p0 $0x1BF5;
	p2 =	por !p2, p0  }
0x20: {  	[sflag:s8] =	ssyncset.s32 @!p0 $0xFFFFF086;
	s6 =	sadd.s32 @!p0 s3, s7;
	s7 =	simm.s32 @!p0 $0x108  }
0x21: {  	s3 =	sadd.s32 s3, s9;
	s6 =	sadd.s32 @!p0 $0x88, s6;
	s7 =	simm.s32 @p2 $0x1082  }
0x22: {  	[simem:s7], [sflag:s8] =	dma.local @!p0 [hbm:s6], $0xF7A  }
0x23: {  	s9 =	sor.u32 $0xD0000000, s2;
	s6 =	simm.s32 $0x108;
	_ =	swait.ge @!p0 [sflag:s8], $0x0  }
0x24: {  	s3 =	sadd.s32 $0x88, s3;
	s6 =	simm.s32 @!p1 $0x1082;
	[sflag:s4] =	ssyncset.s32 $0xFFFFF086  }
0x25: {  	[simem:s6], [sflag:s4] =	dma.local [hbm:s3], $0xF7A  }
0x26: {  	[smem:$0x3F96] =	sst s1;
	(tag) =	ssettag s2;
	_ =	strace s9  }
0x27: {  	s1 =	sld [smem:$0x3FA6]  }
0x28: {  	s2 =	sld [smem:$0x3FA7]  }
0x29: {  	s4 =	sld [smem:$0x3FA9]  }
0x2a: {  	p0 =	seq.s32 s5, $0x0;
	s5 =	sld [smem:$0x3FAA]  }
0x2b: {  	s6 =	sld [smem:$0x3FAB]  }
0x2c: {  	s7 =	sld [smem:$0x3FAC]  }
0x2d: {  	s3 =	simm.s32 $0x108;
	s8 =	sld [smem:$0x3FAD]  }
0x2e: {  	s3 =	simm.s32 @!p0 $0x1082;
	s9 =	sld [smem:$0x3FAE]  }
0x2f: {  	lr =	sadd.s32 s0, s3;
	s0 =	sld [smem:$0x3FA5]  }
0x30: {  	s3 =	sld [smem:$0x3FA8]  }
0x31: {  	[smem:$0x3FB1] =	sst s10  }
0x32: {  	s10 =	sld [smem:$0x3FAF];
	_ =	sdelay $0x3  }
0x33: {  	p0 =	seq.s32 s10, $0x1;
	s10 =	sld [smem:$0x3FB1];
	_ =	sdelay $0x3  }
0x34: {  	[smem:$0x3FB1] =	sst s10  }
0x35: {  	s10 =	sld [smem:$0x3FB0];
	_ =	sdelay $0x3  }
0x36: {  	p1 =	seq.s32 s10, $0x1;
	s10 =	sld [smem:$0x3FB1];
	_ =	sdelay $0x3  }
0x37: {  	[smem:$0x3FB1] =	sst s10  }
0x38: {  	s10 =	sld [smem:$0x3FB2]  }
0x39: {  	_ = 	snop;
	(pc) =	sbr.ind lr, $3  }
0x3a: {  	_ = 	snop  }
0x3b: {  	_ = 	snop  }
0x3c: {  	p2 =	seq.s32 s10, $0x1;
	s10 =	sld [smem:$0x3FB1]  }
0x3d: {  	_ =	shalt  }
0x3e: {  	_ =	shalt  }
0x3f: {  	_ =	shalt  }
0x40: {  	_ =	shalt  }
0x41: {  	_ =	shalt  }
0x42: {  	_ =	shalt  }
0x43: {  	_ =	shalt  }
0x44: {  	_ =	shalt  }
0x45: {  	_ =	shalt  }
0x46: {  	_ =	shalt  }
0x47: {  	_ =	shalt  }
0x48: {  	_ =	shalt  }
0x49: {  	_ =	shalt  }
0x4a: {  	_ =	shalt  }
0x4b: {  	_ =	shalt  }
0x4c: {  	_ =	shalt  }
0x4d: {  	_ =	shalt  }
0x4e: {  	_ =	shalt  }
0x4f: {  	_ =	shalt  }
0x50: {  	_ =	shalt  }
0x51: {  	_ =	shalt  }
0x52: {  	_ =	shalt  }
0x53: {  	_ =	shalt  }
0x54: {  	_ =	shalt  }
0x55: {  	_ =	shalt  }
0x56: {  	_ =	shalt  }
0x57: {  	_ =	shalt  }
0x58: {  	_ =	shalt  }
0x59: {  	_ =	shalt  }
0x5a: {  	_ =	shalt  }
0x5b: {  	_ =	shalt  }
0x5c: {  	_ =	shalt  }
0x5d: {  	_ =	shalt  }
0x5e: {  	_ =	shalt  }
0x5f: {  	_ =	shalt  }
0x60: {  	_ =	shalt  }
0x61: {  	_ =	shalt  }
0x62: {  	_ =	shalt  }
0x63: {  	_ =	shalt  }
0x64: {  	_ =	shalt  }
0x65: {  	_ =	shalt  }
0x66: {  	_ =	shalt  }
0x67: {  	_ =	shalt  }
0x68: {  	_ =	shalt  }
0x69: {  	_ =	shalt  }
0x6a: {  	_ =	shalt  }
0x6b: {  	_ =	shalt  }
0x6c: {  	_ =	shalt  }
0x6d: {  	_ =	shalt  }
0x6e: {  	_ =	shalt  }
0x6f: {  	_ =	shalt  }
0x70: {  	_ =	shalt  }
0x71: {  	_ =	shalt  }
0x72: {  	_ =	shalt  }
0x73: {  	_ =	shalt  }
0x74: {  	_ =	shalt  }
0x75: {  	_ =	shalt  }
0x76: {  	_ =	shalt  }
0x77: {  	_ =	shalt  }
0x78: {  	_ =	shalt  }
0x79: {  	_ =	shalt  }
0x7a: {  	_ =	shalt  }
0x7b: {  	_ =	shalt  }
0x7c: {  	_ =	shalt  }
0x7d: {  	_ =	shalt  }
0x7e: {  	_ =	shalt  }
0x7f: {  	_ =	shalt  }
0x80: {  	_ =	shalt  }
0x81: {  	_ =	shalt  }
0x82: {  	_ =	shalt  }
0x83: {  	_ =	shalt  }
0x84: {  	_ =	shalt  }
0x85: {  	_ =	shalt  }
0x86: {  	_ =	shalt  }
0x87: {  	_ =	shalt  }
.Lfunc_end0:
.L_simem_size_0:
called_computation_lowered:
.L_overlay_start_0:
0x88: {  	s2 =	sld [smem:$0x3FD9]  }
0x89: {  	s3 =	sld [smem:$0x3FFE];
	_ =	sdelay $0x1  }
0x8a: {  	s1 =	srdreg.scid  }
0x8b: {  	s0 =	sand.u32 $0x1, s1  }
0x8c: {  	s17 =	sshll.u32 s0, $0xA;
	s2 =	sadd.s32 s3, s2  }
0x8d: {  	s2 =	sadd.s32 s2, s17  }
0x8e: {  	[smem:$0x3FBD] =	sst s2  }
0x8f: {  	_ = 	snop  }
0x90: {  	s2 =	sld [smem:$0x3FC8];
	(tm) =	ssettm $0x1  }
0x91: {  	s18 =	sld [smem:$0x3FFB];
	_ =	sdelay $0x3  }
0x92: {  	_ =	strace s18  }
0x93: {  	s3 =	sld [smem:$0x3FFC];
	_ =	sdelay $0x3  }
0x94: {  	_ =	strace s3  }
0x95: {  	s3 =	sld [smem:$0x3FFD];
	_ =	sdelay $0x3  }
0x96: {  	_ =	strace s3  }
0x97: {  	_ =	strace $0x8FFFFFFF  }
0x98: {  	s19 =	sld [smem:$0x3FDB];
	_ =	sdelay $0x1  }
0x99: {  	s4 =	simm.s32 $_scs_section_size  }
0x9a: {  	s5 =	simm.s32 $_size__tile_overlayer_lowered;
	s6 =	simm.s32 $_tile_overlayer_lowered  }
0x9b: {  	s22 =	simm.s32 $0x1BFF;
	s21 =	sshll.u32 s6, $0x1;
	s3 =	sadd.s32 s4, s19  }
0x9c: {  	s7 =	simm.s32 $0x0;
	s20 =	sshll.u32 s5, $0x1;
	s5 =	sadd.s32 s21, s3  }
0x9d: {  	[timem:s7], [sflag:s22] =	dma.local [hbm:s5], s20  }
0x9e: {  	_ =	swait.ge [sflag:s22], s20  }
0x9f: {  	s4 =	ssub.s32 $0x0, s20;
	[sflag:s22] =	ssyncset.done $0x0  }
0xa0: {  	[sflag:s22] =	ssyncadd.s32 s4;
	_ =	sdelay $0x1  }
0xa1: {  	s23 =	simm.s32 $0x1B8B  }
0xa2: {  	_ =	swait.ge [sflag:s23], $0x1  }
0xa3: {  	[sflag:s23] =	ssyncset.done $0x0  }
0xa4: {  	s25 =	simm.s32 $0x1B8E;
	s24 =	sld [smem:$0x3FFE];
	[sflag:s23] =	ssyncadd.s32 $0xFFFFFFFF  }
0xa5: {  	s26 =	simm.s32 $execute0_lowered;
	[smem:$0x3FD2] =	sst s25  }
0xa6: {  	s5 =	sshll.u32 s26, $0x1;
	_ =	strace $0x80000046;
	[dreg:$0x1] =	wrdreg $0xFFFFFFFF  }
0xa7: {  	s28 =	simm.s32 $_size_execute0_lowered;
	s3 =	sadd.s32 s3, s5;
	[dreg:$0x0] =	wrdreg $0x0  }
0xa8: {  	s5 =	sshll.u32 s28, $0x1;
	[dreg:$0x2] =	wrdreg s3  }
0xa9: {  	[dreg:$0x3] =	wrdreg s5  }
0xaa: {  	[dreg:$0x4] =	wrdreg $0xC0  }
0xab: {  	_ =	task [dreg:s7], $0x5FFFF  }
0xac: {  	[dreg:$0x1] =	wrdreg $0xFFFFFFFF  }
0xad: {  	[dreg:$0x0] =	wrdreg $0x60  }
0xae: {  	[dreg:$0x2] =	wrdreg s2  }
0xaf: {  	[dreg:$0x3] =	wrdreg s24  }
0xb0: {  	[dreg:$0x4] =	wrdreg $0x57000  }
0xb1: {  	[dreg:$0x5] =	wrdreg $0x9  }
0xb2: {  	_ =	task.clear_ibuf [dreg:s7], $0x6FFFF;
	_ =	strace $0x90000046  }
0xb3: {  	s29 =	simm.s32 $0x9;
	_ =	strace $0x80000048  }
0xb4: {  	_ =	swait.ge [sflag:s29], $0x1  }
0xb5: {  	[sflag:s29] =	ssyncadd.s32 $0xFFFFFFFF  }
0xb6: {  	_ =	strace $0x90000048  }
0xb7: {  	_ =	sfence  }
0xb8: {  	s30 =	sld [smem:$0x0];
	_ =	sdelay $0x2  }
0xb9: {  	s31 =	sshll.u32 s1, $0xD;
	s1 =	sshrl.u32 s1, $0x2  }
0xba: {  	s3 =	sand.u32 $0x4000, s31;
	s1 =	sadd.s32 s1, s30  }
0xbb: {  	s0 =	sor.u32 s3, s0;
	s1 =	sshll.u32 s1, $0x11  }
0xbc: {  	s0 =	sor.u32 s1, s0  }
0xbd: {  	s0 =	sadd.s32 $0x8F2B, s0  }
0xbe: {  	[sflag:s0] =	ssyncadd.remote.s32 $0x1  }
0xbf: {  	_ =	sfence.sel $0xFFFF  }
0xc0: {  	[dreg:$0x0] =	wrdreg $0xFFFFFFFF;
	(pc) =	sbr.abs _section_cstart, $3  }
0xc1: {  	[dreg:$0x1] =	wrdreg $0xFFFFFFFF  }
0xc2: {  	_ =	task.clear_ibuf [dreg:s7], $0x2FFFF;
	_ =	strace $0x9FFFFFFF  }
0xc3: {  	(tm) =	ssettm $0x7FFFFFFF  }
tec
execute0_lowered:
.L_overlay_start_1:
0x0: {  	(tag) =	ssettag $0x1  }
0x1: {  	s6 =	rddreg [dreg:$0x0]  }
0x2: {  	s4 =	rddreg [dreg:$0x1];
	s1 =	srdreg.scid  }
0x3: {  	s0 =	stileid.u32;
	s2 =	rddreg [dreg:$0x2];
	s3 =	simm.s32 $0x0  }
0x4: {  	s13 =	simm.s32 $0x4F00;
	s14 =	simm.s32 $0x1;
	s15 =	simm.s32 $0x2  }
0x5: {  	s16 =	simm.s32 $0x80;
	s17 =	simm.s32 $0x3;
	s20 =	simm.s32 $0x10  }
0x6: {  	s21 =	simm.s32 $0x0;
	s5 =	sand.u32 $0x1, s1;
	s1 =	rddreg [dreg:$0x3]  }
0x7: {  	s7 =	smul.u32 $0x14000, s0;
	[smem:$0x7FF] =	sst s3;
	s29 =	sshll.u32 s0, $0x1  }
0x8: {  	s30 =	smul.u32 $0xA000, s0;
	p0 =	sgt.u32 s0, $0x1;
	s18 =	sshll.u32 s0, $0x6  }
0x9: {  	s8 =	sshll.u32 s5, $0x6;
	_ =	strace $0x80000047;
	s9 =	ssub.s32 $0x2, s5  }
0xa: {  	s5 =	sor.u32 s5, s29;
	s18 =	sor.u32 $0x1C03, s18;
	s7 =	sor.u32 s8, s7  }
0xb: {  	s31 =	sshrl.u32 s9, $0x1;
	s10 =	smul.u32 $0x9C0, s5;
	s8 =	sshrl.u32 s30, $0x2  }
0xc: {  	s11 =	sshll.u32 s5, $0x5;
	s7 =	sshrl.u32 s7, $0x3;
	s9 =	ssub.s32 s9, s31  }
0xd: {  	s5 =	sadd.s32 s8, s2;
	s7 =	sadd.s32 s7, s4;
	s4 =	sadd.s32 s6, s10  }
0xe: {  	s6 =	sadd.s32 s11, s6;
	s8 =	smax.u32 s9, $0x1;
	s9 =	sadd.s32 $0x800, s5  }
0xf: {  	s10 =	sadd.s32 $0x1000, s5;
	s11 =	sadd.s32 $0x1800, s5;
	s12 =	sadd.s32 $0x2000, s5  }
0x10: {  	v0 =	vimm.f32 $0.0e+00;
	v1 =	vimm.f32 $1.000000000e+00;
	s19 =	sshrl.u32 s5, $0x3;
	s6 =	sadd.s32 $0x13800, s6;
	s7 =	sadd.s32 $0x4C00, s7  }
.LBB2_1:
0x11: {  	[tilespmem:s3], [sflag:$0x2] =	stream.linear.gather [hbm4b:s4+s3], $0x4E00, $0x38;
	[tilespmem:$0x7F00] =	vst v63  }
0x12: {  	s22 =	simm.s32 $0x40;
	s23 =	simm.s32 $0x0  }
.LBB2_2:
0x13: {  	p1 =	sne.s32 s22, $0x1FC0;
	[tilespmem:s23+$0x4F00] =	vst v0;
	s23 =	smov.u32 s22;
	s22 =	sadd.s32 $0x40, s22  }
.Ltmp0:
0x14: {  	(pc) =	sbr.rel @p1 .LBB2_2-.Ltmp0, $2  }
0x15: {  	_ =	sdelay $0x2  }
0x16: {  	s23 =	sshra.s32 s23, $0x2  }
0x17: {  	[tilespmem:s23+$0x4F00] =	vst v0  }
0x18: {  	[spmem:s5] =	stream.linear.scatter [tilespmem:s13], [sflag:$0x1], $0x800, $0x38;
	[tilespmem:$0x7F00] =	vst v63  }
0x19: {  	_ = 	snop  }
0x1a: {  	[spmem:s9] =	stream.linear.scatter [tilespmem:s13], [sflag:$0x1], $0x800, $0x38;
	[tilespmem:$0x7F00] =	vst v63  }
0x1b: {  	_ = 	snop  }
0x1c: {  	[spmem:s10] =	stream.linear.scatter [tilespmem:s13], [sflag:$0x1], $0x800, $0x38;
	[tilespmem:$0x7F00] =	vst v63  }
0x1d: {  	_ = 	snop  }
0x1e: {  	[spmem:s11] =	stream.linear.scatter [tilespmem:s13], [sflag:$0x1], $0x800, $0x38;
	[tilespmem:$0x7F00] =	vst v63  }
0x1f: {  	_ = 	snop  }
0x20: {  	[spmem:s12] =	stream.linear.scatter [tilespmem:s13], [sflag:$0x1], $0x800, $0x38;
	[tilespmem:$0x7F00] =	vst v63  }
0x21: {  	_ =	swait.ge [sflag:s14], $0x800  }
0x22: {  	[sflag:s14] =	ssyncset.done $0x0  }
0x23: {  	[sflag:s14] =	ssyncadd.s32 $0xFFFFF800  }
0x24: {  	_ =	swait.ge [sflag:s14], $0x800  }
0x25: {  	[sflag:s14] =	ssyncset.done $0x0  }
0x26: {  	[sflag:s14] =	ssyncadd.s32 $0xFFFFF800  }
0x27: {  	_ =	swait.ge [sflag:s14], $0x800  }
0x28: {  	[sflag:s14] =	ssyncset.done $0x0  }
0x29: {  	[sflag:s14] =	ssyncadd.s32 $0xFFFFF800  }
0x2a: {  	_ =	swait.ge [sflag:s14], $0x800  }
0x2b: {  	[sflag:s14] =	ssyncset.done $0x0  }
0x2c: {  	[sflag:s14] =	ssyncadd.s32 $0xFFFFF800  }
0x2d: {  	_ =	swait.ge [sflag:s14], $0x800  }
0x2e: {  	[sflag:s14] =	ssyncset.done $0x0  }
0x2f: {  	s22 =	simm.s32 $0x40;
	s23 =	simm.s32 $0x0;
	[sflag:s14] =	ssyncadd.s32 $0xFFFFF800  }
.LBB2_4:
0x30: {  	p1 =	sne.s32 s22, $0x1FC0;
	[tilespmem:s23+$0x4F00] =	vst v1;
	s23 =	smov.u32 s22;
	s22 =	sadd.s32 $0x40, s22  }
.Ltmp1:
0x31: {  	(pc) =	sbr.rel @p1 .LBB2_4-.Ltmp1, $2  }
0x32: {  	_ =	sdelay $0x2  }
0x33: {  	s23 =	sshra.s32 s23, $0x2  }
0x34: {  	[tilespmem:s23+$0x4F00] =	vst v1  }
0x35: {  	_ =	swait.ge [sflag:s15], $0x4E00  }
0x36: {  	[sflag:s15] =	ssyncset.done $0x0  }
0x37: {  	s22 =	simm.s32 @!p0 $0x0;
	s23 =	simm.s32 @!p0 $0x4E00;
	[sflag:s15] =	ssyncadd.s32 $0xFFFFB200  }
0x38: {  	[tilespmem:s23], [sflag:$0x3] =	stream.linear.gather @!p0 [hbm4b:s6+s22], $0x100, $0x38;
	[tilespmem:$0x7F00] =	vst v63  }
0x39: {  	s22 =	simm.s32 @!p0 $0x3  }
0x3a: {  	_ =	swait.ge @!p0 [sflag:s22], $0x100  }
0x3b: {  	[sflag:s22] =	ssyncset.done @!p0 $0x0  }
0x3c: {  	[sflag:s22] =	ssyncadd.s32 @!p0 $0xFFFFFF00  }
0x3d: {  	s31 =	simm.s32 $0x80;
	[bflag:$0x0] =	sbarrier.arrive $0xFFFF  }
0x3e: {  	[spmem:s2] =	stream.indirect.scatter.add.f32 [tilespmem:s13], [sflag:$0x3], $0x10, s31, s16, $0xb8;
	[tilespmem:$0x7F00] =	vst v63  }
0x3f: {  	_ =	swait.ge [sflag:s17], $0x800  }
0x40: {  	s22 =	simm.s32 $0x600;
	[sflag:s17] =	ssyncset.done $0x0  }
.LBB2_6:
0x41: {  	s23 =	sshra.s32 s22, $0x2;
	[sflag:s17] =	ssyncadd.s32 $0xFFFFF800;
	p1 =	sne.s32 s22, $0x13600  }
0x42: {  	[spmem:s2] =	stream.indirect.scatter.add.f32 [tilespmem:s13], [sflag:$0x3], $0x10, s23, s16, $0xb8;
	[tilespmem:$0x7F00] =	vst v63  }
.Ltmp2:
0x43: {  	_ = 	snop;
	(pc) =	sbr.rel @p1 .LBB2_6-.Ltmp2, $4  }
0x44: {  	_ = 	snop  }
0x45: {  	s22 =	sadd.s32 $0x400, s22  }
0x46: {  	_ =	swait.ge [sflag:s17], $0x800  }
0x47: {  	[sflag:s17] =	ssyncset.done $0x0  }
0x48: {  	[sflag:s17] =	ssyncadd.s32 $0xFFFFF800  }
0x49: {  	s22 =	simm.s32 @!p0 $0x80;
	s23 =	simm.s32 @!p0 $0x4E80;
	s24 =	simm.s32 @!p0 $0x4F00  }
0x4a: {  	[spmem:s2] =	stream.indirect.scatter.add.f32 @!p0 [tilespmem:s24], [sflag:$0x3], $0x10, s23, s22, $0xb8;
	[tilespmem:$0x7F00] =	vst v63  }
0x4b: {  	s22 =	simm.s32 @!p0 $0x3  }
0x4c: {  	_ =	swait.ge @!p0 [sflag:s22], $0x800  }
0x4d: {  	s21 =	sadd.s32 $0x1, s21;
	[sflag:s22] =	ssyncset.done @!p0 $0x0  }
0x4e: {  	p1 =	sne.s32 s21, s8;
	[sflag:s22] =	ssyncadd.s32 @!p0 $0xFFFFF800  }
.Ltmp3:
0x4f: {  	[bflag:$0x0] =	sbarrier.arrive $0xFFFF;
	(pc) =	sbr.rel @p1 .LBB2_1-.Ltmp3, $4  }
0x50: {  	[hbm:s7@s20], [sflag:s18] =	dma.strided [spmem:s19@s15], $0x500, s14, $0x2   }
0x51: {  	_ =	swait.ge [sflag:s17], $0x500  }
0x52: {  	[sflag:s17] =	ssyncset.done $0x0  }
0x53: {  	[sflag:s17] =	ssyncadd.s32 $0xFFFFFB00  }
0x54: {  	_ =	sfence.sel $0x180000  }
0x55: {  	[bflag:$0x0] =	sbarrier.arrive $0xFFFF  }
0x56: {  	p0 =	sne.s32 s0, $0x0;
	_ =	strace $0x90000047  }
0x57: {  	s0 =	sadd.s32 @!p0 $0x100000, s1;
	[bflag:$0x2] =	sbarrier.arrive $0xFFFF  }
0x58: {  	[sflag:s0] =	ssyncadd.tile.s32 @!p0 $0x1;
	_ =	shalt  }
.Lfunc_end2:
_tile_overlayer_lowered:
.L_overlay_start_2:
0x59: {  	(tag) =	ssettag $0x2  }
0x5a: {  	s0 =	rddreg [dreg:$0x0];
	s2 =	stileid.u32  }
0x5b: {  	s1 =	rddreg [dreg:$0x1];
	p0 =	sne.s32 s2, $0x0  }
0x5c: {  	s3 =	rddreg [dreg:$0x2];
	[bflag:$0x3] =	sbarrier.arrive $0xFFFF;
	s2 =	simm.s32 @!p0 $0x1C03  }
0x5d: {  	[timem:s3], [sflag:s2] =	dma.local @!p0 [hbm:s0], s1  }
0x5e: {  	s0 =	simm.s32 @!p0 $0x3  }
0x5f: {  	_ =	swait.ge @!p0 [sflag:s0], s1  }
0x60: {  	s1 =	ssub.s32 @!p0 $0x0, s1;
	[sflag:s0] =	ssyncset.done @!p0 $0x0  }
0x61: {  	[sflag:s0] =	ssyncadd.s32 @!p0 s1  }
0x62: {  	[bflag:$0x3] =	sbarrier.arrive $0xFFFF  }
0x63: {  	_ =	shalt  }

// kernel: kernel.14.cloned.1.call-start
scs
__scs_entry_jumppad:
0x0: {  	(pc) =	sbr.rel $0x88, $3  }
0x1: {  	(tag) =	ssettag $0x0;
	lr =	simm.s32 $0x1  }
0x2: {  	[smem:$0x3F96] =	sst lr;
	_ =	strace $0xD0000000  }
0x3: {  	_ = 	snop  }
0x4: {  	_ = 	snop  }
0x5: {  	_ = 	snop  }
0x6: {  	_ = 	snop  }
0x7: {  	_ = 	snop  }
__scs_overlays_trampoline_lowered:
0x8: {  	[smem:$0x3FA5] =	sst s0  }
0x9: {  	[smem:$0x3FA6] =	sst s1  }
0xa: {  	[smem:$0x3FA7] =	sst s2  }
0xb: {  	[smem:$0x3FA8] =	sst s3  }
0xc: {  	[smem:$0x3FA9] =	sst s4  }
0xd: {  	[smem:$0x3FAA] =	sst s5  }
0xe: {  	[smem:$0x3FAB] =	sst s6  }
0xf: {  	[smem:$0x3FAC] =	sst s7  }
0x10: {  	[smem:$0x3FAD] =	sst s8  }
0x11: {  	[smem:$0x3FAE] =	sst s9;
	s0 =	simm.s32 @!p0 $0x0  }
0x12: {  	s1 =	sld [smem:$0x3F94];
	s0 =	simm.s32 @p0 $0x1  }
0x13: {  	[smem:$0x3FAF] =	sst s0;
	s0 =	simm.s32 @!p1 $0x0  }
0x14: {  	s2 =	sld [smem:$0x3F93];
	s0 =	simm.s32 @p1 $0x1  }
0x15: {  	[smem:$0x3FB0] =	sst s0;
	s0 =	simm.s32 @!p2 $0x0  }
0x16: {  	s3 =	sld [smem:$0x3FDB];
	s0 =	simm.s32 @p2 $0x1  }
0x17: {  	s4 =	simm.s32 $0x1BF5;
	[smem:$0x3FB2] =	sst s0  }
0x18: {  	s0 =	sld [smem:$0x3F95];
	_ =	swait.ge [sflag:s4], $0x0  }
0x19: {  	s7 =	sld [smem:$0x3F96]  }
0x1a: {  	s8 =	sadd.s32 $0xFFFFE003, lr  }
0x1b: {  	s9 =	sadd.s32 $0xFFFFFEF7, lr;
	s5 =	simm.s32 $0xFFFFFFFF;
	p2 =	slt.u32 s8, $0xFFFFF086  }
0x1c: {  	p1 =	slt.u32 s9, $0xF7A;
	s5 =	simm.s32 @!p2 $0x0  }
0x1d: {  	s5 =	simm.s32 @p1 $0x1;
	p0 =	seq.s32 s7, s2  }
0x1e: {  	s7 =	smul.u32 @!p0 $0xF7A, s2;
	p2 =	seq.s32 @!p0 s5, $0x0  }
0x1f: {  	s9 =	smul.u32 $0xF7A, s1;
	s8 =	simm.s32 @!p0 $0x1BF5;
	p2 =	por !p2, p0  }
0x20: {  	[sflag:s8] =	ssyncset.s32 @!p0 $0xFFFFF086;
	s6 =	sadd.s32 @!p0 s3, s7;
	s7 =	simm.s32 @!p0 $0x108  }
0x21: {  	s3 =	sadd.s32 s3, s9;
	s6 =	sadd.s32 @!p0 $0x88, s6;
	s7 =	simm.s32 @p2 $0x1082  }
0x22: {  	[simem:s7], [sflag:s8] =	dma.local @!p0 [hbm:s6], $0xF7A  }
0x23: {  	s9 =	sor.u32 $0xD0000000, s2;
	s6 =	simm.s32 $0x108;
	_ =	swait.ge @!p0 [sflag:s8], $0x0  }
0x24: {  	s3 =	sadd.s32 $0x88, s3;
	s6 =	simm.s32 @!p1 $0x1082;
	[sflag:s4] =	ssyncset.s32 $0xFFFFF086  }
0x25: {  	[simem:s6], [sflag:s4] =	dma.local [hbm:s3], $0xF7A  }
0x26: {  	[smem:$0x3F96] =	sst s1;
	(tag) =	ssettag s2;
	_ =	strace s9  }
0x27: {  	s1 =	sld [smem:$0x3FA6]  }
0x28: {  	s2 =	sld [smem:$0x3FA7]  }
0x29: {  	s4 =	sld [smem:$0x3FA9]  }
0x2a: {  	p0 =	seq.s32 s5, $0x0;
	s5 =	sld [smem:$0x3FAA]  }
0x2b: {  	s6 =	sld [smem:$0x3FAB]  }
0x2c: {  	s7 =	sld [smem:$0x3FAC]  }
0x2d: {  	s3 =	simm.s32 $0x108;
	s8 =	sld [smem:$0x3FAD]  }
0x2e: {  	s3 =	simm.s32 @!p0 $0x1082;
	s9 =	sld [smem:$0x3FAE]  }
0x2f: {  	lr =	sadd.s32 s0, s3;
	s0 =	sld [smem:$0x3FA5]  }
0x30: {  	s3 =	sld [smem:$0x3FA8]  }
0x31: {  	[smem:$0x3FB1] =	sst s10  }
0x32: {  	s10 =	sld [smem:$0x3FAF];
	_ =	sdelay $0x3  }
0x33: {  	p0 =	seq.s32 s10, $0x1;
	s10 =	sld [smem:$0x3FB1];
	_ =	sdelay $0x3  }
0x34: {  	[smem:$0x3FB1] =	sst s10  }
0x35: {  	s10 =	sld [smem:$0x3FB0];
	_ =	sdelay $0x3  }
0x36: {  	p1 =	seq.s32 s10, $0x1;
	s10 =	sld [smem:$0x3FB1];
	_ =	sdelay $0x3  }
0x37: {  	[smem:$0x3FB1] =	sst s10  }
0x38: {  	s10 =	sld [smem:$0x3FB2]  }
0x39: {  	_ = 	snop;
	(pc) =	sbr.ind lr, $3  }
0x3a: {  	_ = 	snop  }
0x3b: {  	_ = 	snop  }
0x3c: {  	p2 =	seq.s32 s10, $0x1;
	s10 =	sld [smem:$0x3FB1]  }
0x3d: {  	_ =	shalt  }
0x3e: {  	_ =	shalt  }
0x3f: {  	_ =	shalt  }
0x40: {  	_ =	shalt  }
0x41: {  	_ =	shalt  }
0x42: {  	_ =	shalt  }
0x43: {  	_ =	shalt  }
0x44: {  	_ =	shalt  }
0x45: {  	_ =	shalt  }
0x46: {  	_ =	shalt  }
0x47: {  	_ =	shalt  }
0x48: {  	_ =	shalt  }
0x49: {  	_ =	shalt  }
0x4a: {  	_ =	shalt  }
0x4b: {  	_ =	shalt  }
0x4c: {  	_ =	shalt  }
0x4d: {  	_ =	shalt  }
0x4e: {  	_ =	shalt  }
0x4f: {  	_ =	shalt  }
0x50: {  	_ =	shalt  }
0x51: {  	_ =	shalt  }
0x52: {  	_ =	shalt  }
0x53: {  	_ =	shalt  }
0x54: {  	_ =	shalt  }
0x55: {  	_ =	shalt  }
0x56: {  	_ =	shalt  }
0x57: {  	_ =	shalt  }
0x58: {  	_ =	shalt  }
0x59: {  	_ =	shalt  }
0x5a: {  	_ =	shalt  }
0x5b: {  	_ =	shalt  }
0x5c: {  	_ =	shalt  }
0x5d: {  	_ =	shalt  }
0x5e: {  	_ =	shalt  }
0x5f: {  	_ =	shalt  }
0x60: {  	_ =	shalt  }
0x61: {  	_ =	shalt  }
0x62: {  	_ =	shalt  }
0x63: {  	_ =	shalt  }
0x64: {  	_ =	shalt  }
0x65: {  	_ =	shalt  }
0x66: {  	_ =	shalt  }
0x67: {  	_ =	shalt  }
0x68: {  	_ =	shalt  }
0x69: {  	_ =	shalt  }
0x6a: {  	_ =	shalt  }
0x6b: {  	_ =	shalt  }
0x6c: {  	_ =	shalt  }
0x6d: {  	_ =	shalt  }
0x6e: {  	_ =	shalt  }
0x6f: {  	_ =	shalt  }
0x70: {  	_ =	shalt  }
0x71: {  	_ =	shalt  }
0x72: {  	_ =	shalt  }
0x73: {  	_ =	shalt  }
0x74: {  	_ =	shalt  }
0x75: {  	_ =	shalt  }
0x76: {  	_ =	shalt  }
0x77: {  	_ =	shalt  }
0x78: {  	_ =	shalt  }
0x79: {  	_ =	shalt  }
0x7a: {  	_ =	shalt  }
0x7b: {  	_ =	shalt  }
0x7c: {  	_ =	shalt  }
0x7d: {  	_ =	shalt  }
0x7e: {  	_ =	shalt  }
0x7f: {  	_ =	shalt  }
0x80: {  	_ =	shalt  }
0x81: {  	_ =	shalt  }
0x82: {  	_ =	shalt  }
0x83: {  	_ =	shalt  }
0x84: {  	_ =	shalt  }
0x85: {  	_ =	shalt  }
0x86: {  	_ =	shalt  }
0x87: {  	_ =	shalt  }
.Lfunc_end0:
.L_simem_size_0:
called_computation.1_lowered:
.L_overlay_start_0:
0x88: {  	s2 =	sld [smem:$0x3FD9]  }
0x89: {  	s3 =	sld [smem:$0x3FFE];
	_ =	sdelay $0x1  }
0x8a: {  	s1 =	srdreg.scid  }
0x8b: {  	s0 =	sand.u32 $0x1, s1  }
0x8c: {  	s17 =	sshll.u32 s0, $0xA;
	s2 =	sadd.s32 s3, s2  }
0x8d: {  	s2 =	sadd.s32 s2, s17  }
0x8e: {  	[smem:$0x3FBD] =	sst s2  }
0x8f: {  	_ = 	snop  }
0x90: {  	s2 =	sld [smem:$0x3FC8];
	(tm) =	ssettm $0x1  }
0x91: {  	s18 =	sld [smem:$0x3FFB];
	_ =	sdelay $0x3  }
0x92: {  	_ =	strace s18  }
0x93: {  	s3 =	sld [smem:$0x3FFC];
	_ =	sdelay $0x3  }
0x94: {  	_ =	strace s3  }
0x95: {  	s3 =	sld [smem:$0x3FFD];
	_ =	sdelay $0x3  }
0x96: {  	_ =	strace s3  }
0x97: {  	_ =	strace $0x8FFFFFFF  }
0x98: {  	s19 =	sld [smem:$0x3FDB];
	_ =	sdelay $0x1  }
0x99: {  	s4 =	simm.s32 $_scs_section_size  }
0x9a: {  	s5 =	simm.s32 $_size__tile_overlayer_lowered;
	s6 =	simm.s32 $_tile_overlayer_lowered  }
0x9b: {  	s22 =	simm.s32 $0x1BFF;
	s21 =	sshll.u32 s6, $0x1;
	s3 =	sadd.s32 s4, s19  }
0x9c: {  	s7 =	simm.s32 $0x0;
	s20 =	sshll.u32 s5, $0x1;
	s5 =	sadd.s32 s21, s3  }
0x9d: {  	[timem:s7], [sflag:s22] =	dma.local [hbm:s5], s20  }
0x9e: {  	_ =	swait.ge [sflag:s22], s20  }
0x9f: {  	s4 =	ssub.s32 $0x0, s20;
	[sflag:s22] =	ssyncset.done $0x0  }
0xa0: {  	[sflag:s22] =	ssyncadd.s32 s4;
	_ =	sdelay $0x1  }
0xa1: {  	s23 =	simm.s32 $0x1B8B  }
0xa2: {  	_ =	swait.ge [sflag:s23], $0x1  }
0xa3: {  	[sflag:s23] =	ssyncset.done $0x0  }
0xa4: {  	s25 =	simm.s32 $0x1B8E;
	s24 =	sld [smem:$0x3FFE];
	[sflag:s23] =	ssyncadd.s32 $0xFFFFFFFF  }
0xa5: {  	s26 =	simm.s32 $execute0_lowered;
	[smem:$0x3FD2] =	sst s25  }
0xa6: {  	s5 =	sshll.u32 s26, $0x1;
	_ =	strace $0x80000049;
	[dreg:$0x1] =	wrdreg $0xFFFFFFFF  }
0xa7: {  	s28 =	simm.s32 $_size_execute0_lowered;
	s3 =	sadd.s32 s3, s5;
	[dreg:$0x0] =	wrdreg $0x0  }
0xa8: {  	s5 =	sshll.u32 s28, $0x1;
	[dreg:$0x2] =	wrdreg s3  }
0xa9: {  	[dreg:$0x3] =	wrdreg s5  }
0xaa: {  	[dreg:$0x4] =	wrdreg $0xC0  }
0xab: {  	_ =	task [dreg:s7], $0x5FFFF  }
0xac: {  	[dreg:$0x1] =	wrdreg $0xFFFFFFFF  }
0xad: {  	[dreg:$0x0] =	wrdreg $0x60  }
0xae: {  	[dreg:$0x2] =	wrdreg s24  }
0xaf: {  	[dreg:$0x3] =	wrdreg s2  }
0xb0: {  	[dreg:$0x4] =	wrdreg $0x14F000  }
0xb1: {  	[dreg:$0x5] =	wrdreg $0xAF000  }
0xb2: {  	[dreg:$0x6] =	wrdreg $0x9  }
0xb3: {  	_ =	task.clear_ibuf [dreg:s7], $0x7FFFF;
	_ =	strace $0x90000049  }
0xb4: {  	s29 =	simm.s32 $0x9;
	_ =	strace $0x8000004B  }
0xb5: {  	_ =	swait.ge [sflag:s29], $0x1  }
0xb6: {  	[sflag:s29] =	ssyncadd.s32 $0xFFFFFFFF  }
0xb7: {  	_ =	strace $0x9000004B  }
0xb8: {  	_ =	sfence  }
0xb9: {  	s30 =	sld [smem:$0x0];
	_ =	sdelay $0x2  }
0xba: {  	s31 =	sshll.u32 s1, $0xD;
	s1 =	sshrl.u32 s1, $0x2  }
0xbb: {  	s3 =	sand.u32 $0x4000, s31;
	s1 =	sadd.s32 s1, s30  }
0xbc: {  	s0 =	sor.u32 s3, s0;
	s1 =	sshll.u32 s1, $0x11  }
0xbd: {  	s0 =	sor.u32 s1, s0  }
0xbe: {  	s0 =	sadd.s32 $0x8F2B, s0  }
0xbf: {  	[sflag:s0] =	ssyncadd.remote.s32 $0x1  }
0xc0: {  	_ =	sfence.sel $0xFFFF  }
0xc1: {  	[dreg:$0x0] =	wrdreg $0xFFFFFFFF;
	(pc) =	sbr.abs _section_cstart, $3  }
0xc2: {  	[dreg:$0x1] =	wrdreg $0xFFFFFFFF  }
0xc3: {  	_ =	task.clear_ibuf [dreg:s7], $0x2FFFF;
	_ =	strace $0x9FFFFFFF  }
0xc4: {  	(tm) =	ssettm $0x7FFFFFFF  }
0xc5: {  	_ =	shalt  }
tec
execute0_lowered:
.L_overlay_start_1:
0x0: {  	(tag) =	ssettag $0x1  }
0x1: {  	s0 =	rddreg [dreg:$0x0]  }
0x2: {  	s2 =	rddreg [dreg:$0x1]  }
0x3: {  	s1 =	rddreg [dreg:$0x2]  }
0x4: {  	s3 =	rddreg [dreg:$0x3]  }
0x5: {  	s4 =	simm.s32 $0x0;
	s21 =	stileid.u32;
	s5 =	srdreg.scid  }
0x6: {  	s18 =	simm.s32 $0x1;
	s19 =	simm.s32 $0x8;
	s28 =	simm.s32 $0x6F00  }
0x7: {  	s30 =	simm.s32 $0x8F00;
	s31 =	simm.s32 $0x3;
	s20 =	smul.u32 $0x14000, s21  }
0x8: {  	s29 =	simm.s32 $0x0;
	[smem:$0x7FF] =	sst s4;
	s12 =	smul.u32 $0xA000, s21  }
0x9: {  	s5 =	sand.u32 $0x1, s5;
	s8 =	sshll.u32 s21, $0x1;
	s25 =	smul.u32 $0x28000, s21  }
0xa: {  	p0 =	sgt.u32 s21, $0x1;
	_ =	strace $0x8000004A;
	s7 =	sshll.u32 s5, $0x6  }
0xb: {  	s22 =	sor.u32 s5, s8;
	s5 =	ssub.s32 $0x2, s5;
	s6 =	sshrl.u32 s20, $0x3  }
0xc: {  	s4 =	sor.u32 s7, s20;
	s8 =	smul.u32 $0x9C0, s22;
	s23 =	sshrl.u32 s5, $0x1  }
0xd: {  	s17 =	sadd.s32 s12, s1;
	s9 =	sshll.u32 s22, $0x5;
	s7 =	sshll.u32 s21, $0x6  }
0xe: {  	s10 =	sshrl.u32 s25, $0x2;
	s26 =	sadd.s32 s12, s3;
	s20 =	simm.s32 $0x10  }
0xf: {  	s21 =	simm.s32 $0x4F00;
	s22 =	simm.s32 $0x4;
	s6 =	sadd.s32 s6, s0  }
0x10: {  	s4 =	sshrl.u32 s4, $0x3;
	s17 =	sshrl.u32 s17, $0x3;
	s25 =	sshrl.u32 s26, $0x3  }
0x11: {  	s26 =	simm.s32 $0x5;
	s0 =	sadd.s32 s4, s0;
	s4 =	ssub.s32 s5, s23  }
0x12: {  	s24 =	sadd.s32 s2, s8;
	s6 =	sadd.s32 $0x4C00, s6;
	s2 =	sadd.s32 s9, s2  }
0x13: {  	s8 =	sor.u32 $0x1C02, s7;
	s9 =	sadd.s32 s10, s3;
	s23 =	simm.s32 $0x2  }
0x14: {  	[dreg:$0x5] =	wrdreg s24;
	s10 =	sadd.s32 $0x13800, s2;
	s11 =	sadd.s32 $0x54C00, s0  }
0x15: {  	s12 =	smax.u32 s4, $0x1;
	s13 =	sadd.s32 $0x2000, s9;
	s14 =	sadd.s32 $0x4000, s9  }
0x16: {  	v0 =	vimm.f32 $0.0e+00;
	s15 =	sadd.s32 $0x6000, s9;
	s16 =	sadd.s32 $0x8000, s9;
	s24 =	simm.s32 $0x80  }
.LBB2_1:
0x17: {  	s0 =	simm.s32 $0x0;
	s2 =	rddreg [dreg:$0x5]  }
0x18: {  	[tilespmem:s0], [sflag:$0x1] =	stream.linear.gather [hbm4b:s2+s0], $0x4E00, $0x38;
	[tilespmem:$0x1EF00] =	vst v63  }
0x19: {  	s2 =	simm.s32 $0x100;
	s0 =	simm.s32 $0x0  }
0x1a: {  	[spmem:s17@s19], [sflag:s8] =	dma.strided [hbm:s6@s20], $0x1400, s18, $0x8   }
.LBB2_2:
0x1b: {  	p1 =	sne.s32 s2, $0x7F00;
	[tilespmem:s0+$0x4F30] =	vst v0;
	s4 =	smov.u32 s2;
	s2 =	sadd.s32 $0x100, s2  }
.Ltmp0:
0x1c: {  	[tilespmem:s0+$0x4F20] =	vst v0;
	(pc) =	sbr.rel @p1 .LBB2_2-.Ltmp0, $3  }
0x1d: {  	[tilespmem:s0+$0x4F00] =	vst v0  }
0x1e: {  	[tilespmem:s0+$0x4F10] =	vst v0;
	_ =	sdelay $0x1  }
0x1f: {  	s0 =	sshra.s32 s4, $0x2  }
0x20: {  	[tilespmem:s0+$0x4F30] =	vst v0  }
0x21: {  	[tilespmem:s0+$0x4F20] =	vst v0  }
0x22: {  	[tilespmem:s0+$0x4F00] =	vst v0  }
0x23: {  	[tilespmem:s0+$0x4F10] =	vst v0  }
0x24: {  	[spmem:s9] =	stream.linear.scatter [tilespmem:s21], [sflag:$0x4], $0x2000, $0x38;
	[tilespmem:$0x1EF00] =	vst v63  }
0x25: {  	_ = 	snop  }
0x26: {  	[spmem:s13] =	stream.linear.scatter [tilespmem:s21], [sflag:$0x4], $0x2000, $0x38;
	[tilespmem:$0x1EF00] =	vst v63  }
0x27: {  	_ = 	snop  }
0x28: {  	[spmem:s14] =	stream.linear.scatter [tilespmem:s21], [sflag:$0x4], $0x2000, $0x38;
	[tilespmem:$0x1EF00] =	vst v63  }
0x29: {  	_ = 	snop  }
0x2a: {  	[spmem:s15] =	stream.linear.scatter [tilespmem:s21], [sflag:$0x4], $0x2000, $0x38;
	[tilespmem:$0x1EF00] =	vst v63  }
0x2b: {  	_ = 	snop  }
0x2c: {  	[spmem:s16] =	stream.linear.scatter [tilespmem:s21], [sflag:$0x4], $0x2000, $0x38;
	[tilespmem:$0x1EF00] =	vst v63  }
0x2d: {  	_ =	swait.ge [sflag:s22], $0x2000  }
0x2e: {  	[sflag:s22] =	ssyncset.done $0x0  }
0x2f: {  	[sflag:s22] =	ssyncadd.s32 $0xFFFFE000  }
0x30: {  	_ =	swait.ge [sflag:s22], $0x2000  }
0x31: {  	[sflag:s22] =	ssyncset.done $0x0  }
0x32: {  	[sflag:s22] =	ssyncadd.s32 $0xFFFFE000  }
0x33: {  	_ =	swait.ge [sflag:s22], $0x2000  }
0x34: {  	[sflag:s22] =	ssyncset.done $0x0  }
0x35: {  	[sflag:s22] =	ssyncadd.s32 $0xFFFFE000  }
0x36: {  	_ =	swait.ge [sflag:s22], $0x2000  }
0x37: {  	[sflag:s22] =	ssyncset.done $0x0  }
0x38: {  	[sflag:s22] =	ssyncadd.s32 $0xFFFFE000  }
0x39: {  	_ =	swait.ge [sflag:s22], $0x2000  }
0x3a: {  	[sflag:s22] =	ssyncset.done $0x0  }
0x3b: {  	[sflag:s22] =	ssyncadd.s32 $0xFFFFE000  }
0x3c: {  	_ =	swait.ge [sflag:s18], $0x4E00  }
0x3d: {  	[sflag:s18] =	ssyncset.done $0x0  }
0x3e: {  	s0 =	simm.s32 @!p0 $0x0;
	s2 =	simm.s32 @!p0 $0x4E00;
	[sflag:s18] =	ssyncadd.s32 $0xFFFFB200  }
0x3f: {  	[tilespmem:s2], [sflag:$0x5] =	stream.linear.gather @!p0 [hbm4b:s10+s0], $0x100, $0x38;
	[tilespmem:$0x1EF00] =	vst v63  }
0x40: {  	s0 =	simm.s32 @!p0 $0x5  }
0x41: {  	_ =	swait.ge @!p0 [sflag:s0], $0x100  }
0x42: {  	[sflag:s0] =	ssyncset.done @!p0 $0x0  }
0x43: {  	[sflag:s0] =	ssyncadd.s32 @!p0 $0xFFFFFF00  }
0x44: {  	_ =	swait.ge [sflag:s23], $0x1400  }
0x45: {  	[sflag:s23] =	ssyncset.done $0x0  }
0x46: {  	[sflag:s23] =	ssyncadd.s32 $0xFFFFEC00  }
0x47: {  	s4 =	simm.s32 $0x0;
	[bflag:$0x0] =	sbarrier.arrive $0xFFFF  }
0x48: {  	[tilespmem:s21], [sflag:$0x1] =	stream.indirect.gather [spmem:s1], $0x40, s4, s24, $0xb8;
	[tilespmem:$0x1EF00] =	vst v63  }
0x49: {  	s5 =	simm.s32 $0x100  }
0x4a: {  	[tilespmem:s28], [sflag:$0x2] =	stream.indirect.gather [spmem:s1], $0x40, s5, s24, $0xb8;
	[tilespmem:$0x1EF00] =	vst v63  }
0x4b: {  	s2 =	simm.s32 $0x200  }
0x4c: {  	[tilespmem:s30], [sflag:$0x3] =	stream.indirect.gather [spmem:s1], $0x40, s2, s24, $0xb8;
	[tilespmem:$0x1EF00] =	vst v63  }
0x4d: {  	_ =	swait.ge [sflag:s18], $0x2000  }
0x4e: {  	[sflag:s18] =	ssyncset.done $0x0  }
0x4f: {  	s4 =	simm.s32 $0x80;
	[sflag:s18] =	ssyncadd.s32 $0xFFFFE000  }
0x50: {  	[spmem:s3] =	stream.indirect.scatter.add.f32 [tilespmem:s21], [sflag:$0x4], $0x40, s4, s24, $0xb8;
	[tilespmem:$0x1EF00] =	vst v63  }
0x51: {  	_ =	swait.ge [sflag:s23], $0x2000  }
0x52: {  	[sflag:s23] =	ssyncset.done $0x0  }
0x53: {  	s5 =	simm.s32 $0x180;
	[sflag:s23] =	ssyncadd.s32 $0xFFFFE000  }
0x54: {  	[spmem:s3] =	stream.indirect.scatter.add.f32 [tilespmem:s28], [sflag:$0x4], $0x40, s5, s24, $0xb8;
	[tilespmem:$0x1EF00] =	vst v63  }
0x55: {  	_ =	swait.ge [sflag:s31], $0x2000  }
0x56: {  	[sflag:s31] =	ssyncset.done $0x0  }
0x57: {  	s2 =	simm.s32 $0x280;
	[sflag:s31] =	ssyncadd.s32 $0xFFFFE000  }
0x58: {  	[spmem:s3] =	stream.indirect.scatter.add.f32 [tilespmem:s30], [sflag:$0x4], $0x40, s2, s24, $0xb8;
	[tilespmem:$0x1EF00] =	vst v63  }
0x59: {  	_ =	swait.ge [sflag:s22], $0x2000  }
0x5a: {  	[sflag:s22] =	ssyncset.done $0x0  }
0x5b: {  	s4 =	simm.s32 $0x300;
	[sflag:s22] =	ssyncadd.s32 $0xFFFFE000  }
0x5c: {  	[tilespmem:s21], [sflag:$0x1] =	stream.indirect.gather [spmem:s1], $0x40, s4, s24, $0xb8;
	[tilespmem:$0x1EF00] =	vst v63  }
0x5d: {  	_ =	swait.ge [sflag:s22], $0x2000  }
0x5e: {  	[sflag:s22] =	ssyncset.done $0x0  }
0x5f: {  	s5 =	simm.s32 $0x400;
	[sflag:s22] =	ssyncadd.s32 $0xFFFFE000  }
0x60: {  	[tilespmem:s28], [sflag:$0x2] =	stream.indirect.gather [spmem:s1], $0x40, s5, s24, $0xb8;
	[tilespmem:$0x1EF00] =	vst v63  }
0x61: {  	_ =	swait.ge [sflag:s22], $0x2000  }
0x62: {  	[sflag:s22] =	ssyncset.done $0x0  }
0x63: {  	s0 =	simm.s32 $0xC00;
	s2 =	simm.s32 $0x500;
	[sflag:s22] =	ssyncadd.s32 $0xFFFFE000  }
.LBB2_4:
0x64: {  	[tilespmem:s30], [sflag:$0x3] =	stream.indirect.gather [spmem:s1], $0x40, s2, s24, $0xb8;
	[tilespmem:$0x1EF00] =	vst v63  }
0x65: {  	s2 =	smov.u32 s0  }
0x66: {  	p1 =	sne.s32 s0, $0x12000;
	s0 =	sadd.s32 $0xC00, s0;
	_ =	swait.ge [sflag:s18], $0x2000  }
0x67: {  	s2 =	sshra.s32 s2, $0x2;
	[sflag:s18] =	ssyncset.done $0x0  }
0x68: {  	s4 =	sadd.s32 $0x80, s2;
	[sflag:s18] =	ssyncadd.s32 $0xFFFFE000  }
0x69: {  	[spmem:s3] =	stream.indirect.scatter.add.f32 [tilespmem:s21], [sflag:$0x4], $0x40, s4, s24, $0xb8;
	[tilespmem:$0x1EF00] =	vst v63  }
0x6a: {  	_ =	swait.ge [sflag:s23], $0x2000  }
0x6b: {  	[sflag:s23] =	ssyncset.done $0x0  }
0x6c: {  	s4 =	sadd.s32 $0x180, s2;
	[sflag:s23] =	ssyncadd.s32 $0xFFFFE000  }
0x6d: {  	[spmem:s3] =	stream.indirect.scatter.add.f32 [tilespmem:s28], [sflag:$0x4], $0x40, s4, s24, $0xb8;
	[tilespmem:$0x1EF00] =	vst v63  }
0x6e: {  	_ =	swait.ge [sflag:s31], $0x2000  }
0x6f: {  	[sflag:s31] =	ssyncset.done $0x0  }
0x70: {  	s4 =	sadd.s32 $0x280, s2;
	[sflag:s31] =	ssyncadd.s32 $0xFFFFE000  }
0x71: {  	[spmem:s3] =	stream.indirect.scatter.add.f32 [tilespmem:s30], [sflag:$0x4], $0x40, s4, s24, $0xb8;
	[tilespmem:$0x1EF00] =	vst v63  }
0x72: {  	_ =	swait.ge [sflag:s22], $0x2000  }
0x73: {  	[sflag:s22] =	ssyncset.done $0x0  }
0x74: {  	s4 =	sadd.s32 $0x300, s2;
	[sflag:s22] =	ssyncadd.s32 $0xFFFFE000  }
0x75: {  	[tilespmem:s21], [sflag:$0x1] =	stream.indirect.gather [spmem:s1], $0x40, s4, s24, $0xb8;
	[tilespmem:$0x1EF00] =	vst v63  }
0x76: {  	_ =	swait.ge [sflag:s22], $0x2000  }
0x77: {  	[sflag:s22] =	ssyncset.done $0x0  }
.Ltmp1:
0x78: {  	s4 =	sadd.s32 $0x400, s2;
	[sflag:s22] =	ssyncadd.s32 $0xFFFFE000;
	(pc) =	sbr.rel @p1 .LBB2_4-.Ltmp1, $4  }
0x79: {  	[tilespmem:s28], [sflag:$0x2] =	stream.indirect.gather [spmem:s1], $0x40, s4, s24, $0xb8;
	[tilespmem:$0x1EF00] =	vst v63  }
0x7a: {  	_ =	swait.ge [sflag:s22], $0x2000  }
0x7b: {  	[sflag:s22] =	ssyncset.done $0x0  }
0x7c: {  	s2 =	sadd.s32 $0x500, s2;
	[sflag:s22] =	ssyncadd.s32 $0xFFFFE000  }
0x7d: {  	[tilespmem:s30], [sflag:$0x3] =	stream.indirect.gather [spmem:s1], $0x40, s2, s24, $0xb8;
	[tilespmem:$0x1EF00] =	vst v63  }
0x7e: {  	_ =	swait.ge [sflag:s18], $0x2000  }
0x7f: {  	[sflag:s18] =	ssyncset.done $0x0  }
0x80: {  	s0 =	simm.s32 $0x4B80;
	[sflag:s18] =	ssyncadd.s32 $0xFFFFE000  }
0x81: {  	[spmem:s3] =	stream.indirect.scatter.add.f32 [tilespmem:s21], [sflag:$0x4], $0x40, s0, s24, $0xb8;
	[tilespmem:$0x1EF00] =	vst v63  }
0x82: {  	_ =	swait.ge [sflag:s23], $0x2000  }
0x83: {  	[sflag:s23] =	ssyncset.done $0x0  }
0x84: {  	s2 =	simm.s32 $0x4C80;
	[sflag:s23] =	ssyncadd.s32 $0xFFFFE000  }
0x85: {  	[spmem:s3] =	stream.indirect.scatter.add.f32 [tilespmem:s28], [sflag:$0x4], $0x40, s2, s24, $0xb8;
	[tilespmem:$0x1EF00] =	vst v63  }
0x86: {  	_ =	swait.ge [sflag:s31], $0x2000  }
0x87: {  	[sflag:s31] =	ssyncset.done $0x0  }
0x88: {  	s4 =	simm.s32 $0x4D80;
	[sflag:s31] =	ssyncadd.s32 $0xFFFFE000  }
0x89: {  	[spmem:s3] =	stream.indirect.scatter.add.f32 [tilespmem:s30], [sflag:$0x4], $0x40, s4, s24, $0xb8;
	[tilespmem:$0x1EF00] =	vst v63  }
0x8a: {  	_ =	swait.ge [sflag:s22], $0x2000  }
0x8b: {  	[sflag:s22] =	ssyncset.done $0x0  }
0x8c: {  	[sflag:s22] =	ssyncadd.s32 $0xFFFFE000  }
0x8d: {  	_ =	swait.ge [sflag:s22], $0x2000  }
0x8e: {  	[sflag:s22] =	ssyncset.done $0x0  }
0x8f: {  	[sflag:s22] =	ssyncadd.s32 $0xFFFFE000  }
0x90: {  	_ =	swait.ge [sflag:s22], $0x2000  }
0x91: {  	s0 =	simm.s32 @!p0 $0x80;
	[sflag:s22] =	ssyncset.done $0x0  }
0x92: {  	s2 =	simm.s32 @!p0 $0x4E00;
	s4 =	simm.s32 @!p0 $0x4F00;
	[sflag:s22] =	ssyncadd.s32 $0xFFFFE000  }
0x93: {  	[tilespmem:s4], [sflag:$0x5] =	stream.indirect.gather @!p0 [spmem:s1], $0x40, s2, s0, $0xb8;
	[tilespmem:$0x1EF00] =	vst v63  }
0x94: {  	s2 =	simm.s32 @!p0 $0x5  }
0x95: {  	_ =	swait.ge @!p0 [sflag:s2], $0x2000  }
0x96: {  	[sflag:s2] =	ssyncset.done @!p0 $0x0  }
0x97: {  	s5 =	simm.s32 @!p0 $0x4E80;
	[sflag:s2] =	ssyncadd.s32 @!p0 $0xFFFFE000  }
0x98: {  	[spmem:s3] =	stream.indirect.scatter.add.f32 @!p0 [tilespmem:s4], [sflag:$0x5], $0x40, s5, s0, $0xb8;
	[tilespmem:$0x1EF00] =	vst v63  }
0x99: {  	_ =	swait.ge @!p0 [sflag:s2], $0x2000  }
0x9a: {  	s29 =	sadd.s32 $0x1, s29;
	[sflag:s2] =	ssyncset.done @!p0 $0x0  }
0x9b: {  	p1 =	sne.s32 s29, s12;
	[sflag:s2] =	ssyncadd.s32 @!p0 $0xFFFFE000  }
.Ltmp2:
0x9c: {  	s5 =	sor.u32 $0x1C05, s7;
	[bflag:$0x0] =	sbarrier.arrive $0xFFFF;
	(pc) =	sbr.rel @p1 .LBB2_1-.Ltmp2, $4  }
0x9d: {  	[hbm:s11@s20], [sflag:s5] =	dma.strided [spmem:s25@s19], $0x1400, s18, $0x8   }
0x9e: {  	_ =	swait.ge [sflag:s26], $0x1400  }
0x9f: {  	[sflag:s26] =	ssyncset.done $0x0  }
0xa0: {  	[sflag:s26] =	ssyncadd.s32 $0xFFFFEC00  }
0xa1: {  	_ =	sfence.sel $0x180000  }
0xa2: {  	[bflag:$0x0] =	sbarrier.arrive $0xFFFF  }
0xa3: {  	_ =	strace $0x9000004A  }
0xa4: {  	s0 =	stileid.u32;
	[bflag:$0x2] =	sbarrier.arrive $0xFFFF  }
0xa5: {  	p0 =	sne.s32 s0, $0x0;
	s0 =	rddreg [dreg:$0x4]  }
0xa6: {  	s0 =	sadd.s32 @!p0 $0x100000, s0  }
0xa7: {  	[sflag:s0] =	ssyncadd.tile.s32 @!p0 $0x1;
	_ =	shalt  }
.Lfunc_end2:
_tile_overlayer_lowered:
.L_overlay_start_2:
0xa8: {  	(tag) =	ssettag $0x2  }
0xa9: {  	s0 =	rddreg [dreg:$0x0];
	s2 =	stileid.u32  }
0xaa: {  	s1 =	rddreg [dreg:$0x1];
	p0 =	sne.s32 s2, $0x0  }
0xab: {  	s3 =	rddreg [dreg:$0x2];
	[bflag:$0x3] =	sbarrier.arrive $0xFFFF;
	s2 =	simm.s32 @!p0 $0x1C05  }
0xac: {  	[timem:s3], [sflag:s2] =	dma.local @!p0 [hbm:s0], s1  }
0xad: {  	s0 =	simm.s32 @!p0 $0x5  }
0xae: {  	_ =	swait.ge @!p0 [sflag:s0], s1  }
0xaf: {  	s1 =	ssub.s32 @!p0 $0x0, s1;
	[sflag:s0] =	ssyncset.done @!p0 $0x0  }
0xb0: {  	[sflag:s0] =	ssyncadd.s32 @!p0 s1  }
0xb1: {  	[bflag:$0x3] =	sbarrier.arrive $0xFFFF  }
0xb2: {  	_ =	shalt  }

// kernel: kernel.17.cloned.1.call-start
scs
__scs_entry_jumppad:
0x0: {  	(pc) =	sbr.rel $0x88, $3  }
0x1: {  	(tag) =	ssettag $0x0;
	lr =	simm.s32 $0x1  }
0x2: {  	[smem:$0x3F96] =	sst lr;
	_ =	strace $0xD0000000  }
0x3: {  	_ = 	snop  }
0x4: {  	_ = 	snop  }
0x5: {  	_ = 	snop  }
0x6: {  	_ = 	snop  }
0x7: {  	_ = 	snop  }
__scs_overlays_trampoline_lowered:
0x8: {  	[smem:$0x3FA5] =	sst s0  }
0x9: {  	[smem:$0x3FA6] =	sst s1  }
0xa: {  	[smem:$0x3FA7] =	sst s2  }
0xb: {  	[smem:$0x3FA8] =	sst s3  }
0xc: {  	[smem:$0x3FA9] =	sst s4  }
0xd: {  	[smem:$0x3FAA] =	sst s5  }
0xe: {  	[smem:$0x3FAB] =	sst s6  }
0xf: {  	[smem:$0x3FAC] =	sst s7  }
0x10: {  	[smem:$0x3FAD] =	sst s8  }
0x11: {  	[smem:$0x3FAE] =	sst s9;
	s0 =	simm.s32 @!p0 $0x0  }
0x12: {  	s1 =	sld [smem:$0x3F94];
	s0 =	simm.s32 @p0 $0x1  }
0x13: {  	[smem:$0x3FAF] =	sst s0;
	s0 =	simm.s32 @!p1 $0x0  }
0x14: {  	s2 =	sld [smem:$0x3F93];
	s0 =	simm.s32 @p1 $0x1  }
0x15: {  	[smem:$0x3FB0] =	sst s0;
	s0 =	simm.s32 @!p2 $0x0  }
0x16: {  	s3 =	sld [smem:$0x3FDB];
	s0 =	simm.s32 @p2 $0x1  }
0x17: {  	s4 =	simm.s32 $0x1BF5;
	[smem:$0x3FB2] =	sst s0  }
0x18: {  	s0 =	sld [smem:$0x3F95];
	_ =	swait.ge [sflag:s4], $0x0  }
0x19: {  	s7 =	sld [smem:$0x3F96]  }
0x1a: {  	s8 =	sadd.s32 $0xFFFFE003, lr  }
0x1b: {  	s9 =	sadd.s32 $0xFFFFFEF7, lr;
	s5 =	simm.s32 $0xFFFFFFFF;
	p2 =	slt.u32 s8, $0xFFFFF086  }
0x1c: {  	p1 =	slt.u32 s9, $0xF7A;
	s5 =	simm.s32 @!p2 $0x0  }
0x1d: {  	s5 =	simm.s32 @p1 $0x1;
	p0 =	seq.s32 s7, s2  }
0x1e: {  	s7 =	smul.u32 @!p0 $0xF7A, s2;
	p2 =	seq.s32 @!p0 s5, $0x0  }
0x1f: {  	s9 =	smul.u32 $0xF7A, s1;
	s8 =	simm.s32 @!p0 $0x1BF5;
	p2 =	por !p2, p0  }
0x20: {  	[sflag:s8] =	ssyncset.s32 @!p0 $0xFFFFF086;
	s6 =	sadd.s32 @!p0 s3, s7;
	s7 =	simm.s32 @!p0 $0x108  }
0x21: {  	s3 =	sadd.s32 s3, s9;
	s6 =	sadd.s32 @!p0 $0x88, s6;
	s7 =	simm.s32 @p2 $0x1082  }
0x22: {  	[simem:s7], [sflag:s8] =	dma.local @!p0 [hbm:s6], $0xF7A  }
0x23: {  	s9 =	sor.u32 $0xD0000000, s2;
	s6 =	simm.s32 $0x108;
	_ =	swait.ge @!p0 [sflag:s8], $0x0  }
0x24: {  	s3 =	sadd.s32 $0x88, s3;
	s6 =	simm.s32 @!p1 $0x1082;
	[sflag:s4] =	ssyncset.s32 $0xFFFFF086  }
0x25: {  	[simem:s6], [sflag:s4] =	dma.local [hbm:s3], $0xF7A  }
0x26: {  	[smem:$0x3F96] =	sst s1;
	(tag) =	ssettag s2;
	_ =	strace s9  }
0x27: {  	s1 =	sld [smem:$0x3FA6]  }
0x28: {  	s2 =	sld [smem:$0x3FA7]  }
0x29: {  	s4 =	sld [smem:$0x3FA9]  }
0x2a: {  	p0 =	seq.s32 s5, $0x0;
	s5 =	sld [smem:$0x3FAA]  }
0x2b: {  	s6 =	sld [smem:$0x3FAB]  }
0x2c: {  	s7 =	sld [smem:$0x3FAC]  }
0x2d: {  	s3 =	simm.s32 $0x108;
	s8 =	sld [smem:$0x3FAD]  }
0x2e: {  	s3 =	simm.s32 @!p0 $0x1082;
	s9 =	sld [smem:$0x3FAE]  }
0x2f: {  	lr =	sadd.s32 s0, s3;
	s0 =	sld [smem:$0x3FA5]  }
0x30: {  	s3 =	sld [smem:$0x3FA8]  }
0x31: {  	[smem:$0x3FB1] =	sst s10  }
0x32: {  	s10 =	sld [smem:$0x3FAF];
	_ =	sdelay $0x3  }
0x33: {  	p0 =	seq.s32 s10, $0x1;
	s10 =	sld [smem:$0x3FB1];
	_ =	sdelay $0x3  }
0x34: {  	[smem:$0x3FB1] =	sst s10  }
0x35: {  	s10 =	sld [smem:$0x3FB0];
	_ =	sdelay $0x3  }
0x36: {  	p1 =	seq.s32 s10, $0x1;
	s10 =	sld [smem:$0x3FB1];
	_ =	sdelay $0x3  }
0x37: {  	[smem:$0x3FB1] =	sst s10  }
0x38: {  	s10 =	sld [smem:$0x3FB2]  }
0x39: {  	_ = 	snop;
	(pc) =	sbr.ind lr, $3  }
0x3a: {  	_ = 	snop  }
0x3b: {  	_ = 	snop  }
0x3c: {  	p2 =	seq.s32 s10, $0x1;
	s10 =	sld [smem:$0x3FB1]  }
0x3d: {  	_ =	shalt  }
0x3e: {  	_ =	shalt  }
0x3f: {  	_ =	shalt  }
0x40: {  	_ =	shalt  }
0x41: {  	_ =	shalt  }
0x42: {  	_ =	shalt  }
0x43: {  	_ =	shalt  }
0x44: {  	_ =	shalt  }
0x45: {  	_ =	shalt  }
0x46: {  	_ =	shalt  }
0x47: {  	_ =	shalt  }
0x48: {  	_ =	shalt  }
0x49: {  	_ =	shalt  }
0x4a: {  	_ =	shalt  }
0x4b: {  	_ =	shalt  }
0x4c: {  	_ =	shalt  }
0x4d: {  	_ =	shalt  }
0x4e: {  	_ =	shalt  }
0x4f: {  	_ =	shalt  }
0x50: {  	_ =	shalt  }
0x51: {  	_ =	shalt  }
0x52: {  	_ =	shalt  }
0x53: {  	_ =	shalt  }
0x54: {  	_ =	shalt  }
0x55: {  	_ =	shalt  }
0x56: {  	_ =	shalt  }
0x57: {  	_ =	shalt  }
0x58: {  	_ =	shalt  }
0x59: {  	_ =	shalt  }
0x5a: {  	_ =	shalt  }
0x5b: {  	_ =	shalt  }
0x5c: {  	_ =	shalt  }
0x5d: {  	_ =	shalt  }
0x5e: {  	_ =	shalt  }
0x5f: {  	_ =	shalt  }
0x60: {  	_ =	shalt  }
0x61: {  	_ =	shalt  }
0x62: {  	_ =	shalt  }
0x63: {  	_ =	shalt  }
0x64: {  	_ =	shalt  }
0x65: {  	_ =	shalt  }
0x66: {  	_ =	shalt  }
0x67: {  	_ =	shalt  }
0x68: {  	_ =	shalt  }
0x69: {  	_ =	shalt  }
0x6a: {  	_ =	shalt  }
0x6b: {  	_ =	shalt  }
0x6c: {  	_ =	shalt  }
0x6d: {  	_ =	shalt  }
0x6e: {  	_ =	shalt  }
0x6f: {  	_ =	shalt  }
0x70: {  	_ =	shalt  }
0x71: {  	_ =	shalt  }
0x72: {  	_ =	shalt  }
0x73: {  	_ =	shalt  }
0x74: {  	_ =	shalt  }
0x75: {  	_ =	shalt  }
0x76: {  	_ =	shalt  }
0x77: {  	_ =	shalt  }
0x78: {  	_ =	shalt  }
0x79: {  	_ =	shalt  }
0x7a: {  	_ =	shalt  }
0x7b: {  	_ =	shalt  }
0x7c: {  	_ =	shalt  }
0x7d: {  	_ =	shalt  }
0x7e: {  	_ =	shalt  }
0x7f: {  	_ =	shalt  }
0x80: {  	_ =	shalt  }
0x81: {  	_ =	shalt  }
0x82: {  	_ =	shalt  }
0x83: {  	_ =	shalt  }
0x84: {  	_ =	shalt  }
0x85: {  	_ =	shalt  }
0x86: {  	_ =	shalt  }
0x87: {  	_ =	shalt  }
.Lfunc_end0:
.L_simem_size_0:
called_computation.2_lowered:
.L_overlay_start_0:
0x88: {  	s2 =	sld [smem:$0x3FD9]  }
0x89: {  	s3 =	sld [smem:$0x3FFE];
	_ =	sdelay $0x1  }
0x8a: {  	s1 =	srdreg.scid  }
0x8b: {  	s0 =	sand.u32 $0x1, s1  }
0x8c: {  	s17 =	sshll.u32 s0, $0xA;
	s2 =	sadd.s32 s3, s2  }
0x8d: {  	s2 =	sadd.s32 s2, s17  }
0x8e: {  	[smem:$0x3FBD] =	sst s2  }
0x8f: {  	_ = 	snop  }
0x90: {  	s2 =	sld [smem:$0x3FC8];
	(tm) =	ssettm $0x1  }
0x91: {  	s18 =	sld [smem:$0x3FFB];
	_ =	sdelay $0x3  }
0x92: {  	_ =	strace s18  }
0x93: {  	s3 =	sld [smem:$0x3FFC];
	_ =	sdelay $0x3  }
0x94: {  	_ =	strace s3  }
0x95: {  	s3 =	sld [smem:$0x3FFD];
	_ =	sdelay $0x3  }
0x96: {  	_ =	strace s3  }
0x97: {  	_ =	strace $0x8FFFFFFF  }
0x98: {  	s19 =	sld [smem:$0x3FDB];
	_ =	sdelay $0x1  }
0x99: {  	s4 =	simm.s32 $_scs_section_size  }
0x9a: {  	s5 =	simm.s32 $_size__tile_overlayer_lowered;
	s6 =	simm.s32 $_tile_overlayer_lowered  }
0x9b: {  	s22 =	simm.s32 $0x1BFF;
	s21 =	sshll.u32 s6, $0x1;
	s3 =	sadd.s32 s4, s19  }
0x9c: {  	s7 =	simm.s32 $0x0;
	s20 =	sshll.u32 s5, $0x1;
	s5 =	sadd.s32 s21, s3  }
0x9d: {  	[timem:s7], [sflag:s22] =	dma.local [hbm:s5], s20  }
0x9e: {  	_ =	swait.ge [sflag:s22], s20  }
0x9f: {  	s4 =	ssub.s32 $0x0, s20;
	[sflag:s22] =	ssyncset.done $0x0  }
0xa0: {  	[sflag:s22] =	ssyncadd.s32 s4;
	_ =	sdelay $0x1  }
0xa1: {  	s23 =	simm.s32 $0x1B8B  }
0xa2: {  	_ =	swait.ge [sflag:s23], $0x1  }
0xa3: {  	[sflag:s23] =	ssyncset.done $0x0  }
0xa4: {  	s25 =	simm.s32 $0x1B8E;
	s24 =	sld [smem:$0x3FFE];
	[sflag:s23] =	ssyncadd.s32 $0xFFFFFFFF  }
0xa5: {  	s26 =	simm.s32 $execute0_lowered;
	[smem:$0x3FD2] =	sst s25  }
0xa6: {  	s5 =	sshll.u32 s26, $0x1;
	_ =	strace $0x8000004C;
	[dreg:$0x1] =	wrdreg $0xFFFFFFFF  }
0xa7: {  	s28 =	simm.s32 $_size_execute0_lowered;
	s3 =	sadd.s32 s3, s5;
	[dreg:$0x0] =	wrdreg $0x0  }
0xa8: {  	s5 =	sshll.u32 s28, $0x1;
	[dreg:$0x2] =	wrdreg s3  }
0xa9: {  	[dreg:$0x3] =	wrdreg s5  }
0xaa: {  	[dreg:$0x4] =	wrdreg $0xC0  }
0xab: {  	_ =	task [dreg:s7], $0x5FFFF  }
0xac: {  	[dreg:$0x1] =	wrdreg $0xFFFFFFFF  }
0xad: {  	[dreg:$0x0] =	wrdreg $0x60  }
0xae: {  	[dreg:$0x2] =	wrdreg s24  }
0xaf: {  	[dreg:$0x3] =	wrdreg s2  }
0xb0: {  	[dreg:$0x4] =	wrdreg $0x14F000  }
0xb1: {  	[dreg:$0x5] =	wrdreg $0xAF000  }
0xb2: {  	[dreg:$0x6] =	wrdreg $0x9  }
0xb3: {  	_ =	task.clear_ibuf [dreg:s7], $0x7FFFF;
	_ =	strace $0x9000004C  }
0xb4: {  	s29 =	simm.s32 $0x9;
	_ =	strace $0x8000004E  }
0xb5: {  	_ =	swait.ge [sflag:s29], $0x1  }
0xb6: {  	[sflag:s29] =	ssyncadd.s32 $0xFFFFFFFF  }
0xb7: {  	_ =	strace $0x9000004E  }
0xb8: {  	_ =	sfence  }
0xb9: {  	s30 =	sld [smem:$0x0];
	_ =	sdelay $0x2  }
0xba: {  	s31 =	sshll.u32 s1, $0xD;
	s1 =	sshrl.u32 s1, $0x2  }
0xbb: {  	s3 =	sand.u32 $0x4000, s31;
	s1 =	sadd.s32 s1, s30  }
0xbc: {  	s0 =	sor.u32 s3, s0;
	s1 =	sshll.u32 s1, $0x11  }
0xbd: {  	s0 =	sor.u32 s1, s0  }
0xbe: {  	s0 =	sadd.s32 $0x8F2B, s0  }
0xbf: {  	[sflag:s0] =	ssyncadd.remote.s32 $0x1  }
0xc0: {  	_ =	sfence.sel $0xFFFF  }
0xc1: {  	[dreg:$0x0] =	wrdreg $0xFFFFFFFF;
	(pc) =	sbr.abs _section_cstart, $3  }
0xc2: {  	[dreg:$0x1] =	wrdreg $0xFFFFFFFF  }
0xc3: {  	_ =	task.clear_ibuf [dreg:s7], $0x2FFFF;
	_ =	strace $0x9FFFFFFF  }
0xc4: {  	(tm) =	ssettm $0x7FFFFFFF  }
0xc5: {  	_ =	shalt  }
tec
execute0_lowered:
.L_overlay_start_1:
0x0: {  	(tag) =	ssettag $0x1  }
0x1: {  	s0 =	rddreg [dreg:$0x0]  }
0x2: {  	s2 =	rddreg [dreg:$0x1]  }
0x3: {  	s1 =	rddreg [dreg:$0x2]  }
0x4: {  	s3 =	rddreg [dreg:$0x3]  }
0x5: {  	s4 =	simm.s32 $0x0;
	s21 =	stileid.u32;
	s5 =	srdreg.scid  }
0x6: {  	s18 =	simm.s32 $0x1;
	s19 =	simm.s32 $0x8;
	s28 =	simm.s32 $0x6F00  }
0x7: {  	s30 =	simm.s32 $0x8F00;
	s31 =	simm.s32 $0x3;
	s20 =	smul.u32 $0x14000, s21  }
0x8: {  	s29 =	simm.s32 $0x0;
	[smem:$0x7FF] =	sst s4;
	s12 =	smul.u32 $0xA000, s21  }
0x9: {  	s5 =	sand.u32 $0x1, s5;
	s8 =	sshll.u32 s21, $0x1;
	s25 =	smul.u32 $0x28000, s21  }
0xa: {  	p0 =	sgt.u32 s21, $0x1;
	_ =	strace $0x8000004D;
	s7 =	sshll.u32 s5, $0x6  }
0xb: {  	s22 =	sor.u32 s5, s8;
	s5 =	ssub.s32 $0x2, s5;
	s6 =	sshrl.u32 s20, $0x3  }
0xc: {  	s4 =	sor.u32 s7, s20;
	s8 =	smul.u32 $0x9C0, s22;
	s23 =	sshrl.u32 s5, $0x1  }
0xd: {  	s17 =	sadd.s32 s12, s1;
	s9 =	sshll.u32 s22, $0x5;
	s7 =	sshll.u32 s21, $0x6  }
0xe: {  	s10 =	sshrl.u32 s25, $0x2;
	s26 =	sadd.s32 s12, s3;
	s20 =	simm.s32 $0x10  }
0xf: {  	s21 =	simm.s32 $0x4F00;
	s22 =	simm.s32 $0x4;
	s6 =	sadd.s32 s6, s0  }
0x10: {  	s4 =	sshrl.u32 s4, $0x3;
	s17 =	sshrl.u32 s17, $0x3;
	s25 =	sshrl.u32 s26, $0x3  }
0x11: {  	s26 =	simm.s32 $0x5;
	s0 =	sadd.s32 s4, s0;
	s4 =	ssub.s32 s5, s23  }
0x12: {  	s24 =	sadd.s32 s2, s8;
	s6 =	sadd.s32 $0x4C00, s6;
	s2 =	sadd.s32 s9, s2  }
0x13: {  	s8 =	sor.u32 $0x1C02, s7;
	s9 =	sadd.s32 s10, s3;
	s23 =	simm.s32 $0x2  }
0x14: {  	[dreg:$0x5] =	wrdreg s24;
	s10 =	sadd.s32 $0x13800, s2;
	s11 =	sadd.s32 $0x54C00, s0  }
0x15: {  	s12 =	smax.u32 s4, $0x1;
	s13 =	sadd.s32 $0x2000, s9;
	s14 =	sadd.s32 $0x4000, s9  }
0x16: {  	v0 =	vimm.f32 $0.0e+00;
	s15 =	sadd.s32 $0x6000, s9;
	s16 =	sadd.s32 $0x8000, s9;
	s24 =	simm.s32 $0x80  }
.LBB2_1:
0x17: {  	s0 =	simm.s32 $0x0;
	s2 =	rddreg [dreg:$0x5]  }
0x18: {  	[tilespmem:s0], [sflag:$0x1] =	stream.linear.gather [hbm4b:s2+s0], $0x4E00, $0x38;
	[tilespmem:$0x1EF00] =	vst v63  }
0x19: {  	s2 =	simm.s32 $0x100;
	s0 =	simm.s32 $0x0  }
0x1a: {  	[spmem:s17@s19], [sflag:s8] =	dma.strided [hbm:s6@s20], $0x1400, s18, $0x8   }
.LBB2_2:
0x1b: {  	p1 =	sne.s32 s2, $0x7F00;
	[tilespmem:s0+$0x4F30] =	vst v0;
	s4 =	smov.u32 s2;
	s2 =	sadd.s32 $0x100, s2  }
.Ltmp0:
0x1c: {  	[tilespmem:s0+$0x4F20] =	vst v0;
	(pc) =	sbr.rel @p1 .LBB2_2-.Ltmp0, $3  }
0x1d: {  	[tilespmem:s0+$0x4F00] =	vst v0  }
0x1e: {  	[tilespmem:s0+$0x4F10] =	vst v0;
	_ =	sdelay $0x1  }
0x1f: {  	s0 =	sshra.s32 s4, $0x2  }
0x20: {  	[tilespmem:s0+$0x4F30] =	vst v0  }
0x21: {  	[tilespmem:s0+$0x4F20] =	vst v0  }
0x22: {  	[tilespmem:s0+$0x4F00] =	vst v0  }
0x23: {  	[tilespmem:s0+$0x4F10] =	vst v0  }
0x24: {  	[spmem:s9] =	stream.linear.scatter [tilespmem:s21], [sflag:$0x4], $0x2000, $0x38;
	[tilespmem:$0x1EF00] =	vst v63  }
0x25: {  	_ = 	snop  }
0x26: {  	[spmem:s13] =	stream.linear.scatter [tilespmem:s21], [sflag:$0x4], $0x2000, $0x38;
	[tilespmem:$0x1EF00] =	vst v63  }
0x27: {  	_ = 	snop  }
0x28: {  	[spmem:s14] =	stream.linear.scatter [tilespmem:s21], [sflag:$0x4], $0x2000, $0x38;
	[tilespmem:$0x1EF00] =	vst v63  }
0x29: {  	_ = 	snop  }
0x2a: {  	[spmem:s15] =	stream.linear.scatter [tilespmem:s21], [sflag:$0x4], $0x2000, $0x38;
	[tilespmem:$0x1EF00] =	vst v63  }
0x2b: {  	_ = 	snop  }
0x2c: {  	[spmem:s16] =	stream.linear.scatter [tilespmem:s21], [sflag:$0x4], $0x2000, $0x38;
	[tilespmem:$0x1EF00] =	vst v63  }
0x2d: {  	_ =	swait.ge [sflag:s22], $0x2000  }
0x2e: {  	[sflag:s22] =	ssyncset.done $0x0  }
0x2f: {  	[sflag:s22] =	ssyncadd.s32 $0xFFFFE000  }
0x30: {  	_ =	swait.ge [sflag:s22], $0x2000  }
0x31: {  	[sflag:s22] =	ssyncset.done $0x0  }
0x32: {  	[sflag:s22] =	ssyncadd.s32 $0xFFFFE000  }
0x33: {  	_ =	swait.ge [sflag:s22], $0x2000  }
0x34: {  	[sflag:s22] =	ssyncset.done $0x0  }
0x35: {  	[sflag:s22] =	ssyncadd.s32 $0xFFFFE000  }
0x36: {  	_ =	swait.ge [sflag:s22], $0x2000  }
0x37: {  	[sflag:s22] =	ssyncset.done $0x0  }
0x38: {  	[sflag:s22] =	ssyncadd.s32 $0xFFFFE000  }
0x39: {  	_ =	swait.ge [sflag:s22], $0x2000  }
0x3a: {  	[sflag:s22] =	ssyncset.done $0x0  }
0x3b: {  	[sflag:s22] =	ssyncadd.s32 $0xFFFFE000  }
0x3c: {  	_ =	swait.ge [sflag:s18], $0x4E00  }
0x3d: {  	[sflag:s18] =	ssyncset.done $0x0  }
0x3e: {  	s0 =	simm.s32 @!p0 $0x0;
	s2 =	simm.s32 @!p0 $0x4E00;
	[sflag:s18] =	ssyncadd.s32 $0xFFFFB200  }
0x3f: {  	[tilespmem:s2], [sflag:$0x5] =	stream.linear.gather @!p0 [hbm4b:s10+s0], $0x100, $0x38;
	[tilespmem:$0x1EF00] =	vst v63  }
0x40: {  	s0 =	simm.s32 @!p0 $0x5  }
0x41: {  	_ =	swait.ge @!p0 [sflag:s0], $0x100  }
0x42: {  	[sflag:s0] =	ssyncset.done @!p0 $0x0  }
0x43: {  	[sflag:s0] =	ssyncadd.s32 @!p0 $0xFFFFFF00  }
0x44: {  	_ =	swait.ge [sflag:s23], $0x1400  }
0x45: {  	[sflag:s23] =	ssyncset.done $0x0  }
0x46: {  	[sflag:s23] =	ssyncadd.s32 $0xFFFFEC00  }
0x47: {  	s4 =	simm.s32 $0x0;
	[bflag:$0x0] =	sbarrier.arrive $0xFFFF  }
0x48: {  	[tilespmem:s21], [sflag:$0x1] =	stream.indirect.gather [spmem:s1], $0x40, s4, s24, $0xb8;
	[tilespmem:$0x1EF00] =	vst v63  }
0x49: {  	s5 =	simm.s32 $0x100  }
0x4a: {  	[tilespmem:s28], [sflag:$0x2] =	stream.indirect.gather [spmem:s1], $0x40, s5, s24, $0xb8;
	[tilespmem:$0x1EF00] =	vst v63  }
0x4b: {  	s2 =	simm.s32 $0x200  }
0x4c: {  	[tilespmem:s30], [sflag:$0x3] =	stream.indirect.gather [spmem:s1], $0x40, s2, s24, $0xb8;
	[tilespmem:$0x1EF00] =	vst v63  }
0x4d: {  	_ =	swait.ge [sflag:s18], $0x2000  }
0x4e: {  	[sflag:s18] =	ssyncset.done $0x0  }
0x4f: {  	s4 =	simm.s32 $0x80;
	[sflag:s18] =	ssyncadd.s32 $0xFFFFE000  }
0x50: {  	[spmem:s3] =	stream.indirect.scatter.add.f32 [tilespmem:s21], [sflag:$0x4], $0x40, s4, s24, $0xb8;
	[tilespmem:$0x1EF00] =	vst v63  }
0x51: {  	_ =	swait.ge [sflag:s23], $0x2000  }
0x52: {  	[sflag:s23] =	ssyncset.done $0x0  }
0x53: {  	s5 =	simm.s32 $0x180;
	[sflag:s23] =	ssyncadd.s32 $0xFFFFE000  }
0x54: {  	[spmem:s3] =	stream.indirect.scatter.add.f32 [tilespmem:s28], [sflag:$0x4], $0x40, s5, s24, $0xb8;
	[tilespmem:$0x1EF00] =	vst v63  }
0x55: {  	_ =	swait.ge [sflag:s31], $0x2000  }
0x56: {  	[sflag:s31] =	ssyncset.done $0x0  }
0x57: {  	s2 =	simm.s32 $0x280;
	[sflag:s31] =	ssyncadd.s32 $0xFFFFE000  }
0x58: {  	[spmem:s3] =	stream.indirect.scatter.add.f32 [tilespmem:s30], [sflag:$0x4], $0x40, s2, s24, $0xb8;
	[tilespmem:$0x1EF00] =	vst v63  }
0x59: {  	_ =	swait.ge [sflag:s22], $0x2000  }
0x5a: {  	[sflag:s22] =	ssyncset.done $0x0  }
0x5b: {  	s4 =	simm.s32 $0x300;
	[sflag:s22] =	ssyncadd.s32 $0xFFFFE000  }
0x5c: {  	[tilespmem:s21], [sflag:$0x1] =	stream.indirect.gather [spmem:s1], $0x40, s4, s24, $0xb8;
	[tilespmem:$0x1EF00] =	vst v63  }
0x5d: {  	_ =	swait.ge [sflag:s22], $0x2000  }
0x5e: {  	[sflag:s22] =	ssyncset.done $0x0  }
0x5f: {  	s5 =	simm.s32 $0x400;
	[sflag:s22] =	ssyncadd.s32 $0xFFFFE000  }
0x60: {  	[tilespmem:s28], [sflag:$0x2] =	stream.indirect.gather [spmem:s1], $0x40, s5, s24, $0xb8;
	[tilespmem:$0x1EF00] =	vst v63  }
0x61: {  	_ =	swait.ge [sflag:s22], $0x2000  }
0x62: {  	[sflag:s22] =	ssyncset.done $0x0  }
0x63: {  	s0 =	simm.s32 $0xC00;
	s2 =	simm.s32 $0x500;
	[sflag:s22] =	ssyncadd.s32 $0xFFFFE000  }
.LBB2_4:
0x64: {  	[tilespmem:s30], [sflag:$0x3] =	stream.indirect.gather [spmem:s1], $0x40, s2, s24, $0xb8;
	[tilespmem:$0x1EF00] =	vst v63  }
0x65: {  	s2 =	smov.u32 s0  }
0x66: {  	p1 =	sne.s32 s0, $0x12000;
	s0 =	sadd.s32 $0xC00, s0;
	_ =	swait.ge [sflag:s18], $0x2000  }
0x67: {  	s2 =	sshra.s32 s2, $0x2;
	[sflag:s18] =	ssyncset.done $0x0  }
0x68: {  	s4 =	sadd.s32 $0x80, s2;
	[sflag:s18] =	ssyncadd.s32 $0xFFFFE000  }
0x69: {  	[spmem:s3] =	stream.indirect.scatter.add.f32 [tilespmem:s21], [sflag:$0x4], $0x40, s4, s24, $0xb8;
	[tilespmem:$0x1EF00] =	vst v63  }
0x6a: {  	_ =	swait.ge [sflag:s23], $0x2000  }
0x6b: {  	[sflag:s23] =	ssyncset.done $0x0  }
0x6c: {  	s4 =	sadd.s32 $0x180, s2;
	[sflag:s23] =	ssyncadd.s32 $0xFFFFE000  }
0x6d: {  	[spmem:s3] =	stream.indirect.scatter.add.f32 [tilespmem:s28], [sflag:$0x4], $0x40, s4, s24, $0xb8;
	[tilespmem:$0x1EF00] =	vst v63  }
0x6e: {  	_ =	swait.ge [sflag:s31], $0x2000  }
0x6f: {  	[sflag:s31] =	ssyncset.done $0x0  }
0x70: {  	s4 =	sadd.s32 $0x280, s2;
	[sflag:s31] =	ssyncadd.s32 $0xFFFFE000  }
0x71: {  	[spmem:s3] =	stream.indirect.scatter.add.f32 [tilespmem:s30], [sflag:$0x4], $0x40, s4, s24, $0xb8;
	[tilespmem:$0x1EF00] =	vst v63  }
0x72: {  	_ =	swait.ge [sflag:s22], $0x2000  }
0x73: {  	[sflag:s22] =	ssyncset.done $0x0  }
0x74: {  	s4 =	sadd.s32 $0x300, s2;
	[sflag:s22] =	ssyncadd.s32 $0xFFFFE000  }
0x75: {  	[tilespmem:s21], [sflag:$0x1] =	stream.indirect.gather [spmem:s1], $0x40, s4, s24, $0xb8;
	[tilespmem:$0x1EF00] =	vst v63  }
0x76: {  	_ =	swait.ge [sflag:s22], $0x2000  }
0x77: {  	[sflag:s22] =	ssyncset.done $0x0  }
.Ltmp1:
0x78: {  	s4 =	sadd.s32 $0x400, s2;
	[sflag:s22] =	ssyncadd.s32 $0xFFFFE000;
	(pc) =	sbr.rel @p1 .LBB2_4-.Ltmp1, $4  }
0x79: {  	[tilespmem:s28], [sflag:$0x2] =	stream.indirect.gather [spmem:s1], $0x40, s4, s24, $0xb8;
	[tilespmem:$0x1EF00] =	vst v63  }
0x7a: {  	_ =	swait.ge [sflag:s22], $0x2000  }
0x7b: {  	[sflag:s22] =	ssyncset.done $0x0  }
0x7c: {  	s2 =	sadd.s32 $0x500, s2;
	[sflag:s22] =	ssyncadd.s32 $0xFFFFE000  }
0x7d: {  	[tilespmem:s30], [sflag:$0x3] =	stream.indirect.gather [spmem:s1], $0x40, s2, s24, $0xb8;
	[tilespmem:$0x1EF00] =	vst v63  }
0x7e: {  	_ =	swait.ge [sflag:s18], $0x2000  }
0x7f: {  	[sflag:s18] =	ssyncset.done $0x0  }
0x80: {  	s0 =	simm.s32 $0x4B80;
	[sflag:s18] =	ssyncadd.s32 $0xFFFFE000  }
0x81: {  	[spmem:s3] =	stream.indirect.scatter.add.f32 [tilespmem:s21], [sflag:$0x4], $0x40, s0, s24, $0xb8;
	[tilespmem:$0x1EF00] =	vst v63  }
0x82: {  	_ =	swait.ge [sflag:s23], $0x2000  }
0x83: {  	[sflag:s23] =	ssyncset.done $0x0  }
0x84: {  	s2 =	simm.s32 $0x4C80;
	[sflag:s23] =	ssyncadd.s32 $0xFFFFE000  }
0x85: {  	[spmem:s3] =	stream.indirect.scatter.add.f32 [tilespmem:s28], [sflag:$0x4], $0x40, s2, s24, $0xb8;
	[tilespmem:$0x1EF00] =	vst v63  }
0x86: {  	_ =	swait.ge [sflag:s31], $0x2000  }
0x87: {  	[sflag:s31] =	ssyncset.done $0x0  }
0x88: {  	s4 =	simm.s32 $0x4D80;
	[sflag:s31] =	ssyncadd.s32 $0xFFFFE000  }
0x89: {  	[spmem:s3] =	stream.indirect.scatter.add.f32 [tilespmem:s30], [sflag:$0x4], $0x40, s4, s24, $0xb8;
	[tilespmem:$0x1EF00] =	vst v63  }
0x8a: {  	_ =	swait.ge [sflag:s22], $0x2000  }
0x8b: {  	[sflag:s22] =	ssyncset.done $0x0  }
0x8c: {  	[sflag:s22] =	ssyncadd.s32 $0xFFFFE000  }
0x8d: {  	_ =	swait.ge [sflag:s22], $0x2000  }
0x8e: {  	[sflag:s22] =	ssyncset.done $0x0  }
0x8f: {  	[sflag:s22] =	ssyncadd.s32 $0xFFFFE000  }
0x90: {  	_ =	swait.ge [sflag:s22], $0x2000  }
0x91: {  	s0 =	simm.s32 @!p0 $0x80;
	[sflag:s22] =	ssyncset.done $0x0  }
0x92: {  	s2 =	simm.s32 @!p0 $0x4E00;
	s4 =	simm.s32 @!p0 $0x4F00;
	[sflag:s22] =	ssyncadd.s32 $0xFFFFE000  }
0x93: {  	[tilespmem:s4], [sflag:$0x5] =	stream.indirect.gather @!p0 [spmem:s1], $0x40, s2, s0, $0xb8;
	[tilespmem:$0x1EF00] =	vst v63  }
0x94: {  	s2 =	simm.s32 @!p0 $0x5  }
0x95: {  	_ =	swait.ge @!p0 [sflag:s2], $0x2000  }
0x96: {  	[sflag:s2] =	ssyncset.done @!p0 $0x0  }
0x97: {  	s5 =	simm.s32 @!p0 $0x4E80;
	[sflag:s2] =	ssyncadd.s32 @!p0 $0xFFFFE000  }
0x98: {  	[spmem:s3] =	stream.indirect.scatter.add.f32 @!p0 [tilespmem:s4], [sflag:$0x5], $0x40, s5, s0, $0xb8;
	[tilespmem:$0x1EF00] =	vst v63  }
0x99: {  	_ =	swait.ge @!p0 [sflag:s2], $0x2000  }
0x9a: {  	s29 =	sadd.s32 $0x1, s29;
	[sflag:s2] =	ssyncset.done @!p0 $0x0  }
0x9b: {  	p1 =	sne.s32 s29, s12;
	[sflag:s2] =	ssyncadd.s32 @!p0 $0xFFFFE000  }
.Ltmp2:
0x9c: {  	s5 =	sor.u32 $0x1C05, s7;
	[bflag:$0x0] =	sbarrier.arrive $0xFFFF;
	(pc) =	sbr.rel @p1 .LBB2_1-.Ltmp2, $4  }
0x9d: {  	[hbm:s11@s20], [sflag:s5] =	dma.strided [spmem:s25@s19], $0x1400, s18, $0x8   }
0x9e: {  	_ =	swait.ge [sflag:s26], $0x1400  }
0x9f: {  	[sflag:s26] =	ssyncset.done $0x0  }
0xa0: {  	[sflag:s26] =	ssyncadd.s32 $0xFFFFEC00  }
0xa1: {  	_ =	sfence.sel $0x180000  }
0xa2: {  	[bflag:$0x0] =	sbarrier.arrive $0xFFFF  }
0xa3: {  	_ =	strace $0x9000004D  }
0xa4: {  	s0 =	stileid.u32;
	[bflag:$0x2] =	sbarrier.arrive $0xFFFF  }
0xa5: {  	p0 =	sne.s32 s0, $0x0;
	s0 =	rddreg [dreg:$0x4]  }
0xa6: {  	s0 =	sadd.s32 @!p0 $0x100000, s0  }
0xa7: {  	[sflag:s0] =	ssyncadd.tile.s32 @!p0 $0x1;
	_ =	shalt  }
.Lfunc_end2:
_tile_overlayer_lowered:
.L_overlay_start_2:
0xa8: {  	(tag) =	ssettag $0x2  }
0xa9: {  	s0 =	rddreg [dreg:$0x0];
	s2 =	stileid.u32  }
0xaa: {  	s1 =	rddreg [dreg:$0x1];
	p0 =	sne.s32 s2, $0x0  }
0xab: {  	s3 =	rddreg [dreg:$0x2];
	[bflag:$0x3] =	sbarrier.arrive $0xFFFF;
	s2 =	simm.s32 @!p0 $0x1C05  }
0xac: {  	[timem:s3], [sflag:s2] =	dma.local @!p0 [hbm:s0], s1  }
0xad: {  	s0 =	simm.s32 @!p0 $0x5  }
0xae: {  	_ =	swait.ge @!p0 [sflag:s0], s1  }
0xaf: {  	s1 =	ssub.s32 @!p0 $0x0, s1;
	[sflag:s0] =	ssyncset.done @!p0 $0x0  }
0xb0: {  	[sflag:s0] =	ssyncadd.s32 @!p0 s1  }
0xb1: {  	[bflag:$0x3] =	sbarrier.arrive $0xFFFF  }
0xb2: {  	_ =	shalt  }

// kernel: kernel.20.cloned.1.call-start
scs
__scs_entry_jumppad:
0x0: {  	(pc) =	sbr.rel $0x88, $3  }
0x1: {  	(tag) =	ssettag $0x0;
	lr =	simm.s32 $0x1  }
0x2: {  	[smem:$0x3F96] =	sst lr;
	_ =	strace $0xD0000000  }
0x3: {  	_ = 	snop  }
0x4: {  	_ = 	snop  }
0x5: {  	_ = 	snop  }
0x6: {  	_ = 	snop  }
0x7: {  	_ = 	snop  }
__scs_overlays_trampoline_lowered:
0x8: {  	[smem:$0x3FA5] =	sst s0  }
0x9: {  	[smem:$0x3FA6] =	sst s1  }
0xa: {  	[smem:$0x3FA7] =	sst s2  }
0xb: {  	[smem:$0x3FA8] =	sst s3  }
0xc: {  	[smem:$0x3FA9] =	sst s4  }
0xd: {  	[smem:$0x3FAA] =	sst s5  }
0xe: {  	[smem:$0x3FAB] =	sst s6  }
0xf: {  	[smem:$0x3FAC] =	sst s7  }
0x10: {  	[smem:$0x3FAD] =	sst s8  }
0x11: {  	[smem:$0x3FAE] =	sst s9;
	s0 =	simm.s32 @!p0 $0x0  }
0x12: {  	s1 =	sld [smem:$0x3F94];
	s0 =	simm.s32 @p0 $0x1  }
0x13: {  	[smem:$0x3FAF] =	sst s0;
	s0 =	simm.s32 @!p1 $0x0  }
0x14: {  	s2 =	sld [smem:$0x3F93];
	s0 =	simm.s32 @p1 $0x1  }
0x15: {  	[smem:$0x3FB0] =	sst s0;
	s0 =	simm.s32 @!p2 $0x0  }
0x16: {  	s3 =	sld [smem:$0x3FDB];
	s0 =	simm.s32 @p2 $0x1  }
0x17: {  	s4 =	simm.s32 $0x1BF5;
	[smem:$0x3FB2] =	sst s0  }
0x18: {  	s0 =	sld [smem:$0x3F95];
	_ =	swait.ge [sflag:s4], $0x0  }
0x19: {  	s7 =	sld [smem:$0x3F96]  }
0x1a: {  	s8 =	sadd.s32 $0xFFFFE003, lr  }
0x1b: {  	s9 =	sadd.s32 $0xFFFFFEF7, lr;
	s5 =	simm.s32 $0xFFFFFFFF;
	p2 =	slt.u32 s8, $0xFFFFF086  }
0x1c: {  	p1 =	slt.u32 s9, $0xF7A;
	s5 =	simm.s32 @!p2 $0x0  }
0x1d: {  	s5 =	simm.s32 @p1 $0x1;
	p0 =	seq.s32 s7, s2  }
0x1e: {  	s7 =	smul.u32 @!p0 $0xF7A, s2;
	p2 =	seq.s32 @!p0 s5, $0x0  }
0x1f: {  	s9 =	smul.u32 $0xF7A, s1;
	s8 =	simm.s32 @!p0 $0x1BF5;
	p2 =	por !p2, p0  }
0x20: {  	[sflag:s8] =	ssyncset.s32 @!p0 $0xFFFFF086;
	s6 =	sadd.s32 @!p0 s3, s7;
	s7 =	simm.s32 @!p0 $0x108  }
0x21: {  	s3 =	sadd.s32 s3, s9;
	s6 =	sadd.s32 @!p0 $0x88, s6;
	s7 =	simm.s32 @p2 $0x1082  }
0x22: {  	[simem:s7], [sflag:s8] =	dma.local @!p0 [hbm:s6], $0xF7A  }
0x23: {  	s9 =	sor.u32 $0xD0000000, s2;
	s6 =	simm.s32 $0x108;
	_ =	swait.ge @!p0 [sflag:s8], $0x0  }
0x24: {  	s3 =	sadd.s32 $0x88, s3;
	s6 =	simm.s32 @!p1 $0x1082;
	[sflag:s4] =	ssyncset.s32 $0xFFFFF086  }
0x25: {  	[simem:s6], [sflag:s4] =	dma.local [hbm:s3], $0xF7A  }
0x26: {  	[smem:$0x3F96] =	sst s1;
	(tag) =	ssettag s2;
	_ =	strace s9  }
0x27: {  	s1 =	sld [smem:$0x3FA6]  }
0x28: {  	s2 =	sld [smem:$0x3FA7]  }
0x29: {  	s4 =	sld [smem:$0x3FA9]  }
0x2a: {  	p0 =	seq.s32 s5, $0x0;
	s5 =	sld [smem:$0x3FAA]  }
0x2b: {  	s6 =	sld [smem:$0x3FAB]  }
0x2c: {  	s7 =	sld [smem:$0x3FAC]  }
0x2d: {  	s3 =	simm.s32 $0x108;
	s8 =	sld [smem:$0x3FAD]  }
0x2e: {  	s3 =	simm.s32 @!p0 $0x1082;
	s9 =	sld [smem:$0x3FAE]  }
0x2f: {  	lr =	sadd.s32 s0, s3;
	s0 =	sld [smem:$0x3FA5]  }
0x30: {  	s3 =	sld [smem:$0x3FA8]  }
0x31: {  	[smem:$0x3FB1] =	sst s10  }
0x32: {  	s10 =	sld [smem:$0x3FAF];
	_ =	sdelay $0x3  }
0x33: {  	p0 =	seq.s32 s10, $0x1;
	s10 =	sld [smem:$0x3FB1];
	_ =	sdelay $0x3  }
0x34: {  	[smem:$0x3FB1] =	sst s10  }
0x35: {  	s10 =	sld [smem:$0x3FB0];
	_ =	sdelay $0x3  }
0x36: {  	p1 =	seq.s32 s10, $0x1;
	s10 =	sld [smem:$0x3FB1];
	_ =	sdelay $0x3  }
0x37: {  	[smem:$0x3FB1] =	sst s10  }
0x38: {  	s10 =	sld [smem:$0x3FB2]  }
0x39: {  	_ = 	snop;
	(pc) =	sbr.ind lr, $3  }
0x3a: {  	_ = 	snop  }
0x3b: {  	_ = 	snop  }
0x3c: {  	p2 =	seq.s32 s10, $0x1;
	s10 =	sld [smem:$0x3FB1]  }
0x3d: {  	_ =	shalt  }
0x3e: {  	_ =	shalt  }
0x3f: {  	_ =	shalt  }
0x40: {  	_ =	shalt  }
0x41: {  	_ =	shalt  }
0x42: {  	_ =	shalt  }
0x43: {  	_ =	shalt  }
0x44: {  	_ =	shalt  }
0x45: {  	_ =	shalt  }
0x46: {  	_ =	shalt  }
0x47: {  	_ =	shalt  }
0x48: {  	_ =	shalt  }
0x49: {  	_ =	shalt  }
0x4a: {  	_ =	shalt  }
0x4b: {  	_ =	shalt  }
0x4c: {  	_ =	shalt  }
0x4d: {  	_ =	shalt  }
0x4e: {  	_ =	shalt  }
0x4f: {  	_ =	shalt  }
0x50: {  	_ =	shalt  }
0x51: {  	_ =	shalt  }
0x52: {  	_ =	shalt  }
0x53: {  	_ =	shalt  }
0x54: {  	_ =	shalt  }
0x55: {  	_ =	shalt  }
0x56: {  	_ =	shalt  }
0x57: {  	_ =	shalt  }
0x58: {  	_ =	shalt  }
0x59: {  	_ =	shalt  }
0x5a: {  	_ =	shalt  }
0x5b: {  	_ =	shalt  }
0x5c: {  	_ =	shalt  }
0x5d: {  	_ =	shalt  }
0x5e: {  	_ =	shalt  }
0x5f: {  	_ =	shalt  }
0x60: {  	_ =	shalt  }
0x61: {  	_ =	shalt  }
0x62: {  	_ =	shalt  }
0x63: {  	_ =	shalt  }
0x64: {  	_ =	shalt  }
0x65: {  	_ =	shalt  }
0x66: {  	_ =	shalt  }
0x67: {  	_ =	shalt  }
0x68: {  	_ =	shalt  }
0x69: {  	_ =	shalt  }
0x6a: {  	_ =	shalt  }
0x6b: {  	_ =	shalt  }
0x6c: {  	_ =	shalt  }
0x6d: {  	_ =	shalt  }
0x6e: {  	_ =	shalt  }
0x6f: {  	_ =	shalt  }
0x70: {  	_ =	shalt  }
0x71: {  	_ =	shalt  }
0x72: {  	_ =	shalt  }
0x73: {  	_ =	shalt  }
0x74: {  	_ =	shalt  }
0x75: {  	_ =	shalt  }
0x76: {  	_ =	shalt  }
0x77: {  	_ =	shalt  }
0x78: {  	_ =	shalt  }
0x79: {  	_ =	shalt  }
0x7a: {  	_ =	shalt  }
0x7b: {  	_ =	shalt  }
0x7c: {  	_ =	shalt  }
0x7d: {  	_ =	shalt  }
0x7e: {  	_ =	shalt  }
0x7f: {  	_ =	shalt  }
0x80: {  	_ =	shalt  }
0x81: {  	_ =	shalt  }
0x82: {  	_ =	shalt  }
0x83: {  	_ =	shalt  }
0x84: {  	_ =	shalt  }
0x85: {  	_ =	shalt  }
0x86: {  	_ =	shalt  }
0x87: {  	_ =	shalt  }
.Lfunc_end0:
.L_simem_size_0:
called_computation.3_lowered:
.L_overlay_start_0:
0x88: {  	s2 =	sld [smem:$0x3FD9]  }
0x89: {  	s3 =	sld [smem:$0x3FFE];
	_ =	sdelay $0x1  }
0x8a: {  	s1 =	srdreg.scid  }
0x8b: {  	s0 =	sand.u32 $0x1, s1  }
0x8c: {  	s17 =	sshll.u32 s0, $0xA;
	s2 =	sadd.s32 s3, s2  }
0x8d: {  	s2 =	sadd.s32 s2, s17  }
0x8e: {  	[smem:$0x3FBD] =	sst s2  }
0x8f: {  	_ = 	snop  }
0x90: {  	s2 =	sld [smem:$0x3FC8];
	(tm) =	ssettm $0x1  }
0x91: {  	s18 =	sld [smem:$0x3FFB];
	_ =	sdelay $0x3  }
0x92: {  	_ =	strace s18  }
0x93: {  	s3 =	sld [smem:$0x3FFC];
	_ =	sdelay $0x3  }
0x94: {  	_ =	strace s3  }
0x95: {  	s3 =	sld [smem:$0x3FFD];
	_ =	sdelay $0x3  }
0x96: {  	_ =	strace s3  }
0x97: {  	_ =	strace $0x8FFFFFFF  }
0x98: {  	s19 =	sld [smem:$0x3FDB];
	_ =	sdelay $0x1  }
0x99: {  	s4 =	simm.s32 $_scs_section_size  }
0x9a: {  	s5 =	simm.s32 $_size__tile_overlayer_lowered;
	s6 =	simm.s32 $_tile_overlayer_lowered  }
0x9b: {  	s22 =	simm.s32 $0x1BFF;
	s21 =	sshll.u32 s6, $0x1;
	s3 =	sadd.s32 s4, s19  }
0x9c: {  	s7 =	simm.s32 $0x0;
	s20 =	sshll.u32 s5, $0x1;
	s5 =	sadd.s32 s21, s3  }
0x9d: {  	[timem:s7], [sflag:s22] =	dma.local [hbm:s5], s20  }
0x9e: {  	_ =	swait.ge [sflag:s22], s20  }
0x9f: {  	s4 =	ssub.s32 $0x0, s20;
	[sflag:s22] =	ssyncset.done $0x0  }
0xa0: {  	[sflag:s22] =	ssyncadd.s32 s4;
	_ =	sdelay $0x1  }
0xa1: {  	s23 =	simm.s32 $0x1B8B  }
0xa2: {  	_ =	swait.ge [sflag:s23], $0x1  }
0xa3: {  	[sflag:s23] =	ssyncset.done $0x0  }
0xa4: {  	s25 =	simm.s32 $0x1B8E;
	s24 =	sld [smem:$0x3FFE];
	[sflag:s23] =	ssyncadd.s32 $0xFFFFFFFF  }
0xa5: {  	s26 =	simm.s32 $execute0_lowered;
	[smem:$0x3FD2] =	sst s25  }
0xa6: {  	s5 =	sshll.u32 s26, $0x1;
	_ =	strace $0x8000004F;
	[dreg:$0x1] =	wrdreg $0xFFFFFFFF  }
0xa7: {  	s28 =	simm.s32 $_size_execute0_lowered;
	s3 =	sadd.s32 s3, s5;
	[dreg:$0x0] =	wrdreg $0x0  }
0xa8: {  	s5 =	sshll.u32 s28, $0x1;
	[dreg:$0x2] =	wrdreg s3  }
0xa9: {  	[dreg:$0x3] =	wrdreg s5  }
0xaa: {  	[dreg:$0x4] =	wrdreg $0xC0  }
0xab: {  	_ =	task [dreg:s7], $0x5FFFF  }
0xac: {  	[dreg:$0x1] =	wrdreg $0xFFFFFFFF  }
0xad: {  	[dreg:$0x0] =	wrdreg $0x60  }
0xae: {  	[dreg:$0x2] =	wrdreg s24  }
0xaf: {  	[dreg:$0x3] =	wrdreg s2  }
0xb0: {  	[dreg:$0x4] =	wrdreg $0x14F000  }
0xb1: {  	[dreg:$0x5] =	wrdreg $0xAF000  }
0xb2: {  	[dreg:$0x6] =	wrdreg $0x9  }
0xb3: {  	_ =	task.clear_ibuf [dreg:s7], $0x7FFFF;
	_ =	strace $0x9000004F  }
0xb4: {  	s29 =	simm.s32 $0x9;
	_ =	strace $0x80000051  }
0xb5: {  	_ =	swait.ge [sflag:s29], $0x1  }
0xb6: {  	[sflag:s29] =	ssyncadd.s32 $0xFFFFFFFF  }
0xb7: {  	_ =	strace $0x90000051  }
0xb8: {  	_ =	sfence  }
0xb9: {  	s30 =	sld [smem:$0x0];
	_ =	sdelay $0x2  }
0xba: {  	s31 =	sshll.u32 s1, $0xD;
	s1 =	sshrl.u32 s1, $0x2  }
0xbb: {  	s3 =	sand.u32 $0x4000, s31;
	s1 =	sadd.s32 s1, s30  }
0xbc: {  	s0 =	sor.u32 s3, s0;
	s1 =	sshll.u32 s1, $0x11  }
0xbd: {  	s0 =	sor.u32 s1, s0  }
0xbe: {  	s0 =	sadd.s32 $0x8F2B, s0  }
0xbf: {  	[sflag:s0] =	ssyncadd.remote.s32 $0x1  }
0xc0: {  	_ =	sfence.sel $0xFFFF  }
0xc1: {  	[dreg:$0x0] =	wrdreg $0xFFFFFFFF;
	(pc) =	sbr.abs _section_cstart, $3  }
0xc2: {  	[dreg:$0x1] =	wrdreg $0xFFFFFFFF  }
0xc3: {  	_ =	task.clear_ibuf [dreg:s7], $0x2FFFF;
	_ =	strace $0x9FFFFFFF  }
0xc4: {  	(tm) =	ssettm $0x7FFFFFFF  }
0xc5: {  	_ =	shalt  }
tec
execute0_lowered:
.L_overlay_start_1:
0x0: {  	(tag) =	ssettag $0x1  }
0x1: {  	s0 =	rddreg [dreg:$0x0]  }
0x2: {  	s2 =	rddreg [dreg:$0x1]  }
0x3: {  	s1 =	rddreg [dreg:$0x2]  }
0x4: {  	s3 =	rddreg [dreg:$0x3]  }
0x5: {  	s4 =	simm.s32 $0x0;
	s21 =	stileid.u32;
	s5 =	srdreg.scid  }
0x6: {  	s18 =	simm.s32 $0x1;
	s19 =	simm.s32 $0x8;
	s28 =	simm.s32 $0x6F00  }
0x7: {  	s30 =	simm.s32 $0x8F00;
	s31 =	simm.s32 $0x3;
	s20 =	smul.u32 $0x14000, s21  }
0x8: {  	s29 =	simm.s32 $0x0;
	[smem:$0x7FF] =	sst s4;
	s12 =	smul.u32 $0xA000, s21  }
0x9: {  	s5 =	sand.u32 $0x1, s5;
	s8 =	sshll.u32 s21, $0x1;
	s25 =	smul.u32 $0x28000, s21  }
0xa: {  	p0 =	sgt.u32 s21, $0x1;
	_ =	strace $0x80000050;
	s7 =	sshll.u32 s5, $0x6  }
0xb: {  	s22 =	sor.u32 s5, s8;
	s5 =	ssub.s32 $0x2, s5;
	s6 =	sshrl.u32 s20, $0x3  }
0xc: {  	s4 =	sor.u32 s7, s20;
	s8 =	smul.u32 $0x9C0, s22;
	s23 =	sshrl.u32 s5, $0x1  }
0xd: {  	s17 =	sadd.s32 s12, s1;
	s9 =	sshll.u32 s22, $0x5;
	s7 =	sshll.u32 s21, $0x6  }
0xe: {  	s10 =	sshrl.u32 s25, $0x2;
	s26 =	sadd.s32 s12, s3;
	s20 =	simm.s32 $0x10  }
0xf: {  	s21 =	simm.s32 $0x4F00;
	s22 =	simm.s32 $0x4;
	s6 =	sadd.s32 s6, s0  }
0x10: {  	s4 =	sshrl.u32 s4, $0x3;
	s17 =	sshrl.u32 s17, $0x3;
	s25 =	sshrl.u32 s26, $0x3  }
0x11: {  	s26 =	simm.s32 $0x5;
	s0 =	sadd.s32 s4, s0;
	s4 =	ssub.s32 s5, s23  }
0x12: {  	s24 =	sadd.s32 s2, s8;
	s6 =	sadd.s32 $0x4C00, s6;
	s2 =	sadd.s32 s9, s2  }
0x13: {  	s8 =	sor.u32 $0x1C02, s7;
	s9 =	sadd.s32 s10, s3;
	s23 =	simm.s32 $0x2  }
0x14: {  	[dreg:$0x5] =	wrdreg s24;
	s10 =	sadd.s32 $0x13800, s2;
	s11 =	sadd.s32 $0x7CC00, s0  }
0x15: {  	s12 =	smax.u32 s4, $0x1;
	s13 =	sadd.s32 $0x2000, s9;
	s14 =	sadd.s32 $0x4000, s9  }
0x16: {  	v0 =	vimm.f32 $0.0e+00;
	s15 =	sadd.s32 $0x6000, s9;
	s16 =	sadd.s32 $0x8000, s9;
	s24 =	simm.s32 $0x80  }
.LBB2_1:
0x17: {  	s0 =	simm.s32 $0x0;
	s2 =	rddreg [dreg:$0x5]  }
0x18: {  	[tilespmem:s0], [sflag:$0x1] =	stream.linear.gather [hbm4b:s2+s0], $0x4E00, $0x38;
	[tilespmem:$0x1EF00] =	vst v63  }
0x19: {  	s2 =	simm.s32 $0x100;
	s0 =	simm.s32 $0x0  }
0x1a: {  	[spmem:s17@s19], [sflag:s8] =	dma.strided [hbm:s6@s20], $0x1400, s18, $0x8   }
.LBB2_2:
0x1b: {  	p1 =	sne.s32 s2, $0x7F00;
	[tilespmem:s0+$0x4F30] =	vst v0;
	s4 =	smov.u32 s2;
	s2 =	sadd.s32 $0x100, s2  }
.Ltmp0:
0x1c: {  	[tilespmem:s0+$0x4F20] =	vst v0;
	(pc) =	sbr.rel @p1 .LBB2_2-.Ltmp0, $3  }
0x1d: {  	[tilespmem:s0+$0x4F00] =	vst v0  }
0x1e: {  	[tilespmem:s0+$0x4F10] =	vst v0;
	_ =	sdelay $0x1  }
0x1f: {  	s0 =	sshra.s32 s4, $0x2  }
0x20: {  	[tilespmem:s0+$0x4F30] =	vst v0  }
0x21: {  	[tilespmem:s0+$0x4F20] =	vst v0  }
0x22: {  	[tilespmem:s0+$0x4F00] =	vst v0  }
0x23: {  	[tilespmem:s0+$0x4F10] =	vst v0  }
0x24: {  	[spmem:s9] =	stream.linear.scatter [tilespmem:s21], [sflag:$0x4], $0x2000, $0x38;
	[tilespmem:$0x1EF00] =	vst v63  }
0x25: {  	_ = 	snop  }
0x26: {  	[spmem:s13] =	stream.linear.scatter [tilespmem:s21], [sflag:$0x4], $0x2000, $0x38;
	[tilespmem:$0x1EF00] =	vst v63  }
0x27: {  	_ = 	snop  }
0x28: {  	[spmem:s14] =	stream.linear.scatter [tilespmem:s21], [sflag:$0x4], $0x2000, $0x38;
	[tilespmem:$0x1EF00] =	vst v63  }
0x29: {  	_ = 	snop  }
0x2a: {  	[spmem:s15] =	stream.linear.scatter [tilespmem:s21], [sflag:$0x4], $0x2000, $0x38;
	[tilespmem:$0x1EF00] =	vst v63  }
0x2b: {  	_ = 	snop  }
0x2c: {  	[spmem:s16] =	stream.linear.scatter [tilespmem:s21], [sflag:$0x4], $0x2000, $0x38;
	[tilespmem:$0x1EF00] =	vst v63  }
0x2d: {  	_ =	swait.ge [sflag:s22], $0x2000  }
0x2e: {  	[sflag:s22] =	ssyncset.done $0x0  }
0x2f: {  	[sflag:s22] =	ssyncadd.s32 $0xFFFFE000  }
0x30: {  	_ =	swait.ge [sflag:s22], $0x2000  }
0x31: {  	[sflag:s22] =	ssyncset.done $0x0  }
0x32: {  	[sflag:s22] =	ssyncadd.s32 $0xFFFFE000  }
0x33: {  	_ =	swait.ge [sflag:s22], $0x2000  }
0x34: {  	[sflag:s22] =	ssyncset.done $0x0  }
0x35: {  	[sflag:s22] =	ssyncadd.s32 $0xFFFFE000  }
0x36: {  	_ =	swait.ge [sflag:s22], $0x2000  }
0x37: {  	[sflag:s22] =	ssyncset.done $0x0  }
0x38: {  	[sflag:s22] =	ssyncadd.s32 $0xFFFFE000  }
0x39: {  	_ =	swait.ge [sflag:s22], $0x2000  }
0x3a: {  	[sflag:s22] =	ssyncset.done $0x0  }
0x3b: {  	[sflag:s22] =	ssyncadd.s32 $0xFFFFE000  }
0x3c: {  	_ =	swait.ge [sflag:s18], $0x4E00  }
0x3d: {  	[sflag:s18] =	ssyncset.done $0x0  }
0x3e: {  	s0 =	simm.s32 @!p0 $0x0;
	s2 =	simm.s32 @!p0 $0x4E00;
	[sflag:s18] =	ssyncadd.s32 $0xFFFFB200  }
0x3f: {  	[tilespmem:s2], [sflag:$0x5] =	stream.linear.gather @!p0 [hbm4b:s10+s0], $0x100, $0x38;
	[tilespmem:$0x1EF00] =	vst v63  }
0x40: {  	s0 =	simm.s32 @!p0 $0x5  }
0x41: {  	_ =	swait.ge @!p0 [sflag:s0], $0x100  }
0x42: {  	[sflag:s0] =	ssyncset.done @!p0 $0x0  }
0x43: {  	[sflag:s0] =	ssyncadd.s32 @!p0 $0xFFFFFF00  }
0x44: {  	_ =	swait.ge [sflag:s23], $0x1400  }
0x45: {  	[sflag:s23] =	ssyncset.done $0x0  }
0x46: {  	[sflag:s23] =	ssyncadd.s32 $0xFFFFEC00  }
0x47: {  	s4 =	simm.s32 $0x0;
	[bflag:$0x0] =	sbarrier.arrive $0xFFFF  }
0x48: {  	[tilespmem:s21], [sflag:$0x1] =	stream.indirect.gather [spmem:s1], $0x40, s4, s24, $0xb8;
	[tilespmem:$0x1EF00] =	vst v63  }
0x49: {  	s5 =	simm.s32 $0x100  }
0x4a: {  	[tilespmem:s28], [sflag:$0x2] =	stream.indirect.gather [spmem:s1], $0x40, s5, s24, $0xb8;
	[tilespmem:$0x1EF00] =	vst v63  }
0x4b: {  	s2 =	simm.s32 $0x200  }
0x4c: {  	[tilespmem:s30], [sflag:$0x3] =	stream.indirect.gather [spmem:s1], $0x40, s2, s24, $0xb8;
	[tilespmem:$0x1EF00] =	vst v63  }
0x4d: {  	_ =	swait.ge [sflag:s18], $0x2000  }
0x4e: {  	[sflag:s18] =	ssyncset.done $0x0  }
0x4f: {  	s4 =	simm.s32 $0x80;
	[sflag:s18] =	ssyncadd.s32 $0xFFFFE000  }
0x50: {  	[spmem:s3] =	stream.indirect.scatter.add.f32 [tilespmem:s21], [sflag:$0x4], $0x40, s4, s24, $0xb8;
	[tilespmem:$0x1EF00] =	vst v63  }
0x51: {  	_ =	swait.ge [sflag:s23], $0x2000  }
0x52: {  	[sflag:s23] =	ssyncset.done $0x0  }
0x53: {  	s5 =	simm.s32 $0x180;
	[sflag:s23] =	ssyncadd.s32 $0xFFFFE000  }
0x54: {  	[spmem:s3] =	stream.indirect.scatter.add.f32 [tilespmem:s28], [sflag:$0x4], $0x40, s5, s24, $0xb8;
	[tilespmem:$0x1EF00] =	vst v63  }
0x55: {  	_ =	swait.ge [sflag:s31], $0x2000  }
0x56: {  	[sflag:s31] =	ssyncset.done $0x0  }
0x57: {  	s2 =	simm.s32 $0x280;
	[sflag:s31] =	ssyncadd.s32 $0xFFFFE000  }
0x58: {  	[spmem:s3] =	stream.indirect.scatter.add.f32 [tilespmem:s30], [sflag:$0x4], $0x40, s2, s24, $0xb8;
	[tilespmem:$0x1EF00] =	vst v63  }
0x59: {  	_ =	swait.ge [sflag:s22], $0x2000  }
0x5a: {  	[sflag:s22] =	ssyncset.done $0x0  }
0x5b: {  	s4 =	simm.s32 $0x300;
	[sflag:s22] =	ssyncadd.s32 $0xFFFFE000  }
0x5c: {  	[tilespmem:s21], [sflag:$0x1] =	stream.indirect.gather [spmem:s1], $0x40, s4, s24, $0xb8;
	[tilespmem:$0x1EF00] =	vst v63  }
0x5d: {  	_ =	swait.ge [sflag:s22], $0x2000  }
0x5e: {  	[sflag:s22] =	ssyncset.done $0x0  }
0x5f: {  	s5 =	simm.s32 $0x400;
	[sflag:s22] =	ssyncadd.s32 $0xFFFFE000  }
0x60: {  	[tilespmem:s28], [sflag:$0x2] =	stream.indirect.gather [spmem:s1], $0x40, s5, s24, $0xb8;
	[tilespmem:$0x1EF00] =	vst v63  }
0x61: {  	_ =	swait.ge [sflag:s22], $0x2000  }
0x62: {  	[sflag:s22] =	ssyncset.done $0x0  }
0x63: {  	s0 =	simm.s32 $0xC00;
	s2 =	simm.s32 $0x500;
	[sflag:s22] =	ssyncadd.s32 $0xFFFFE000  }
.LBB2_4:
0x64: {  	[tilespmem:s30], [sflag:$0x3] =	stream.indirect.gather [spmem:s1], $0x40, s2, s24, $0xb8;
	[tilespmem:$0x1EF00] =	vst v63  }
0x65: {  	s2 =	smov.u32 s0  }
0x66: {  	p1 =	sne.s32 s0, $0x12000;
	s0 =	sadd.s32 $0xC00, s0;
	_ =	swait.ge [sflag:s18], $0x2000  }
0x67: {  	s2 =	sshra.s32 s2, $0x2;
	[sflag:s18] =	ssyncset.done $0x0  }
0x68: {  	s4 =	sadd.s32 $0x80, s2;
	[sflag:s18] =	ssyncadd.s32 $0xFFFFE000  }
0x69: {  	[spmem:s3] =	stream.indirect.scatter.add.f32 [tilespmem:s21], [sflag:$0x4], $0x40, s4, s24, $0xb8;
	[tilespmem:$0x1EF00] =	vst v63  }
0x6a: {  	_ =	swait.ge [sflag:s23], $0x2000  }
0x6b: {  	[sflag:s23] =	ssyncset.done $0x0  }
0x6c: {  	s4 =	sadd.s32 $0x180, s2;
	[sflag:s23] =	ssyncadd.s32 $0xFFFFE000  }
0x6d: {  	[spmem:s3] =	stream.indirect.scatter.add.f32 [tilespmem:s28], [sflag:$0x4], $0x40, s4, s24, $0xb8;
	[tilespmem:$0x1EF00] =	vst v63  }
0x6e: {  	_ =	swait.ge [sflag:s31], $0x2000  }
0x6f: {  	[sflag:s31] =	ssyncset.done $0x0  }
0x70: {  	s4 =	sadd.s32 $0x280, s2;
	[sflag:s31] =	ssyncadd.s32 $0xFFFFE000  }
0x71: {  	[spmem:s3] =	stream.indirect.scatter.add.f32 [tilespmem:s30], [sflag:$0x4], $0x40, s4, s24, $0xb8;
	[tilespmem:$0x1EF00] =	vst v63  }
0x72: {  	_ =	swait.ge [sflag:s22], $0x2000  }
0x73: {  	[sflag:s22] =	ssyncset.done $0x0  }
0x74: {  	s4 =	sadd.s32 $0x300, s2;
	[sflag:s22] =	ssyncadd.s32 $0xFFFFE000  }
0x75: {  	[tilespmem:s21], [sflag:$0x1] =	stream.indirect.gather [spmem:s1], $0x40, s4, s24, $0xb8;
	[tilespmem:$0x1EF00] =	vst v63  }
0x76: {  	_ =	swait.ge [sflag:s22], $0x2000  }
0x77: {  	[sflag:s22] =	ssyncset.done $0x0  }
.Ltmp1:
0x78: {  	s4 =	sadd.s32 $0x400, s2;
	[sflag:s22] =	ssyncadd.s32 $0xFFFFE000;
	(pc) =	sbr.rel @p1 .LBB2_4-.Ltmp1, $4  }
0x79: {  	[tilespmem:s28], [sflag:$0x2] =	stream.indirect.gather [spmem:s1], $0x40, s4, s24, $0xb8;
	[tilespmem:$0x1EF00] =	vst v63  }
0x7a: {  	_ =	swait.ge [sflag:s22], $0x2000  }
0x7b: {  	[sflag:s22] =	ssyncset.done $0x0  }
0x7c: {  	s2 =	sadd.s32 $0x500, s2;
	[sflag:s22] =	ssyncadd.s32 $0xFFFFE000  }
0x7d: {  	[tilespmem:s30], [sflag:$0x3] =	stream.indirect.gather [spmem:s1], $0x40, s2, s24, $0xb8;
	[tilespmem:$0x1EF00] =	vst v63  }
0x7e: {  	_ =	swait.ge [sflag:s18], $0x2000  }
0x7f: {  	[sflag:s18] =	ssyncset.done $0x0  }
0x80: {  	s0 =	simm.s32 $0x4B80;
	[sflag:s18] =	ssyncadd.s32 $0xFFFFE000  }
0x81: {  	[spmem:s3] =	stream.indirect.scatter.add.f32 [tilespmem:s21], [sflag:$0x4], $0x40, s0, s24, $0xb8;
	[tilespmem:$0x1EF00] =	vst v63  }
0x82: {  	_ =	swait.ge [sflag:s23], $0x2000  }
0x83: {  	[sflag:s23] =	ssyncset.done $0x0  }
0x84: {  	s2 =	simm.s32 $0x4C80;
	[sflag:s23] =	ssyncadd.s32 $0xFFFFE000  }
0x85: {  	[spmem:s3] =	stream.indirect.scatter.add.f32 [tilespmem:s28], [sflag:$0x4], $0x40, s2, s24, $0xb8;
	[tilespmem:$0x1EF00] =	vst v63  }
0x86: {  	_ =	swait.ge [sflag:s31], $0x2000  }
0x87: {  	[sflag:s31] =	ssyncset.done $0x0  }
0x88: {  	s4 =	simm.s32 $0x4D80;
	[sflag:s31] =	ssyncadd.s32 $0xFFFFE000  }
0x89: {  	[spmem:s3] =	stream.indirect.scatter.add.f32 [tilespmem:s30], [sflag:$0x4], $0x40, s4, s24, $0xb8;
	[tilespmem:$0x1EF00] =	vst v63  }
0x8a: {  	_ =	swait.ge [sflag:s22], $0x2000  }
0x8b: {  	[sflag:s22] =	ssyncset.done $0x0  }
0x8c: {  	[sflag:s22] =	ssyncadd.s32 $0xFFFFE000  }
0x8d: {  	_ =	swait.ge [sflag:s22], $0x2000  }
0x8e: {  	[sflag:s22] =	ssyncset.done $0x0  }
0x8f: {  	[sflag:s22] =	ssyncadd.s32 $0xFFFFE000  }
0x90: {  	_ =	swait.ge [sflag:s22], $0x2000  }
0x91: {  	s0 =	simm.s32 @!p0 $0x80;
	[sflag:s22] =	ssyncset.done $0x0  }
0x92: {  	s2 =	simm.s32 @!p0 $0x4E00;
	s4 =	simm.s32 @!p0 $0x4F00;
	[sflag:s22] =	ssyncadd.s32 $0xFFFFE000  }
0x93: {  	[tilespmem:s4], [sflag:$0x5] =	stream.indirect.gather @!p0 [spmem:s1], $0x40, s2, s0, $0xb8;
	[tilespmem:$0x1EF00] =	vst v63  }
0x94: {  	s2 =	simm.s32 @!p0 $0x5  }
0x95: {  	_ =	swait.ge @!p0 [sflag:s2], $0x2000  }
0x96: {  	[sflag:s2] =	ssyncset.done @!p0 $0x0  }
0x97: {  	s5 =	simm.s32 @!p0 $0x4E80;
	[sflag:s2] =	ssyncadd.s32 @!p0 $0xFFFFE000  }
0x98: {  	[spmem:s3] =	stream.indirect.scatter.add.f32 @!p0 [tilespmem:s4], [sflag:$0x5], $0x40, s5, s0, $0xb8;
	[tilespmem:$0x1EF00] =	vst v63  }
0x99: {  	_ =	swait.ge @!p0 [sflag:s2], $0x2000  }
0x9a: {  	s29 =	sadd.s32 $0x1, s29;
	[sflag:s2] =	ssyncset.done @!p0 $0x0  }
0x9b: {  	p1 =	sne.s32 s29, s12;
	[sflag:s2] =	ssyncadd.s32 @!p0 $0xFFFFE000  }
.Ltmp2:
0x9c: {  	s5 =	sor.u32 $0x1C05, s7;
	[bflag:$0x0] =	sbarrier.arrive $0xFFFF;
	(pc) =	sbr.rel @p1 .LBB2_1-.Ltmp2, $4  }
0x9d: {  	[hbm:s11@s20], [sflag:s5] =	dma.strided [spmem:s25@s19], $0x1400, s18, $0x8   }
0x9e: {  	_ =	swait.ge [sflag:s26], $0x1400  }
0x9f: {  	[sflag:s26] =	ssyncset.done $0x0  }
0xa0: {  	[sflag:s26] =	ssyncadd.s32 $0xFFFFEC00  }
0xa1: {  	_ =	sfence.sel $0x180000  }
0xa2: {  	[bflag:$0x0] =	sbarrier.arrive $0xFFFF  }
0xa3: {  	_ =	strace $0x90000050  }
0xa4: {  	s0 =	stileid.u32;
	[bflag:$0x2] =	sbarrier.arrive $0xFFFF  }
0xa5: {  	p0 =	sne.s32 s0, $0x0;
	s0 =	rddreg [dreg:$0x4]  }
0xa6: {  	s0 =	sadd.s32 @!p0 $0x100000, s0  }
0xa7: {  	[sflag:s0] =	ssyncadd.tile.s32 @!p0 $0x1;
	_ =	shalt  }
.Lfunc_end2:
_tile_overlayer_lowered:
.L_overlay_start_2:
0xa8: {  	(tag) =	ssettag $0x2  }
0xa9: {  	s0 =	rddreg [dreg:$0x0];
	s2 =	stileid.u32  }
0xaa: {  	s1 =	rddreg [dreg:$0x1];
	p0 =	sne.s32 s2, $0x0  }
0xab: {  	s3 =	rddreg [dreg:$0x2];
	[bflag:$0x3] =	sbarrier.arrive $0xFFFF;
	s2 =	simm.s32 @!p0 $0x1C05  }
0xac: {  	[timem:s3], [sflag:s2] =	dma.local @!p0 [hbm:s0], s1  }
0xad: {  	s0 =	simm.s32 @!p0 $0x5  }
0xae: {  	_ =	swait.ge @!p0 [sflag:s0], s1  }
0xaf: {  	s1 =	ssub.s32 @!p0 $0x0, s1;
	[sflag:s0] =	ssyncset.done @!p0 $0x0  }
0xb0: {  	[sflag:s0] =	ssyncadd.s32 @!p0 s1  }
0xb1: {  	[bflag:$0x3] =	sbarrier.arrive $0xFFFF  }
0xb2: {  	_ =	shalt  }

</sc_bundles>
